<compile_context>
chip_gen: v7x
topology: tpu7x:2x2x1
jax: 0.10.2.dev20260603
libtpu: 0.0.44.dev20260713+nightly
codegen_flags: <defaults>
</compile_context>

<pallas_src>
import functools

import jax
import jax.numpy as jnp
from jax import lax
from jax.experimental import pallas as pl
from jax.experimental.pallas import tpu as pltpu
from jax.experimental.pallas import tpu_sc as plsc

_TIMESTEP = 0.02
_TABLE_D = 32
_CHUNK = 125
_GROUP = 8
_NC = 2
_NS = 16
_BLOCK_NODES = 200


def _sc_gather(table, idx_chunks):
    n_chunks = idx_chunks.shape[0]
    d = table.shape[1]
    nw = _NC * _NS
    cpw = n_chunks // nw
    ngroups = cpw // _GROUP
    mesh = plsc.VectorSubcoreMesh(core_axis_name="c", subcore_axis_name="s")

    @functools.partial(
        pl.kernel,
        out_type=jax.ShapeDtypeStruct((n_chunks * _CHUNK, d), jnp.float32),
        mesh=mesh,
        compiler_params=pltpu.CompilerParams(use_tc_tiling_on_sc=False),
        scratch_types=[
            pltpu.VMEM((_GROUP, _CHUNK), jnp.int32),
            pltpu.VMEM((_GROUP * _CHUNK, d), jnp.float32),
            pltpu.SemaphoreType.DMA,
        ],
    )
    def gather_kernel(table_hbm, idx_hbm, out_hbm, idx_v, rows_v, sem):
        wid = lax.axis_index("s") * _NC + lax.axis_index("c")
        base = wid * cpw
        for g in range(ngroups):
            off = base + g * _GROUP
            pltpu.sync_copy(idx_hbm.at[pl.ds(off, _GROUP)], idx_v)
            copies = [
                pltpu.async_copy(table_hbm.at[idx_v.at[b]],
                                 rows_v.at[pl.ds(b * _CHUNK, _CHUNK)], sem)
                for b in range(_GROUP)
            ]
            for c in copies:
                c.wait()
            pltpu.sync_copy(rows_v,
                            out_hbm.at[pl.ds(off * _CHUNK, _GROUP * _CHUNK)])

    return gather_kernel(table, idx_chunks)


def _tc_forces(table, gathered, W_in, Ws, W_out, n, k, hidden, nlayers):
    blk_e = _BLOCK_NODES * k

    def body(s_ref, r_ref, win_ref, ws_ref, wout_ref, o_ref):
        s_nodes = s_ref[...]
        r = r_ref[...]
        s = jnp.broadcast_to(
            s_nodes[:, None, :], (_BLOCK_NODES, k, _TABLE_D)
        ).reshape(blk_e, _TABLE_D)
        dists = r[:, 28:29]
        diffs = s[:, 0:3] - r[:, 0:3]
        norm = diffs / jnp.maximum(dists, 0.01)
        pair = s[:, 3:27] + r[:, 3:27]
        seq = jnp.minimum(jnp.abs(s[:, 27:28] - r[:, 27:28]) / 5.0, 1.0)

        m1 = jnp.concatenate([pair, dists - 0.01, seq], axis=1)
        m2 = jnp.concatenate([pair, dists + 0.01, seq], axis=1)
        x = jnp.concatenate([m1, m2], axis=0)
        h = jnp.maximum(
            jnp.dot(x, win_ref[...], preferred_element_type=jnp.float32),
            0.0)
        for i in range(nlayers):
            t = jnp.dot(h, ws_ref[i], preferred_element_type=jnp.float32)
            h = h + jnp.maximum(t, 0.0)
        out = jnp.dot(h, wout_ref[...], preferred_element_type=jnp.float32)
        f = 50.0 * (out[0:blk_e] - out[blk_e:2 * blk_e])
        forces = f * norm
        o_ref[...] = jnp.sum(forces.reshape(_BLOCK_NODES, k, 3), axis=1)

    return pl.pallas_call(
        body,
        grid=(n // _BLOCK_NODES,),
        in_specs=[
            pl.BlockSpec((_BLOCK_NODES, _TABLE_D), lambda i: (i, 0)),
            pl.BlockSpec((blk_e, _TABLE_D), lambda i: (i, 0)),
            pl.BlockSpec((26, hidden), lambda i: (0, 0)),
            pl.BlockSpec((nlayers, hidden, hidden), lambda i: (0, 0, 0)),
            pl.BlockSpec((hidden, 1), lambda i: (0, 0)),
        ],
        out_specs=pl.BlockSpec((_BLOCK_NODES, 3), lambda i: (i, 0)),
        out_shape=jax.ShapeDtypeStruct((n, 3), jnp.float32),
    )(table, gathered, W_in, Ws, W_out)


def kernel(coords, vels, accs_last, node_f, res_numbers, nbrs,
           W_in, b_in, Ws, bs, W_out, b_out):
    n = coords.shape[0]
    k = nbrs.shape[1] - 1
    hidden = W_in.shape[1]
    nlayers = Ws.shape[0]
    ne = n * k

    coords = coords + vels * _TIMESTEP + 0.5 * accs_last * _TIMESTEP * _TIMESTEP

    pad = jnp.zeros((n, _TABLE_D - 28), dtype=jnp.float32)
    table = jnp.concatenate([coords, node_f, res_numbers, pad], axis=1)

    receivers = nbrs[:, 1:].reshape(ne // _CHUNK, _CHUNK)
    gathered = _sc_gather(table, receivers)

    s_coords = jnp.broadcast_to(
        coords[:, None, :], (n, k, 3)).reshape(ne, 3)
    diffs = s_coords - gathered[:, 0:3]
    dists = jnp.sqrt(jnp.sum(diffs * diffs, axis=1) + 1e-12)
    gathered = jnp.concatenate(
        [gathered[:, 0:28], dists.reshape(ne, 1),
         jnp.zeros((ne, _TABLE_D - 29), jnp.float32)], axis=1)

    return _tc_forces(table, gathered, W_in, Ws, W_out, n, k, hidden, nlayers)

# --- scband reference (transcript-rebuilt; emitter-appended) ---
"""Pipeline reference for scband-pbmp-18502719111866 (READ-ONLY COPY).

The authoritative reference and input builder live on the scoring server;
editing this copy changes nothing except your own understanding.
"""

import jax, jax.numpy as jnp
import numpy as np

N = 10000
K = 16
HIDDEN = 100
NLAYERS = 15
TIMESTEP = 0.02


def _resnet(x, W_in, b_in, Ws, bs, W_out, b_out):
    # ResNet-style MLP: input proj + NLAYERS residual blocks + output proj
    h = jax.nn.relu(x @ W_in + b_in)
    for i in range(NLAYERS):
        h = h + jax.nn.relu(h @ Ws[i] + bs[i])
    return h @ W_out + b_out


def setup_inputs(seed: int = 0) -> dict:
    key = jax.random.key(seed)
    ks = jax.random.split(key, 8)
    coords = jax.random.normal(ks[0], (N, 3), dtype=jnp.float32) * 10.0
    vels = jax.random.normal(ks[1], (N, 3), dtype=jnp.float32)
    accs_last = jnp.zeros((N, 3), dtype=jnp.float32)
    node_f = jax.random.normal(ks[2], (N, 24), dtype=jnp.float32)
    res_numbers = jnp.arange(N, dtype=jnp.float32).reshape(N, 1)
    # precomputed kNN neighbor lists: col 0 = self (center), cols 1..K = neighbors (no self-collisions)
    self_idx = jnp.arange(N, dtype=jnp.int64) if False else jnp.arange(N)
    offs = jax.random.randint(ks[3], (N, K), 1, N)
    nbr = (self_idx[:, None] + offs) % N
    nbrs = jnp.concatenate([self_idx[:, None], nbr], axis=1).astype(jnp.int32)
    s = 0.1
    W_in = jax.random.normal(ks[4], (26, HIDDEN), dtype=jnp.float32) * s
    b_in = jnp.zeros((HIDDEN,), dtype=jnp.float32)
    Ws = jax.random.normal(ks[5], (NLAYERS, HIDDEN, HIDDEN), dtype=jnp.float32) * s
    bs = jnp.zeros((NLAYERS, HIDDEN), dtype=jnp.float32)
    W_out = jax.random.normal(ks[6], (HIDDEN, 1), dtype=jnp.float32) * s
    b_out = jnp.zeros((1,), dtype=jnp.float32)
    return {"coords": coords, "vels": vels, "accs_last": accs_last,
            "node_f": node_f, "res_numbers": res_numbers, "nbrs": nbrs,
            "W_in": W_in, "b_in": b_in, "Ws": Ws, "bs": bs,
            "W_out": W_out, "b_out": b_out}


def reference(coords, vels, accs_last, node_f, res_numbers, nbrs,
              W_in, b_in, Ws, bs, W_out, b_out):
    # one velocity-Verlet position update step (n_steps=1)
    coords = coords + vels * TIMESTEP + 0.5 * accs_last * TIMESTEP * TIMESTEP
    senders = jnp.repeat(nbrs[:, 0], K)
    receivers = nbrs[:, 1:].reshape(N * K)
    diffs = coords[senders] - coords[receivers]
    dists = jnp.sqrt(jnp.sum(diffs * diffs, axis=1) + 1e-12)
    norm_diffs = diffs / jnp.clip(dists, 0.01, None)[:, None]
    seq_sep = jnp.abs(res_numbers[senders] - res_numbers[receivers]) / 5.0
    seq_sep = jnp.minimum(seq_sep, 1.0)
    edges1 = jnp.concatenate([dists[:, None] - 0.01, seq_sep], axis=1)
    edges2 = jnp.concatenate([dists[:, None] + 0.01, seq_sep], axis=1)
    # DistanceForces: messages = cat([atom1 + atom2, edges], dim=1) -> ResNet
    pair = node_f[senders] + node_f[receivers]
    m1 = jnp.concatenate([pair, edges1], axis=1)
    m2 = jnp.concatenate([pair, edges2], axis=1)
    f = 50.0 * (_resnet(m1, W_in, b_in, Ws, bs, W_out, b_out)
                - _resnet(m2, W_in, b_in, Ws, bs, W_out, b_out))
    forces = f * norm_diffs
    total_forces = forces.reshape(N, K, 3).sum(axis=1)
    return total_forces

if __name__ == "__main__":
    import jax
    _d = setup_inputs()
    print(jax.jit(kernel)(*tuple(_d.values())))

</pallas_src>

<mosaic_0001>
#map = affine_map<(d0, d1) -> (0, 0)>
module attributes {stable_mosaic.version = 14 : i64} {
  func.func @gather_kernel(%arg0: i32, %arg1: i32, %arg2: memref<10000x32xf32, #tpu.memory_space<hbm>>, %arg3: memref<1280x125xi32, #tpu.memory_space<hbm>>, %arg4: memref<160000x32xf32, #tpu.memory_space<hbm>>, %arg5: memref<8x125xi32, #tpu.memory_space<vmem>>, %arg6: memref<1000x32xf32, #tpu.memory_space<vmem>>, %arg7: memref<!tpu.dma_semaphore, #tpu.memory_space<semaphore_mem>>) attributes {dimension_semantics = [#tpu.dimension_semantics<core_parallel>, #tpu.dimension_semantics<subcore_parallel>], iteration_bounds = array<i64: 2, 16>, scalar_prefetch = 0 : i64, scratch_operands = 3 : i64, tpu.core_type = #tpu.core_type<sc_vector_subcore>, window_params = [{transform_indices = #map}, {transform_indices = #map}, {transform_indices = #map}]} {
    %mul3A = arith.constant 2 : i32
    %mul3A_0 = arith.muli %arg1, %mul3A : i32
    %add3A = arith.addi %mul3A_0, %arg0 : i32
    %mul3A_1 = arith.constant 40 : i32
    %mul3A_2 = arith.muli %add3A, %mul3A_1 : i32
    %add3A_3 = arith.constant 0 : i32
    %add3A_4 = arith.addi %mul3A_2, %add3A_3 : i32
    "tpu.region"() ({
      %run_scoped3A = tpu.sem_alloc : memref<!tpu.dma_semaphore, #tpu.memory_space<semaphore_mem>>
      %dma_start3A_821 = arith.constant 0 : i32
      %dma_start3A_822 = tpu.memref_slice %arg3[%add3A_4, %dma_start3A_821] : memref<1280x125xi32, #tpu.memory_space<hbm>> -> memref<8x125xi32, #tpu.memory_space<hbm>>
      %dma_start3A_823 = arith.constant 0 : i32
      %dma_start3A_824 = tpu.memref_slice %arg3[%add3A_4, %dma_start3A_823] : memref<1280x125xi32, #tpu.memory_space<hbm>> -> memref<8x125xi32, #tpu.memory_space<hbm>>
      tpu.enqueue_dma source(%dma_start3A_824 : memref<8x125xi32, #tpu.memory_space<hbm>>) target(%arg5 : memref<8x125xi32, #tpu.memory_space<vmem>>) target_semaphore(%run_scoped3A : memref<!tpu.dma_semaphore, #tpu.memory_space<semaphore_mem>>)
      %dma_wait3A_825 = arith.constant 0 : i32
      %dma_wait3A_826 = tpu.memref_slice %arg3[%add3A_4, %dma_wait3A_825] : memref<1280x125xi32, #tpu.memory_space<hbm>> -> memref<8x125xi32, #tpu.memory_space<hbm>>
      %dma_wait3A_827 = arith.constant 0 : i32
      %dma_wait3A_828 = tpu.memref_slice %arg3[%add3A_4, %dma_wait3A_827] : memref<1280x125xi32, #tpu.memory_space<hbm>> -> memref<8x125xi32, #tpu.memory_space<hbm>>
      tpu.wait_dma2 semaphore(%run_scoped3A : memref<!tpu.dma_semaphore, #tpu.memory_space<semaphore_mem>>) src(%dma_wait3A_828 : memref<8x125xi32, #tpu.memory_space<hbm>>) dst(%arg5 : memref<8x125xi32, #tpu.memory_space<vmem>>)
      tpu.yield
    }) : () -> ()
    %dma_start3A = arith.constant 0 : i32
    %dma_start3A_5 = arith.constant 0 : i32
    %dma_start3A_6 = arith.constant 0 : i32
    %dma_start3A_7 = tpu.memref_slice %arg6[%dma_start3A_5, %dma_start3A_6] : memref<1000x32xf32, #tpu.memory_space<vmem>> -> memref<125x32xf32, #tpu.memory_space<vmem>>
    %dma_start3A_8 = arith.constant 0 : i32
    %dma_start3A_9 = tpu.memref_slice %arg5[%dma_start3A, %dma_start3A_8] : memref<8x125xi32, #tpu.memory_space<vmem>> -> memref<1x125xi32, #tpu.memory_space<vmem>>
    %dma_start3A_10 = tpu.memref_squeeze %dma_start3A_9 : memref<1x125xi32, #tpu.memory_space<vmem>> -> memref<125xi32, #tpu.memory_space<vmem>>
    %dma_start3A_11 = arith.constant 0 : i32
    %dma_start3A_12 = arith.constant 0 : i32
    %dma_start3A_13 = tpu.memref_slice %arg2[%dma_start3A_11, %dma_start3A_12] : memref<10000x32xf32, #tpu.memory_space<hbm>> -> memref<10000x32xf32, #tpu.memory_space<hbm>>
    tpu.enqueue_indirect_dma source(%dma_start3A_13 : memref<10000x32xf32, #tpu.memory_space<hbm>>) target(%dma_start3A_7 : memref<125x32xf32, #tpu.memory_space<vmem>>) offsets(%dma_start3A_10 : memref<125xi32, #tpu.memory_space<vmem>>) semaphore(%arg7 : memref<!tpu.dma_semaphore, #tpu.memory_space<semaphore_mem>>)
    %dma_start3A_14 = arith.constant 1 : i32
    %dma_start3A_15 = arith.constant 125 : i32
    %dma_start3A_16 = arith.constant 0 : i32
    %dma_start3A_17 = tpu.memref_slice %arg6[%dma_start3A_15, %dma_start3A_16] : memref<1000x32xf32, #tpu.memory_space<vmem>> -> memref<125x32xf32, #tpu.memory_space<vmem>>
    %dma_start3A_18 = arith.constant 0 : i32
    %dma_start3A_19 = tpu.memref_slice %arg5[%dma_start3A_14, %dma_start3A_18] : memref<8x125xi32, #tpu.memory_space<vmem>> -> memref<1x125xi32, #tpu.memory_space<vmem>>
    %dma_start3A_20 = tpu.memref_squeeze %dma_start3A_19 : memref<1x125xi32, #tpu.memory_space<vmem>> -> memref<125xi32, #tpu.memory_space<vmem>>
    %dma_start3A_21 = arith.constant 0 : i32
    %dma_start3A_22 = arith.constant 0 : i32
    %dma_start3A_23 = tpu.memref_slice %arg2[%dma_start3A_21, %dma_start3A_22] : memref<10000x32xf32, #tpu.memory_space<hbm>> -> memref<10000x32xf32, #tpu.memory_space<hbm>>
    tpu.enqueue_indirect_dma source(%dma_start3A_23 : memref<10000x32xf32, #tpu.memory_space<hbm>>) target(%dma_start3A_17 : memref<125x32xf32, #tpu.memory_space<vmem>>) offsets(%dma_start3A_20 : memref<125xi32, #tpu.memory_space<vmem>>) semaphore(%arg7 : memref<!tpu.dma_semaphore, #tpu.memory_space<semaphore_mem>>)
    %dma_start3A_24 = arith.constant 2 : i32
    %dma_start3A_25 = arith.constant 250 : i32
    %dma_start3A_26 = arith.constant 0 : i32
    %dma_start3A_27 = tpu.memref_slice %arg6[%dma_start3A_25, %dma_start3A_26] : memref<1000x32xf32, #tpu.memory_space<vmem>> -> memref<125x32xf32, #tpu.memory_space<vmem>>
    %dma_start3A_28 = arith.constant 0 : i32
    %dma_start3A_29 = tpu.memref_slice %arg5[%dma_start3A_24, %dma_start3A_28] : memref<8x125xi32, #tpu.memory_space<vmem>> -> memref<1x125xi32, #tpu.memory_space<vmem>>
    %dma_start3A_30 = tpu.memref_squeeze %dma_start3A_29 : memref<1x125xi32, #tpu.memory_space<vmem>> -> memref<125xi32, #tpu.memory_space<vmem>>
    %dma_start3A_31 = arith.constant 0 : i32
    %dma_start3A_32 = arith.constant 0 : i32
    %dma_start3A_33 = tpu.memref_slice %arg2[%dma_start3A_31, %dma_start3A_32] : memref<10000x32xf32, #tpu.memory_space<hbm>> -> memref<10000x32xf32, #tpu.memory_space<hbm>>
    tpu.enqueue_indirect_dma source(%dma_start3A_33 : memref<10000x32xf32, #tpu.memory_space<hbm>>) target(%dma_start3A_27 : memref<125x32xf32, #tpu.memory_space<vmem>>) offsets(%dma_start3A_30 : memref<125xi32, #tpu.memory_space<vmem>>) semaphore(%arg7 : memref<!tpu.dma_semaphore, #tpu.memory_space<semaphore_mem>>)
    %dma_start3A_34 = arith.constant 3 : i32
    %dma_start3A_35 = arith.constant 375 : i32
    %dma_start3A_36 = arith.constant 0 : i32
    %dma_start3A_37 = tpu.memref_slice %arg6[%dma_start3A_35, %dma_start3A_36] : memref<1000x32xf32, #tpu.memory_space<vmem>> -> memref<125x32xf32, #tpu.memory_space<vmem>>
    %dma_start3A_38 = arith.constant 0 : i32
    %dma_start3A_39 = tpu.memref_slice %arg5[%dma_start3A_34, %dma_start3A_38] : memref<8x125xi32, #tpu.memory_space<vmem>> -> memref<1x125xi32, #tpu.memory_space<vmem>>
    %dma_start3A_40 = tpu.memref_squeeze %dma_start3A_39 : memref<1x125xi32, #tpu.memory_space<vmem>> -> memref<125xi32, #tpu.memory_space<vmem>>
    %dma_start3A_41 = arith.constant 0 : i32
    %dma_start3A_42 = arith.constant 0 : i32
    %dma_start3A_43 = tpu.memref_slice %arg2[%dma_start3A_41, %dma_start3A_42] : memref<10000x32xf32, #tpu.memory_space<hbm>> -> memref<10000x32xf32, #tpu.memory_space<hbm>>
    tpu.enqueue_indirect_dma source(%dma_start3A_43 : memref<10000x32xf32, #tpu.memory_space<hbm>>) target(%dma_start3A_37 : memref<125x32xf32, #tpu.memory_space<vmem>>) offsets(%dma_start3A_40 : memref<125xi32, #tpu.memory_space<vmem>>) semaphore(%arg7 : memref<!tpu.dma_semaphore, #tpu.memory_space<semaphore_mem>>)
    %dma_start3A_44 = arith.constant 4 : i32
    %dma_start3A_45 = arith.constant 500 : i32
    %dma_start3A_46 = arith.constant 0 : i32
    %dma_start3A_47 = tpu.memref_slice %arg6[%dma_start3A_45, %dma_start3A_46] : memref<1000x32xf32, #tpu.memory_space<vmem>> -> memref<125x32xf32, #tpu.memory_space<vmem>>
    %dma_start3A_48 = arith.constant 0 : i32
    %dma_start3A_49 = tpu.memref_slice %arg5[%dma_start3A_44, %dma_start3A_48] : memref<8x125xi32, #tpu.memory_space<vmem>> -> memref<1x125xi32, #tpu.memory_space<vmem>>
    %dma_start3A_50 = tpu.memref_squeeze %dma_start3A_49 : memref<1x125xi32, #tpu.memory_space<vmem>> -> memref<125xi32, #tpu.memory_space<vmem>>
    %dma_start3A_51 = arith.constant 0 : i32
    %dma_start3A_52 = arith.constant 0 : i32
    %dma_start3A_53 = tpu.memref_slice %arg2[%dma_start3A_51, %dma_start3A_52] : memref<10000x32xf32, #tpu.memory_space<hbm>> -> memref<10000x32xf32, #tpu.memory_space<hbm>>
    tpu.enqueue_indirect_dma source(%dma_start3A_53 : memref<10000x32xf32, #tpu.memory_space<hbm>>) target(%dma_start3A_47 : memref<125x32xf32, #tpu.memory_space<vmem>>) offsets(%dma_start3A_50 : memref<125xi32, #tpu.memory_space<vmem>>) semaphore(%arg7 : memref<!tpu.dma_semaphore, #tpu.memory_space<semaphore_mem>>)
    %dma_start3A_54 = arith.constant 5 : i32
    %dma_start3A_55 = arith.constant 625 : i32
    %dma_start3A_56 = arith.constant 0 : i32
    %dma_start3A_57 = tpu.memref_slice %arg6[%dma_start3A_55, %dma_start3A_56] : memref<1000x32xf32, #tpu.memory_space<vmem>> -> memref<125x32xf32, #tpu.memory_space<vmem>>
    %dma_start3A_58 = arith.constant 0 : i32
    %dma_start3A_59 = tpu.memref_slice %arg5[%dma_start3A_54, %dma_start3A_58] : memref<8x125xi32, #tpu.memory_space<vmem>> -> memref<1x125xi32, #tpu.memory_space<vmem>>
    %dma_start3A_60 = tpu.memref_squeeze %dma_start3A_59 : memref<1x125xi32, #tpu.memory_space<vmem>> -> memref<125xi32, #tpu.memory_space<vmem>>
    %dma_start3A_61 = arith.constant 0 : i32
    %dma_start3A_62 = arith.constant 0 : i32
    %dma_start3A_63 = tpu.memref_slice %arg2[%dma_start3A_61, %dma_start3A_62] : memref<10000x32xf32, #tpu.memory_space<hbm>> -> memref<10000x32xf32, #tpu.memory_space<hbm>>
    tpu.enqueue_indirect_dma source(%dma_start3A_63 : memref<10000x32xf32, #tpu.memory_space<hbm>>) target(%dma_start3A_57 : memref<125x32xf32, #tpu.memory_space<vmem>>) offsets(%dma_start3A_60 : memref<125xi32, #tpu.memory_space<vmem>>) semaphore(%arg7 : memref<!tpu.dma_semaphore, #tpu.memory_space<semaphore_mem>>)
    %dma_start3A_64 = arith.constant 6 : i32
    %dma_start3A_65 = arith.constant 750 : i32
    %dma_start3A_66 = arith.constant 0 : i32
    %dma_start3A_67 = tpu.memref_slice %arg6[%dma_start3A_65, %dma_start3A_66] : memref<1000x32xf32, #tpu.memory_space<vmem>> -> memref<125x32xf32, #tpu.memory_space<vmem>>
    %dma_start3A_68 = arith.constant 0 : i32
    %dma_start3A_69 = tpu.memref_slice %arg5[%dma_start3A_64, %dma_start3A_68] : memref<8x125xi32, #tpu.memory_space<vmem>> -> memref<1x125xi32, #tpu.memory_space<vmem>>
    %dma_start3A_70 = tpu.memref_squeeze %dma_start3A_69 : memref<1x125xi32, #tpu.memory_space<vmem>> -> memref<125xi32, #tpu.memory_space<vmem>>
    %dma_start3A_71 = arith.constant 0 : i32
    %dma_start3A_72 = arith.constant 0 : i32
    %dma_start3A_73 = tpu.memref_slice %arg2[%dma_start3A_71, %dma_start3A_72] : memref<10000x32xf32, #tpu.memory_space<hbm>> -> memref<10000x32xf32, #tpu.memory_space<hbm>>
    tpu.enqueue_indirect_dma source(%dma_start3A_73 : memref<10000x32xf32, #tpu.memory_space<hbm>>) target(%dma_start3A_67 : memref<125x32xf32, #tpu.memory_space<vmem>>) offsets(%dma_start3A_70 : memref<125xi32, #tpu.memory_space<vmem>>) semaphore(%arg7 : memref<!tpu.dma_semaphore, #tpu.memory_space<semaphore_mem>>)
    %dma_start3A_74 = arith.constant 7 : i32
    %dma_start3A_75 = arith.constant 875 : i32
    %dma_start3A_76 = arith.constant 0 : i32
    %dma_start3A_77 = tpu.memref_slice %arg6[%dma_start3A_75, %dma_start3A_76] : memref<1000x32xf32, #tpu.memory_space<vmem>> -> memref<125x32xf32, #tpu.memory_space<vmem>>
    %dma_start3A_78 = arith.constant 0 : i32
    %dma_start3A_79 = tpu.memref_slice %arg5[%dma_start3A_74, %dma_start3A_78] : memref<8x125xi32, #tpu.memory_space<vmem>> -> memref<1x125xi32, #tpu.memory_space<vmem>>
    %dma_start3A_80 = tpu.memref_squeeze %dma_start3A_79 : memref<1x125xi32, #tpu.memory_space<vmem>> -> memref<125xi32, #tpu.memory_space<vmem>>
    %dma_start3A_81 = arith.constant 0 : i32
    %dma_start3A_82 = arith.constant 0 : i32
    %dma_start3A_83 = tpu.memref_slice %arg2[%dma_start3A_81, %dma_start3A_82] : memref<10000x32xf32, #tpu.memory_space<hbm>> -> memref<10000x32xf32, #tpu.memory_space<hbm>>
    tpu.enqueue_indirect_dma source(%dma_start3A_83 : memref<10000x32xf32, #tpu.memory_space<hbm>>) target(%dma_start3A_77 : memref<125x32xf32, #tpu.memory_space<vmem>>) offsets(%dma_start3A_80 : memref<125xi32, #tpu.memory_space<vmem>>) semaphore(%arg7 : memref<!tpu.dma_semaphore, #tpu.memory_space<semaphore_mem>>)
    %dma_wait3A = arith.constant 0 : i32
    %dma_wait3A_84 = arith.constant 0 : i32
    %dma_wait3A_85 = arith.constant 0 : i32
    %dma_wait3A_86 = tpu.memref_slice %arg6[%dma_wait3A_84, %dma_wait3A_85] : memref<1000x32xf32, #tpu.memory_space<vmem>> -> memref<125x32xf32, #tpu.memory_space<vmem>>
    %dma_wait3A_87 = arith.constant 0 : i32
    %dma_wait3A_88 = tpu.memref_slice %arg5[%dma_wait3A, %dma_wait3A_87] : memref<8x125xi32, #tpu.memory_space<vmem>> -> memref<1x125xi32, #tpu.memory_space<vmem>>
    %dma_wait3A_89 = tpu.memref_squeeze %dma_wait3A_88 : memref<1x125xi32, #tpu.memory_space<vmem>> -> memref<125xi32, #tpu.memory_space<vmem>>
    %dma_wait3A_90 = arith.constant 0 : i32
    %dma_wait3A_91 = arith.constant 0 : i32
    %dma_wait3A_92 = tpu.memref_slice %arg2[%dma_wait3A_90, %dma_wait3A_91] : memref<10000x32xf32, #tpu.memory_space<hbm>> -> memref<10000x32xf32, #tpu.memory_space<hbm>>
    tpu.wait_indirect_dma semaphore(%arg7 : memref<!tpu.dma_semaphore, #tpu.memory_space<semaphore_mem>>) src(%dma_wait3A_92 : memref<10000x32xf32, #tpu.memory_space<hbm>>) dst(%dma_wait3A_86 : memref<125x32xf32, #tpu.memory_space<vmem>>)
    %dma_wait3A_93 = arith.constant 1 : i32
    %dma_wait3A_94 = arith.constant 125 : i32
    %dma_wait3A_95 = arith.constant 0 : i32
    %dma_wait3A_96 = tpu.memref_slice %arg6[%dma_wait3A_94, %dma_wait3A_95] : memref<1000x32xf32, #tpu.memory_space<vmem>> -> memref<125x32xf32, #tpu.memory_space<vmem>>
    %dma_wait3A_97 = arith.constant 0 : i32
    %dma_wait3A_98 = tpu.memref_slice %arg5[%dma_wait3A_93, %dma_wait3A_97] : memref<8x125xi32, #tpu.memory_space<vmem>> -> memref<1x125xi32, #tpu.memory_space<vmem>>
    %dma_wait3A_99 = tpu.memref_squeeze %dma_wait3A_98 : memref<1x125xi32, #tpu.memory_space<vmem>> -> memref<125xi32, #tpu.memory_space<vmem>>
    %dma_wait3A_100 = arith.constant 0 : i32
    %dma_wait3A_101 = arith.constant 0 : i32
    %dma_wait3A_102 = tpu.memref_slice %arg2[%dma_wait3A_100, %dma_wait3A_101] : memref<10000x32xf32, #tpu.memory_space<hbm>> -> memref<10000x32xf32, #tpu.memory_space<hbm>>
    tpu.wait_indirect_dma semaphore(%arg7 : memref<!tpu.dma_semaphore, #tpu.memory_space<semaphore_mem>>) src(%dma_wait3A_102 : memref<10000x32xf32, #tpu.memory_space<hbm>>) dst(%dma_wait3A_96 : memref<125x32xf32, #tpu.memory_space<vmem>>)
    %dma_wait3A_103 = arith.constant 2 : i32
    %dma_wait3A_104 = arith.constant 250 : i32
    %dma_wait3A_105 = arith.constant 0 : i32
    %dma_wait3A_106 = tpu.memref_slice %arg6[%dma_wait3A_104, %dma_wait3A_105] : memref<1000x32xf32, #tpu.memory_space<vmem>> -> memref<125x32xf32, #tpu.memory_space<vmem>>
    %dma_wait3A_107 = arith.constant 0 : i32
    %dma_wait3A_108 = tpu.memref_slice %arg5[%dma_wait3A_103, %dma_wait3A_107] : memref<8x125xi32, #tpu.memory_space<vmem>> -> memref<1x125xi32, #tpu.memory_space<vmem>>
    %dma_wait3A_109 = tpu.memref_squeeze %dma_wait3A_108 : memref<1x125xi32, #tpu.memory_space<vmem>> -> memref<125xi32, #tpu.memory_space<vmem>>
    %dma_wait3A_110 = arith.constant 0 : i32
    %dma_wait3A_111 = arith.constant 0 : i32
    %dma_wait3A_112 = tpu.memref_slice %arg2[%dma_wait3A_110, %dma_wait3A_111] : memref<10000x32xf32, #tpu.memory_space<hbm>> -> memref<10000x32xf32, #tpu.memory_space<hbm>>
    tpu.wait_indirect_dma semaphore(%arg7 : memref<!tpu.dma_semaphore, #tpu.memory_space<semaphore_mem>>) src(%dma_wait3A_112 : memref<10000x32xf32, #tpu.memory_space<hbm>>) dst(%dma_wait3A_106 : memref<125x32xf32, #tpu.memory_space<vmem>>)
    %dma_wait3A_113 = arith.constant 3 : i32
    %dma_wait3A_114 = arith.constant 375 : i32
    %dma_wait3A_115 = arith.constant 0 : i32
    %dma_wait3A_116 = tpu.memref_slice %arg6[%dma_wait3A_114, %dma_wait3A_115] : memref<1000x32xf32, #tpu.memory_space<vmem>> -> memref<125x32xf32, #tpu.memory_space<vmem>>
    %dma_wait3A_117 = arith.constant 0 : i32
    %dma_wait3A_118 = tpu.memref_slice %arg5[%dma_wait3A_113, %dma_wait3A_117] : memref<8x125xi32, #tpu.memory_space<vmem>> -> memref<1x125xi32, #tpu.memory_space<vmem>>
    %dma_wait3A_119 = tpu.memref_squeeze %dma_wait3A_118 : memref<1x125xi32, #tpu.memory_space<vmem>> -> memref<125xi32, #tpu.memory_space<vmem>>
    %dma_wait3A_120 = arith.constant 0 : i32
    %dma_wait3A_121 = arith.constant 0 : i32
    %dma_wait3A_122 = tpu.memref_slice %arg2[%dma_wait3A_120, %dma_wait3A_121] : memref<10000x32xf32, #tpu.memory_space<hbm>> -> memref<10000x32xf32, #tpu.memory_space<hbm>>
    tpu.wait_indirect_dma semaphore(%arg7 : memref<!tpu.dma_semaphore, #tpu.memory_space<semaphore_mem>>) src(%dma_wait3A_122 : memref<10000x32xf32, #tpu.memory_space<hbm>>) dst(%dma_wait3A_116 : memref<125x32xf32, #tpu.memory_space<vmem>>)
    %dma_wait3A_123 = arith.constant 4 : i32
    %dma_wait3A_124 = arith.constant 500 : i32
    %dma_wait3A_125 = arith.constant 0 : i32
    %dma_wait3A_126 = tpu.memref_slice %arg6[%dma_wait3A_124, %dma_wait3A_125] : memref<1000x32xf32, #tpu.memory_space<vmem>> -> memref<125x32xf32, #tpu.memory_space<vmem>>
    %dma_wait3A_127 = arith.constant 0 : i32
    %dma_wait3A_128 = tpu.memref_slice %arg5[%dma_wait3A_123, %dma_wait3A_127] : memref<8x125xi32, #tpu.memory_space<vmem>> -> memref<1x125xi32, #tpu.memory_space<vmem>>
    %dma_wait3A_129 = tpu.memref_squeeze %dma_wait3A_128 : memref<1x125xi32, #tpu.memory_space<vmem>> -> memref<125xi32, #tpu.memory_space<vmem>>
    %dma_wait3A_130 = arith.constant 0 : i32
    %dma_wait3A_131 = arith.constant 0 : i32
    %dma_wait3A_132 = tpu.memref_slice %arg2[%dma_wait3A_130, %dma_wait3A_131] : memref<10000x32xf32, #tpu.memory_space<hbm>> -> memref<10000x32xf32, #tpu.memory_space<hbm>>
    tpu.wait_indirect_dma semaphore(%arg7 : memref<!tpu.dma_semaphore, #tpu.memory_space<semaphore_mem>>) src(%dma_wait3A_132 : memref<10000x32xf32, #tpu.memory_space<hbm>>) dst(%dma_wait3A_126 : memref<125x32xf32, #tpu.memory_space<vmem>>)
    %dma_wait3A_133 = arith.constant 5 : i32
    %dma_wait3A_134 = arith.constant 625 : i32
    %dma_wait3A_135 = arith.constant 0 : i32
    %dma_wait3A_136 = tpu.memref_slice %arg6[%dma_wait3A_134, %dma_wait3A_135] : memref<1000x32xf32, #tpu.memory_space<vmem>> -> memref<125x32xf32, #tpu.memory_space<vmem>>
    %dma_wait3A_137 = arith.constant 0 : i32
    %dma_wait3A_138 = tpu.memref_slice %arg5[%dma_wait3A_133, %dma_wait3A_137] : memref<8x125xi32, #tpu.memory_space<vmem>> -> memref<1x125xi32, #tpu.memory_space<vmem>>
    %dma_wait3A_139 = tpu.memref_squeeze %dma_wait3A_138 : memref<1x125xi32, #tpu.memory_space<vmem>> -> memref<125xi32, #tpu.memory_space<vmem>>
    %dma_wait3A_140 = arith.constant 0 : i32
    %dma_wait3A_141 = arith.constant 0 : i32
    %dma_wait3A_142 = tpu.memref_slice %arg2[%dma_wait3A_140, %dma_wait3A_141] : memref<10000x32xf32, #tpu.memory_space<hbm>> -> memref<10000x32xf32, #tpu.memory_space<hbm>>
    tpu.wait_indirect_dma semaphore(%arg7 : memref<!tpu.dma_semaphore, #tpu.memory_space<semaphore_mem>>) src(%dma_wait3A_142 : memref<10000x32xf32, #tpu.memory_space<hbm>>) dst(%dma_wait3A_136 : memref<125x32xf32, #tpu.memory_space<vmem>>)
    %dma_wait3A_143 = arith.constant 6 : i32
    %dma_wait3A_144 = arith.constant 750 : i32
    %dma_wait3A_145 = arith.constant 0 : i32
    %dma_wait3A_146 = tpu.memref_slice %arg6[%dma_wait3A_144, %dma_wait3A_145] : memref<1000x32xf32, #tpu.memory_space<vmem>> -> memref<125x32xf32, #tpu.memory_space<vmem>>
    %dma_wait3A_147 = arith.constant 0 : i32
    %dma_wait3A_148 = tpu.memref_slice %arg5[%dma_wait3A_143, %dma_wait3A_147] : memref<8x125xi32, #tpu.memory_space<vmem>> -> memref<1x125xi32, #tpu.memory_space<vmem>>
    %dma_wait3A_149 = tpu.memref_squeeze %dma_wait3A_148 : memref<1x125xi32, #tpu.memory_space<vmem>> -> memref<125xi32, #tpu.memory_space<vmem>>
    %dma_wait3A_150 = arith.constant 0 : i32
    %dma_wait3A_151 = arith.constant 0 : i32
    %dma_wait3A_152 = tpu.memref_slice %arg2[%dma_wait3A_150, %dma_wait3A_151] : memref<10000x32xf32, #tpu.memory_space<hbm>> -> memref<10000x32xf32, #tpu.memory_space<hbm>>
    tpu.wait_indirect_dma semaphore(%arg7 : memref<!tpu.dma_semaphore, #tpu.memory_space<semaphore_mem>>) src(%dma_wait3A_152 : memref<10000x32xf32, #tpu.memory_space<hbm>>) dst(%dma_wait3A_146 : memref<125x32xf32, #tpu.memory_space<vmem>>)
    %dma_wait3A_153 = arith.constant 7 : i32
    %dma_wait3A_154 = arith.constant 875 : i32
    %dma_wait3A_155 = arith.constant 0 : i32
    %dma_wait3A_156 = tpu.memref_slice %arg6[%dma_wait3A_154, %dma_wait3A_155] : memref<1000x32xf32, #tpu.memory_space<vmem>> -> memref<125x32xf32, #tpu.memory_space<vmem>>
    %dma_wait3A_157 = arith.constant 0 : i32
    %dma_wait3A_158 = tpu.memref_slice %arg5[%dma_wait3A_153, %dma_wait3A_157] : memref<8x125xi32, #tpu.memory_space<vmem>> -> memref<1x125xi32, #tpu.memory_space<vmem>>
    %dma_wait3A_159 = tpu.memref_squeeze %dma_wait3A_158 : memref<1x125xi32, #tpu.memory_space<vmem>> -> memref<125xi32, #tpu.memory_space<vmem>>
    %dma_wait3A_160 = arith.constant 0 : i32
    %dma_wait3A_161 = arith.constant 0 : i32
    %dma_wait3A_162 = tpu.memref_slice %arg2[%dma_wait3A_160, %dma_wait3A_161] : memref<10000x32xf32, #tpu.memory_space<hbm>> -> memref<10000x32xf32, #tpu.memory_space<hbm>>
    tpu.wait_indirect_dma semaphore(%arg7 : memref<!tpu.dma_semaphore, #tpu.memory_space<semaphore_mem>>) src(%dma_wait3A_162 : memref<10000x32xf32, #tpu.memory_space<hbm>>) dst(%dma_wait3A_156 : memref<125x32xf32, #tpu.memory_space<vmem>>)
    %mul3A_163 = arith.constant 125 : i32
    %mul3A_164 = arith.muli %add3A_4, %mul3A_163 : i32
    "tpu.region"() ({
      %run_scoped3A = tpu.sem_alloc : memref<!tpu.dma_semaphore, #tpu.memory_space<semaphore_mem>>
      %dma_start3A_821 = arith.constant 0 : i32
      %dma_start3A_822 = tpu.memref_slice %arg4[%mul3A_164, %dma_start3A_821] : memref<160000x32xf32, #tpu.memory_space<hbm>> -> memref<1000x32xf32, #tpu.memory_space<hbm>>
      %dma_start3A_823 = arith.constant 0 : i32
      %dma_start3A_824 = tpu.memref_slice %arg4[%mul3A_164, %dma_start3A_823] : memref<160000x32xf32, #tpu.memory_space<hbm>> -> memref<1000x32xf32, #tpu.memory_space<hbm>>
      tpu.enqueue_dma source(%arg6 : memref<1000x32xf32, #tpu.memory_space<vmem>>) target(%dma_start3A_824 : memref<1000x32xf32, #tpu.memory_space<hbm>>) target_semaphore(%run_scoped3A : memref<!tpu.dma_semaphore, #tpu.memory_space<semaphore_mem>>)
      %dma_wait3A_825 = arith.constant 0 : i32
      %dma_wait3A_826 = tpu.memref_slice %arg4[%mul3A_164, %dma_wait3A_825] : memref<160000x32xf32, #tpu.memory_space<hbm>> -> memref<1000x32xf32, #tpu.memory_space<hbm>>
      %dma_wait3A_827 = arith.constant 0 : i32
      %dma_wait3A_828 = tpu.memref_slice %arg4[%mul3A_164, %dma_wait3A_827] : memref<160000x32xf32, #tpu.memory_space<hbm>> -> memref<1000x32xf32, #tpu.memory_space<hbm>>
      tpu.wait_dma2 semaphore(%run_scoped3A : memref<!tpu.dma_semaphore, #tpu.memory_space<semaphore_mem>>) src(%arg6 : memref<1000x32xf32, #tpu.memory_space<vmem>>) dst(%dma_wait3A_828 : memref<1000x32xf32, #tpu.memory_space<hbm>>)
      tpu.yield
    }) : () -> ()
    %add3A_165 = arith.constant 8 : i32
    %add3A_166 = arith.addi %mul3A_2, %add3A_165 : i32
    "tpu.region"() ({
      %run_scoped3A = tpu.sem_alloc : memref<!tpu.dma_semaphore, #tpu.memory_space<semaphore_mem>>
      %dma_start3A_821 = arith.constant 0 : i32
      %dma_start3A_822 = tpu.memref_slice %arg3[%add3A_166, %dma_start3A_821] : memref<1280x125xi32, #tpu.memory_space<hbm>> -> memref<8x125xi32, #tpu.memory_space<hbm>>
      %dma_start3A_823 = arith.constant 0 : i32
      %dma_start3A_824 = tpu.memref_slice %arg3[%add3A_166, %dma_start3A_823] : memref<1280x125xi32, #tpu.memory_space<hbm>> -> memref<8x125xi32, #tpu.memory_space<hbm>>
      tpu.enqueue_dma source(%dma_start3A_824 : memref<8x125xi32, #tpu.memory_space<hbm>>) target(%arg5 : memref<8x125xi32, #tpu.memory_space<vmem>>) target_semaphore(%run_scoped3A : memref<!tpu.dma_semaphore, #tpu.memory_space<semaphore_mem>>)
      %dma_wait3A_825 = arith.constant 0 : i32
      %dma_wait3A_826 = tpu.memref_slice %arg3[%add3A_166, %dma_wait3A_825] : memref<1280x125xi32, #tpu.memory_space<hbm>> -> memref<8x125xi32, #tpu.memory_space<hbm>>
      %dma_wait3A_827 = arith.constant 0 : i32
      %dma_wait3A_828 = tpu.memref_slice %arg3[%add3A_166, %dma_wait3A_827] : memref<1280x125xi32, #tpu.memory_space<hbm>> -> memref<8x125xi32, #tpu.memory_space<hbm>>
      tpu.wait_dma2 semaphore(%run_scoped3A : memref<!tpu.dma_semaphore, #tpu.memory_space<semaphore_mem>>) src(%dma_wait3A_828 : memref<8x125xi32, #tpu.memory_space<hbm>>) dst(%arg5 : memref<8x125xi32, #tpu.memory_space<vmem>>)
      tpu.yield
    }) : () -> ()
    %dma_start3A_167 = arith.constant 0 : i32
    %dma_start3A_168 = arith.constant 0 : i32
    %dma_start3A_169 = arith.constant 0 : i32
    %dma_start3A_170 = tpu.memref_slice %arg6[%dma_start3A_168, %dma_start3A_169] : memref<1000x32xf32, #tpu.memory_space<vmem>> -> memref<125x32xf32, #tpu.memory_space<vmem>>
    %dma_start3A_171 = arith.constant 0 : i32
    %dma_start3A_172 = tpu.memref_slice %arg5[%dma_start3A_167, %dma_start3A_171] : memref<8x125xi32, #tpu.memory_space<vmem>> -> memref<1x125xi32, #tpu.memory_space<vmem>>
    %dma_start3A_173 = tpu.memref_squeeze %dma_start3A_172 : memref<1x125xi32, #tpu.memory_space<vmem>> -> memref<125xi32, #tpu.memory_space<vmem>>
    %dma_start3A_174 = arith.constant 0 : i32
    %dma_start3A_175 = arith.constant 0 : i32
    %dma_start3A_176 = tpu.memref_slice %arg2[%dma_start3A_174, %dma_start3A_175] : memref<10000x32xf32, #tpu.memory_space<hbm>> -> memref<10000x32xf32, #tpu.memory_space<hbm>>
    tpu.enqueue_indirect_dma source(%dma_start3A_176 : memref<10000x32xf32, #tpu.memory_space<hbm>>) target(%dma_start3A_170 : memref<125x32xf32, #tpu.memory_space<vmem>>) offsets(%dma_start3A_173 : memref<125xi32, #tpu.memory_space<vmem>>) semaphore(%arg7 : memref<!tpu.dma_semaphore, #tpu.memory_space<semaphore_mem>>)
    %dma_start3A_177 = arith.constant 1 : i32
    %dma_start3A_178 = arith.constant 125 : i32
    %dma_start3A_179 = arith.constant 0 : i32
    %dma_start3A_180 = tpu.memref_slice %arg6[%dma_start3A_178, %dma_start3A_179] : memref<1000x32xf32, #tpu.memory_space<vmem>> -> memref<125x32xf32, #tpu.memory_space<vmem>>
    %dma_start3A_181 = arith.constant 0 : i32
    %dma_start3A_182 = tpu.memref_slice %arg5[%dma_start3A_177, %dma_start3A_181] : memref<8x125xi32, #tpu.memory_space<vmem>> -> memref<1x125xi32, #tpu.memory_space<vmem>>
    %dma_start3A_183 = tpu.memref_squeeze %dma_start3A_182 : memref<1x125xi32, #tpu.memory_space<vmem>> -> memref<125xi32, #tpu.memory_space<vmem>>
    %dma_start3A_184 = arith.constant 0 : i32
    %dma_start3A_185 = arith.constant 0 : i32
    %dma_start3A_186 = tpu.memref_slice %arg2[%dma_start3A_184, %dma_start3A_185] : memref<10000x32xf32, #tpu.memory_space<hbm>> -> memref<10000x32xf32, #tpu.memory_space<hbm>>
    tpu.enqueue_indirect_dma source(%dma_start3A_186 : memref<10000x32xf32, #tpu.memory_space<hbm>>) target(%dma_start3A_180 : memref<125x32xf32, #tpu.memory_space<vmem>>) offsets(%dma_start3A_183 : memref<125xi32, #tpu.memory_space<vmem>>) semaphore(%arg7 : memref<!tpu.dma_semaphore, #tpu.memory_space<semaphore_mem>>)
    %dma_start3A_187 = arith.constant 2 : i32
    %dma_start3A_188 = arith.constant 250 : i32
    %dma_start3A_189 = arith.constant 0 : i32
    %dma_start3A_190 = tpu.memref_slice %arg6[%dma_start3A_188, %dma_start3A_189] : memref<1000x32xf32, #tpu.memory_space<vmem>> -> memref<125x32xf32, #tpu.memory_space<vmem>>
    %dma_start3A_191 = arith.constant 0 : i32
    %dma_start3A_192 = tpu.memref_slice %arg5[%dma_start3A_187, %dma_start3A_191] : memref<8x125xi32, #tpu.memory_space<vmem>> -> memref<1x125xi32, #tpu.memory_space<vmem>>
    %dma_start3A_193 = tpu.memref_squeeze %dma_start3A_192 : memref<1x125xi32, #tpu.memory_space<vmem>> -> memref<125xi32, #tpu.memory_space<vmem>>
    %dma_start3A_194 = arith.constant 0 : i32
    %dma_start3A_195 = arith.constant 0 : i32
    %dma_start3A_196 = tpu.memref_slice %arg2[%dma_start3A_194, %dma_start3A_195] : memref<10000x32xf32, #tpu.memory_space<hbm>> -> memref<10000x32xf32, #tpu.memory_space<hbm>>
    tpu.enqueue_indirect_dma source(%dma_start3A_196 : memref<10000x32xf32, #tpu.memory_space<hbm>>) target(%dma_start3A_190 : memref<125x32xf32, #tpu.memory_space<vmem>>) offsets(%dma_start3A_193 : memref<125xi32, #tpu.memory_space<vmem>>) semaphore(%arg7 : memref<!tpu.dma_semaphore, #tpu.memory_space<semaphore_mem>>)
    %dma_start3A_197 = arith.constant 3 : i32
    %dma_start3A_198 = arith.constant 375 : i32
    %dma_start3A_199 = arith.constant 0 : i32
    %dma_start3A_200 = tpu.memref_slice %arg6[%dma_start3A_198, %dma_start3A_199] : memref<1000x32xf32, #tpu.memory_space<vmem>> -> memref<125x32xf32, #tpu.memory_space<vmem>>
    %dma_start3A_201 = arith.constant 0 : i32
    %dma_start3A_202 = tpu.memref_slice %arg5[%dma_start3A_197, %dma_start3A_201] : memref<8x125xi32, #tpu.memory_space<vmem>> -> memref<1x125xi32, #tpu.memory_space<vmem>>
    %dma_start3A_203 = tpu.memref_squeeze %dma_start3A_202 : memref<1x125xi32, #tpu.memory_space<vmem>> -> memref<125xi32, #tpu.memory_space<vmem>>
    %dma_start3A_204 = arith.constant 0 : i32
    %dma_start3A_205 = arith.constant 0 : i32
    %dma_start3A_206 = tpu.memref_slice %arg2[%dma_start3A_204, %dma_start3A_205] : memref<10000x32xf32, #tpu.memory_space<hbm>> -> memref<10000x32xf32, #tpu.memory_space<hbm>>
    tpu.enqueue_indirect_dma source(%dma_start3A_206 : memref<10000x32xf32, #tpu.memory_space<hbm>>) target(%dma_start3A_200 : memref<125x32xf32, #tpu.memory_space<vmem>>) offsets(%dma_start3A_203 : memref<125xi32, #tpu.memory_space<vmem>>) semaphore(%arg7 : memref<!tpu.dma_semaphore, #tpu.memory_space<semaphore_mem>>)
    %dma_start3A_207 = arith.constant 4 : i32
    %dma_start3A_208 = arith.constant 500 : i32
    %dma_start3A_209 = arith.constant 0 : i32
    %dma_start3A_210 = tpu.memref_slice %arg6[%dma_start3A_208, %dma_start3A_209] : memref<1000x32xf32, #tpu.memory_space<vmem>> -> memref<125x32xf32, #tpu.memory_space<vmem>>
    %dma_start3A_211 = arith.constant 0 : i32
    %dma_start3A_212 = tpu.memref_slice %arg5[%dma_start3A_207, %dma_start3A_211] : memref<8x125xi32, #tpu.memory_space<vmem>> -> memref<1x125xi32, #tpu.memory_space<vmem>>
    %dma_start3A_213 = tpu.memref_squeeze %dma_start3A_212 : memref<1x125xi32, #tpu.memory_space<vmem>> -> memref<125xi32, #tpu.memory_space<vmem>>
    %dma_start3A_214 = arith.constant 0 : i32
    %dma_start3A_215 = arith.constant 0 : i32
    %dma_start3A_216 = tpu.memref_slice %arg2[%dma_start3A_214, %dma_start3A_215] : memref<10000x32xf32, #tpu.memory_space<hbm>> -> memref<10000x32xf32, #tpu.memory_space<hbm>>
    tpu.enqueue_indirect_dma source(%dma_start3A_216 : memref<10000x32xf32, #tpu.memory_space<hbm>>) target(%dma_start3A_210 : memref<125x32xf32, #tpu.memory_space<vmem>>) offsets(%dma_start3A_213 : memref<125xi32, #tpu.memory_space<vmem>>) semaphore(%arg7 : memref<!tpu.dma_semaphore, #tpu.memory_space<semaphore_mem>>)
    %dma_start3A_217 = arith.constant 5 : i32
    %dma_start3A_218 = arith.constant 625 : i32
    %dma_start3A_219 = arith.constant 0 : i32
    %dma_start3A_220 = tpu.memref_slice %arg6[%dma_start3A_218, %dma_start3A_219] : memref<1000x32xf32, #tpu.memory_space<vmem>> -> memref<125x32xf32, #tpu.memory_space<vmem>>
    %dma_start3A_221 = arith.constant 0 : i32
    %dma_start3A_222 = tpu.memref_slice %arg5[%dma_start3A_217, %dma_start3A_221] : memref<8x125xi32, #tpu.memory_space<vmem>> -> memref<1x125xi32, #tpu.memory_space<vmem>>
    %dma_start3A_223 = tpu.memref_squeeze %dma_start3A_222 : memref<1x125xi32, #tpu.memory_space<vmem>> -> memref<125xi32, #tpu.memory_space<vmem>>
    %dma_start3A_224 = arith.constant 0 : i32
    %dma_start3A_225 = arith.constant 0 : i32
    %dma_start3A_226 = tpu.memref_slice %arg2[%dma_start3A_224, %dma_start3A_225] : memref<10000x32xf32, #tpu.memory_space<hbm>> -> memref<10000x32xf32, #tpu.memory_space<hbm>>
    tpu.enqueue_indirect_dma source(%dma_start3A_226 : memref<10000x32xf32, #tpu.memory_space<hbm>>) target(%dma_start3A_220 : memref<125x32xf32, #tpu.memory_space<vmem>>) offsets(%dma_start3A_223 : memref<125xi32, #tpu.memory_space<vmem>>) semaphore(%arg7 : memref<!tpu.dma_semaphore, #tpu.memory_space<semaphore_mem>>)
    %dma_start3A_227 = arith.constant 6 : i32
    %dma_start3A_228 = arith.constant 750 : i32
    %dma_start3A_229 = arith.constant 0 : i32
    %dma_start3A_230 = tpu.memref_slice %arg6[%dma_start3A_228, %dma_start3A_229] : memref<1000x32xf32, #tpu.memory_space<vmem>> -> memref<125x32xf32, #tpu.memory_space<vmem>>
    %dma_start3A_231 = arith.constant 0 : i32
    %dma_start3A_232 = tpu.memref_slice %arg5[%dma_start3A_227, %dma_start3A_231] : memref<8x125xi32, #tpu.memory_space<vmem>> -> memref<1x125xi32, #tpu.memory_space<vmem>>
    %dma_start3A_233 = tpu.memref_squeeze %dma_start3A_232 : memref<1x125xi32, #tpu.memory_space<vmem>> -> memref<125xi32, #tpu.memory_space<vmem>>
    %dma_start3A_234 = arith.constant 0 : i32
    %dma_start3A_235 = arith.constant 0 : i32
    %dma_start3A_236 = tpu.memref_slice %arg2[%dma_start3A_234, %dma_start3A_235] : memref<10000x32xf32, #tpu.memory_space<hbm>> -> memref<10000x32xf32, #tpu.memory_space<hbm>>
    tpu.enqueue_indirect_dma source(%dma_start3A_236 : memref<10000x32xf32, #tpu.memory_space<hbm>>) target(%dma_start3A_230 : memref<125x32xf32, #tpu.memory_space<vmem>>) offsets(%dma_start3A_233 : memref<125xi32, #tpu.memory_space<vmem>>) semaphore(%arg7 : memref<!tpu.dma_semaphore, #tpu.memory_space<semaphore_mem>>)
    %dma_start3A_237 = arith.constant 7 : i32
    %dma_start3A_238 = arith.constant 875 : i32
    %dma_start3A_239 = arith.constant 0 : i32
    %dma_start3A_240 = tpu.memref_slice %arg6[%dma_start3A_238, %dma_start3A_239] : memref<1000x32xf32, #tpu.memory_space<vmem>> -> memref<125x32xf32, #tpu.memory_space<vmem>>
    %dma_start3A_241 = arith.constant 0 : i32
    %dma_start3A_242 = tpu.memref_slice %arg5[%dma_start3A_237, %dma_start3A_241] : memref<8x125xi32, #tpu.memory_space<vmem>> -> memref<1x125xi32, #tpu.memory_space<vmem>>
    %dma_start3A_243 = tpu.memref_squeeze %dma_start3A_242 : memref<1x125xi32, #tpu.memory_space<vmem>> -> memref<125xi32, #tpu.memory_space<vmem>>
    %dma_start3A_244 = arith.constant 0 : i32
    %dma_start3A_245 = arith.constant 0 : i32
    %dma_start3A_246 = tpu.memref_slice %arg2[%dma_start3A_244, %dma_start3A_245] : memref<10000x32xf32, #tpu.memory_space<hbm>> -> memref<10000x32xf32, #tpu.memory_space<hbm>>
    tpu.enqueue_indirect_dma source(%dma_start3A_246 : memref<10000x32xf32, #tpu.memory_space<hbm>>) target(%dma_start3A_240 : memref<125x32xf32, #tpu.memory_space<vmem>>) offsets(%dma_start3A_243 : memref<125xi32, #tpu.memory_space<vmem>>) semaphore(%arg7 : memref<!tpu.dma_semaphore, #tpu.memory_space<semaphore_mem>>)
    %dma_wait3A_247 = arith.constant 0 : i32
    %dma_wait3A_248 = arith.constant 0 : i32
    %dma_wait3A_249 = arith.constant 0 : i32
    %dma_wait3A_250 = tpu.memref_slice %arg6[%dma_wait3A_248, %dma_wait3A_249] : memref<1000x32xf32, #tpu.memory_space<vmem>> -> memref<125x32xf32, #tpu.memory_space<vmem>>
    %dma_wait3A_251 = arith.constant 0 : i32
    %dma_wait3A_252 = tpu.memref_slice %arg5[%dma_wait3A_247, %dma_wait3A_251] : memref<8x125xi32, #tpu.memory_space<vmem>> -> memref<1x125xi32, #tpu.memory_space<vmem>>
    %dma_wait3A_253 = tpu.memref_squeeze %dma_wait3A_252 : memref<1x125xi32, #tpu.memory_space<vmem>> -> memref<125xi32, #tpu.memory_space<vmem>>
    %dma_wait3A_254 = arith.constant 0 : i32
    %dma_wait3A_255 = arith.constant 0 : i32
    %dma_wait3A_256 = tpu.memref_slice %arg2[%dma_wait3A_254, %dma_wait3A_255] : memref<10000x32xf32, #tpu.memory_space<hbm>> -> memref<10000x32xf32, #tpu.memory_space<hbm>>
    tpu.wait_indirect_dma semaphore(%arg7 : memref<!tpu.dma_semaphore, #tpu.memory_space<semaphore_mem>>) src(%dma_wait3A_256 : memref<10000x32xf32, #tpu.memory_space<hbm>>) dst(%dma_wait3A_250 : memref<125x32xf32, #tpu.memory_space<vmem>>)
    %dma_wait3A_257 = arith.constant 1 : i32
    %dma_wait3A_258 = arith.constant 125 : i32
    %dma_wait3A_259 = arith.constant 0 : i32
    %dma_wait3A_260 = tpu.memref_slice %arg6[%dma_wait3A_258, %dma_wait3A_259] : memref<1000x32xf32, #tpu.memory_space<vmem>> -> memref<125x32xf32, #tpu.memory_space<vmem>>
    %dma_wait3A_261 = arith.constant 0 : i32
    %dma_wait3A_262 = tpu.memref_slice %arg5[%dma_wait3A_257, %dma_wait3A_261] : memref<8x125xi32, #tpu.memory_space<vmem>> -> memref<1x125xi32, #tpu.memory_space<vmem>>
    %dma_wait3A_263 = tpu.memref_squeeze %dma_wait3A_262 : memref<1x125xi32, #tpu.memory_space<vmem>> -> memref<125xi32, #tpu.memory_space<vmem>>
    %dma_wait3A_264 = arith.constant 0 : i32
    %dma_wait3A_265 = arith.constant 0 : i32
    %dma_wait3A_266 = tpu.memref_slice %arg2[%dma_wait3A_264, %dma_wait3A_265] : memref<10000x32xf32, #tpu.memory_space<hbm>> -> memref<10000x32xf32, #tpu.memory_space<hbm>>
    tpu.wait_indirect_dma semaphore(%arg7 : memref<!tpu.dma_semaphore, #tpu.memory_space<semaphore_mem>>) src(%dma_wait3A_266 : memref<10000x32xf32, #tpu.memory_space<hbm>>) dst(%dma_wait3A_260 : memref<125x32xf32, #tpu.memory_space<vmem>>)
    %dma_wait3A_267 = arith.constant 2 : i32
    %dma_wait3A_268 = arith.constant 250 : i32
    %dma_wait3A_269 = arith.constant 0 : i32
    %dma_wait3A_270 = tpu.memref_slice %arg6[%dma_wait3A_268, %dma_wait3A_269] : memref<1000x32xf32, #tpu.memory_space<vmem>> -> memref<125x32xf32, #tpu.memory_space<vmem>>
    %dma_wait3A_271 = arith.constant 0 : i32
    %dma_wait3A_272 = tpu.memref_slice %arg5[%dma_wait3A_267, %dma_wait3A_271] : memref<8x125xi32, #tpu.memory_space<vmem>> -> memref<1x125xi32, #tpu.memory_space<vmem>>
    %dma_wait3A_273 = tpu.memref_squeeze %dma_wait3A_272 : memref<1x125xi32, #tpu.memory_space<vmem>> -> memref<125xi32, #tpu.memory_space<vmem>>
    %dma_wait3A_274 = arith.constant 0 : i32
    %dma_wait3A_275 = arith.constant 0 : i32
    %dma_wait3A_276 = tpu.memref_slice %arg2[%dma_wait3A_274, %dma_wait3A_275] : memref<10000x32xf32, #tpu.memory_space<hbm>> -> memref<10000x32xf32, #tpu.memory_space<hbm>>
    tpu.wait_indirect_dma semaphore(%arg7 : memref<!tpu.dma_semaphore, #tpu.memory_space<semaphore_mem>>) src(%dma_wait3A_276 : memref<10000x32xf32, #tpu.memory_space<hbm>>) dst(%dma_wait3A_270 : memref<125x32xf32, #tpu.memory_space<vmem>>)
    %dma_wait3A_277 = arith.constant 3 : i32
    %dma_wait3A_278 = arith.constant 375 : i32
    %dma_wait3A_279 = arith.constant 0 : i32
    %dma_wait3A_280 = tpu.memref_slice %arg6[%dma_wait3A_278, %dma_wait3A_279] : memref<1000x32xf32, #tpu.memory_space<vmem>> -> memref<125x32xf32, #tpu.memory_space<vmem>>
    %dma_wait3A_281 = arith.constant 0 : i32
    %dma_wait3A_282 = tpu.memref_slice %arg5[%dma_wait3A_277, %dma_wait3A_281] : memref<8x125xi32, #tpu.memory_space<vmem>> -> memref<1x125xi32, #tpu.memory_space<vmem>>
    %dma_wait3A_283 = tpu.memref_squeeze %dma_wait3A_282 : memref<1x125xi32, #tpu.memory_space<vmem>> -> memref<125xi32, #tpu.memory_space<vmem>>
    %dma_wait3A_284 = arith.constant 0 : i32
    %dma_wait3A_285 = arith.constant 0 : i32
    %dma_wait3A_286 = tpu.memref_slice %arg2[%dma_wait3A_284, %dma_wait3A_285] : memref<10000x32xf32, #tpu.memory_space<hbm>> -> memref<10000x32xf32, #tpu.memory_space<hbm>>
    tpu.wait_indirect_dma semaphore(%arg7 : memref<!tpu.dma_semaphore, #tpu.memory_space<semaphore_mem>>) src(%dma_wait3A_286 : memref<10000x32xf32, #tpu.memory_space<hbm>>) dst(%dma_wait3A_280 : memref<125x32xf32, #tpu.memory_space<vmem>>)
    %dma_wait3A_287 = arith.constant 4 : i32
    %dma_wait3A_288 = arith.constant 500 : i32
    %dma_wait3A_289 = arith.constant 0 : i32
    %dma_wait3A_290 = tpu.memref_slice %arg6[%dma_wait3A_288, %dma_wait3A_289] : memref<1000x32xf32, #tpu.memory_space<vmem>> -> memref<125x32xf32, #tpu.memory_space<vmem>>
    %dma_wait3A_291 = arith.constant 0 : i32
    %dma_wait3A_292 = tpu.memref_slice %arg5[%dma_wait3A_287, %dma_wait3A_291] : memref<8x125xi32, #tpu.memory_space<vmem>> -> memref<1x125xi32, #tpu.memory_space<vmem>>
    %dma_wait3A_293 = tpu.memref_squeeze %dma_wait3A_292 : memref<1x125xi32, #tpu.memory_space<vmem>> -> memref<125xi32, #tpu.memory_space<vmem>>
    %dma_wait3A_294 = arith.constant 0 : i32
    %dma_wait3A_295 = arith.constant 0 : i32
    %dma_wait3A_296 = tpu.memref_slice %arg2[%dma_wait3A_294, %dma_wait3A_295] : memref<10000x32xf32, #tpu.memory_space<hbm>> -> memref<10000x32xf32, #tpu.memory_space<hbm>>
    tpu.wait_indirect_dma semaphore(%arg7 : memref<!tpu.dma_semaphore, #tpu.memory_space<semaphore_mem>>) src(%dma_wait3A_296 : memref<10000x32xf32, #tpu.memory_space<hbm>>) dst(%dma_wait3A_290 : memref<125x32xf32, #tpu.memory_space<vmem>>)
    %dma_wait3A_297 = arith.constant 5 : i32
    %dma_wait3A_298 = arith.constant 625 : i32
    %dma_wait3A_299 = arith.constant 0 : i32
    %dma_wait3A_300 = tpu.memref_slice %arg6[%dma_wait3A_298, %dma_wait3A_299] : memref<1000x32xf32, #tpu.memory_space<vmem>> -> memref<125x32xf32, #tpu.memory_space<vmem>>
    %dma_wait3A_301 = arith.constant 0 : i32
    %dma_wait3A_302 = tpu.memref_slice %arg5[%dma_wait3A_297, %dma_wait3A_301] : memref<8x125xi32, #tpu.memory_space<vmem>> -> memref<1x125xi32, #tpu.memory_space<vmem>>
    %dma_wait3A_303 = tpu.memref_squeeze %dma_wait3A_302 : memref<1x125xi32, #tpu.memory_space<vmem>> -> memref<125xi32, #tpu.memory_space<vmem>>
    %dma_wait3A_304 = arith.constant 0 : i32
    %dma_wait3A_305 = arith.constant 0 : i32
    %dma_wait3A_306 = tpu.memref_slice %arg2[%dma_wait3A_304, %dma_wait3A_305] : memref<10000x32xf32, #tpu.memory_space<hbm>> -> memref<10000x32xf32, #tpu.memory_space<hbm>>
    tpu.wait_indirect_dma semaphore(%arg7 : memref<!tpu.dma_semaphore, #tpu.memory_space<semaphore_mem>>) src(%dma_wait3A_306 : memref<10000x32xf32, #tpu.memory_space<hbm>>) dst(%dma_wait3A_300 : memref<125x32xf32, #tpu.memory_space<vmem>>)
    %dma_wait3A_307 = arith.constant 6 : i32
    %dma_wait3A_308 = arith.constant 750 : i32
    %dma_wait3A_309 = arith.constant 0 : i32
    %dma_wait3A_310 = tpu.memref_slice %arg6[%dma_wait3A_308, %dma_wait3A_309] : memref<1000x32xf32, #tpu.memory_space<vmem>> -> memref<125x32xf32, #tpu.memory_space<vmem>>
    %dma_wait3A_311 = arith.constant 0 : i32
    %dma_wait3A_312 = tpu.memref_slice %arg5[%dma_wait3A_307, %dma_wait3A_311] : memref<8x125xi32, #tpu.memory_space<vmem>> -> memref<1x125xi32, #tpu.memory_space<vmem>>
    %dma_wait3A_313 = tpu.memref_squeeze %dma_wait3A_312 : memref<1x125xi32, #tpu.memory_space<vmem>> -> memref<125xi32, #tpu.memory_space<vmem>>
    %dma_wait3A_314 = arith.constant 0 : i32
    %dma_wait3A_315 = arith.constant 0 : i32
    %dma_wait3A_316 = tpu.memref_slice %arg2[%dma_wait3A_314, %dma_wait3A_315] : memref<10000x32xf32, #tpu.memory_space<hbm>> -> memref<10000x32xf32, #tpu.memory_space<hbm>>
    tpu.wait_indirect_dma semaphore(%arg7 : memref<!tpu.dma_semaphore, #tpu.memory_space<semaphore_mem>>) src(%dma_wait3A_316 : memref<10000x32xf32, #tpu.memory_space<hbm>>) dst(%dma_wait3A_310 : memref<125x32xf32, #tpu.memory_space<vmem>>)
    %dma_wait3A_317 = arith.constant 7 : i32
    %dma_wait3A_318 = arith.constant 875 : i32
    %dma_wait3A_319 = arith.constant 0 : i32
    %dma_wait3A_320 = tpu.memref_slice %arg6[%dma_wait3A_318, %dma_wait3A_319] : memref<1000x32xf32, #tpu.memory_space<vmem>> -> memref<125x32xf32, #tpu.memory_space<vmem>>
    %dma_wait3A_321 = arith.constant 0 : i32
    %dma_wait3A_322 = tpu.memref_slice %arg5[%dma_wait3A_317, %dma_wait3A_321] : memref<8x125xi32, #tpu.memory_space<vmem>> -> memref<1x125xi32, #tpu.memory_space<vmem>>
    %dma_wait3A_323 = tpu.memref_squeeze %dma_wait3A_322 : memref<1x125xi32, #tpu.memory_space<vmem>> -> memref<125xi32, #tpu.memory_space<vmem>>
    %dma_wait3A_324 = arith.constant 0 : i32
    %dma_wait3A_325 = arith.constant 0 : i32
    %dma_wait3A_326 = tpu.memref_slice %arg2[%dma_wait3A_324, %dma_wait3A_325] : memref<10000x32xf32, #tpu.memory_space<hbm>> -> memref<10000x32xf32, #tpu.memory_space<hbm>>
    tpu.wait_indirect_dma semaphore(%arg7 : memref<!tpu.dma_semaphore, #tpu.memory_space<semaphore_mem>>) src(%dma_wait3A_326 : memref<10000x32xf32, #tpu.memory_space<hbm>>) dst(%dma_wait3A_320 : memref<125x32xf32, #tpu.memory_space<vmem>>)
    %mul3A_327 = arith.constant 125 : i32
    %mul3A_328 = arith.muli %add3A_166, %mul3A_327 : i32
    "tpu.region"() ({
      %run_scoped3A = tpu.sem_alloc : memref<!tpu.dma_semaphore, #tpu.memory_space<semaphore_mem>>
      %dma_start3A_821 = arith.constant 0 : i32
      %dma_start3A_822 = tpu.memref_slice %arg4[%mul3A_328, %dma_start3A_821] : memref<160000x32xf32, #tpu.memory_space<hbm>> -> memref<1000x32xf32, #tpu.memory_space<hbm>>
      %dma_start3A_823 = arith.constant 0 : i32
      %dma_start3A_824 = tpu.memref_slice %arg4[%mul3A_328, %dma_start3A_823] : memref<160000x32xf32, #tpu.memory_space<hbm>> -> memref<1000x32xf32, #tpu.memory_space<hbm>>
      tpu.enqueue_dma source(%arg6 : memref<1000x32xf32, #tpu.memory_space<vmem>>) target(%dma_start3A_824 : memref<1000x32xf32, #tpu.memory_space<hbm>>) target_semaphore(%run_scoped3A : memref<!tpu.dma_semaphore, #tpu.memory_space<semaphore_mem>>)
      %dma_wait3A_825 = arith.constant 0 : i32
      %dma_wait3A_826 = tpu.memref_slice %arg4[%mul3A_328, %dma_wait3A_825] : memref<160000x32xf32, #tpu.memory_space<hbm>> -> memref<1000x32xf32, #tpu.memory_space<hbm>>
      %dma_wait3A_827 = arith.constant 0 : i32
      %dma_wait3A_828 = tpu.memref_slice %arg4[%mul3A_328, %dma_wait3A_827] : memref<160000x32xf32, #tpu.memory_space<hbm>> -> memref<1000x32xf32, #tpu.memory_space<hbm>>
      tpu.wait_dma2 semaphore(%run_scoped3A : memref<!tpu.dma_semaphore, #tpu.memory_space<semaphore_mem>>) src(%arg6 : memref<1000x32xf32, #tpu.memory_space<vmem>>) dst(%dma_wait3A_828 : memref<1000x32xf32, #tpu.memory_space<hbm>>)
      tpu.yield
    }) : () -> ()
    %add3A_329 = arith.constant 16 : i32
    %add3A_330 = arith.addi %mul3A_2, %add3A_329 : i32
    "tpu.region"() ({
      %run_scoped3A = tpu.sem_alloc : memref<!tpu.dma_semaphore, #tpu.memory_space<semaphore_mem>>
      %dma_start3A_821 = arith.constant 0 : i32
      %dma_start3A_822 = tpu.memref_slice %arg3[%add3A_330, %dma_start3A_821] : memref<1280x125xi32, #tpu.memory_space<hbm>> -> memref<8x125xi32, #tpu.memory_space<hbm>>
      %dma_start3A_823 = arith.constant 0 : i32
      %dma_start3A_824 = tpu.memref_slice %arg3[%add3A_330, %dma_start3A_823] : memref<1280x125xi32, #tpu.memory_space<hbm>> -> memref<8x125xi32, #tpu.memory_space<hbm>>
      tpu.enqueue_dma source(%dma_start3A_824 : memref<8x125xi32, #tpu.memory_space<hbm>>) target(%arg5 : memref<8x125xi32, #tpu.memory_space<vmem>>) target_semaphore(%run_scoped3A : memref<!tpu.dma_semaphore, #tpu.memory_space<semaphore_mem>>)
      %dma_wait3A_825 = arith.constant 0 : i32
      %dma_wait3A_826 = tpu.memref_slice %arg3[%add3A_330, %dma_wait3A_825] : memref<1280x125xi32, #tpu.memory_space<hbm>> -> memref<8x125xi32, #tpu.memory_space<hbm>>
      %dma_wait3A_827 = arith.constant 0 : i32
      %dma_wait3A_828 = tpu.memref_slice %arg3[%add3A_330, %dma_wait3A_827] : memref<1280x125xi32, #tpu.memory_space<hbm>> -> memref<8x125xi32, #tpu.memory_space<hbm>>
      tpu.wait_dma2 semaphore(%run_scoped3A : memref<!tpu.dma_semaphore, #tpu.memory_space<semaphore_mem>>) src(%dma_wait3A_828 : memref<8x125xi32, #tpu.memory_space<hbm>>) dst(%arg5 : memref<8x125xi32, #tpu.memory_space<vmem>>)
      tpu.yield
    }) : () -> ()
    %dma_start3A_331 = arith.constant 0 : i32
    %dma_start3A_332 = arith.constant 0 : i32
    %dma_start3A_333 = arith.constant 0 : i32
    %dma_start3A_334 = tpu.memref_slice %arg6[%dma_start3A_332, %dma_start3A_333] : memref<1000x32xf32, #tpu.memory_space<vmem>> -> memref<125x32xf32, #tpu.memory_space<vmem>>
    %dma_start3A_335 = arith.constant 0 : i32
    %dma_start3A_336 = tpu.memref_slice %arg5[%dma_start3A_331, %dma_start3A_335] : memref<8x125xi32, #tpu.memory_space<vmem>> -> memref<1x125xi32, #tpu.memory_space<vmem>>
    %dma_start3A_337 = tpu.memref_squeeze %dma_start3A_336 : memref<1x125xi32, #tpu.memory_space<vmem>> -> memref<125xi32, #tpu.memory_space<vmem>>
    %dma_start3A_338 = arith.constant 0 : i32
    %dma_start3A_339 = arith.constant 0 : i32
    %dma_start3A_340 = tpu.memref_slice %arg2[%dma_start3A_338, %dma_start3A_339] : memref<10000x32xf32, #tpu.memory_space<hbm>> -> memref<10000x32xf32, #tpu.memory_space<hbm>>
    tpu.enqueue_indirect_dma source(%dma_start3A_340 : memref<10000x32xf32, #tpu.memory_space<hbm>>) target(%dma_start3A_334 : memref<125x32xf32, #tpu.memory_space<vmem>>) offsets(%dma_start3A_337 : memref<125xi32, #tpu.memory_space<vmem>>) semaphore(%arg7 : memref<!tpu.dma_semaphore, #tpu.memory_space<semaphore_mem>>)
    %dma_start3A_341 = arith.constant 1 : i32
    %dma_start3A_342 = arith.constant 125 : i32
    %dma_start3A_343 = arith.constant 0 : i32
    %dma_start3A_344 = tpu.memref_slice %arg6[%dma_start3A_342, %dma_start3A_343] : memref<1000x32xf32, #tpu.memory_space<vmem>> -> memref<125x32xf32, #tpu.memory_space<vmem>>
    %dma_start3A_345 = arith.constant 0 : i32
    %dma_start3A_346 = tpu.memref_slice %arg5[%dma_start3A_341, %dma_start3A_345] : memref<8x125xi32, #tpu.memory_space<vmem>> -> memref<1x125xi32, #tpu.memory_space<vmem>>
    %dma_start3A_347 = tpu.memref_squeeze %dma_start3A_346 : memref<1x125xi32, #tpu.memory_space<vmem>> -> memref<125xi32, #tpu.memory_space<vmem>>
    %dma_start3A_348 = arith.constant 0 : i32
    %dma_start3A_349 = arith.constant 0 : i32
    %dma_start3A_350 = tpu.memref_slice %arg2[%dma_start3A_348, %dma_start3A_349] : memref<10000x32xf32, #tpu.memory_space<hbm>> -> memref<10000x32xf32, #tpu.memory_space<hbm>>
    tpu.enqueue_indirect_dma source(%dma_start3A_350 : memref<10000x32xf32, #tpu.memory_space<hbm>>) target(%dma_start3A_344 : memref<125x32xf32, #tpu.memory_space<vmem>>) offsets(%dma_start3A_347 : memref<125xi32, #tpu.memory_space<vmem>>) semaphore(%arg7 : memref<!tpu.dma_semaphore, #tpu.memory_space<semaphore_mem>>)
    %dma_start3A_351 = arith.constant 2 : i32
    %dma_start3A_352 = arith.constant 250 : i32
    %dma_start3A_353 = arith.constant 0 : i32
    %dma_start3A_354 = tpu.memref_slice %arg6[%dma_start3A_352, %dma_start3A_353] : memref<1000x32xf32, #tpu.memory_space<vmem>> -> memref<125x32xf32, #tpu.memory_space<vmem>>
    %dma_start3A_355 = arith.constant 0 : i32
    %dma_start3A_356 = tpu.memref_slice %arg5[%dma_start3A_351, %dma_start3A_355] : memref<8x125xi32, #tpu.memory_space<vmem>> -> memref<1x125xi32, #tpu.memory_space<vmem>>
    %dma_start3A_357 = tpu.memref_squeeze %dma_start3A_356 : memref<1x125xi32, #tpu.memory_space<vmem>> -> memref<125xi32, #tpu.memory_space<vmem>>
    %dma_start3A_358 = arith.constant 0 : i32
    %dma_start3A_359 = arith.constant 0 : i32
    %dma_start3A_360 = tpu.memref_slice %arg2[%dma_start3A_358, %dma_start3A_359] : memref<10000x32xf32, #tpu.memory_space<hbm>> -> memref<10000x32xf32, #tpu.memory_space<hbm>>
    tpu.enqueue_indirect_dma source(%dma_start3A_360 : memref<10000x32xf32, #tpu.memory_space<hbm>>) target(%dma_start3A_354 : memref<125x32xf32, #tpu.memory_space<vmem>>) offsets(%dma_start3A_357 : memref<125xi32, #tpu.memory_space<vmem>>) semaphore(%arg7 : memref<!tpu.dma_semaphore, #tpu.memory_space<semaphore_mem>>)
    %dma_start3A_361 = arith.constant 3 : i32
    %dma_start3A_362 = arith.constant 375 : i32
    %dma_start3A_363 = arith.constant 0 : i32
    %dma_start3A_364 = tpu.memref_slice %arg6[%dma_start3A_362, %dma_start3A_363] : memref<1000x32xf32, #tpu.memory_space<vmem>> -> memref<125x32xf32, #tpu.memory_space<vmem>>
    %dma_start3A_365 = arith.constant 0 : i32
    %dma_start3A_366 = tpu.memref_slice %arg5[%dma_start3A_361, %dma_start3A_365] : memref<8x125xi32, #tpu.memory_space<vmem>> -> memref<1x125xi32, #tpu.memory_space<vmem>>
    %dma_start3A_367 = tpu.memref_squeeze %dma_start3A_366 : memref<1x125xi32, #tpu.memory_space<vmem>> -> memref<125xi32, #tpu.memory_space<vmem>>
    %dma_start3A_368 = arith.constant 0 : i32
    %dma_start3A_369 = arith.constant 0 : i32
    %dma_start3A_370 = tpu.memref_slice %arg2[%dma_start3A_368, %dma_start3A_369] : memref<10000x32xf32, #tpu.memory_space<hbm>> -> memref<10000x32xf32, #tpu.memory_space<hbm>>
    tpu.enqueue_indirect_dma source(%dma_start3A_370 : memref<10000x32xf32, #tpu.memory_space<hbm>>) target(%dma_start3A_364 : memref<125x32xf32, #tpu.memory_space<vmem>>) offsets(%dma_start3A_367 : memref<125xi32, #tpu.memory_space<vmem>>) semaphore(%arg7 : memref<!tpu.dma_semaphore, #tpu.memory_space<semaphore_mem>>)
    %dma_start3A_371 = arith.constant 4 : i32
    %dma_start3A_372 = arith.constant 500 : i32
    %dma_start3A_373 = arith.constant 0 : i32
    %dma_start3A_374 = tpu.memref_slice %arg6[%dma_start3A_372, %dma_start3A_373] : memref<1000x32xf32, #tpu.memory_space<vmem>> -> memref<125x32xf32, #tpu.memory_space<vmem>>
    %dma_start3A_375 = arith.constant 0 : i32
    %dma_start3A_376 = tpu.memref_slice %arg5[%dma_start3A_371, %dma_start3A_375] : memref<8x125xi32, #tpu.memory_space<vmem>> -> memref<1x125xi32, #tpu.memory_space<vmem>>
    %dma_start3A_377 = tpu.memref_squeeze %dma_start3A_376 : memref<1x125xi32, #tpu.memory_space<vmem>> -> memref<125xi32, #tpu.memory_space<vmem>>
    %dma_start3A_378 = arith.constant 0 : i32
    %dma_start3A_379 = arith.constant 0 : i32
    %dma_start3A_380 = tpu.memref_slice %arg2[%dma_start3A_378, %dma_start3A_379] : memref<10000x32xf32, #tpu.memory_space<hbm>> -> memref<10000x32xf32, #tpu.memory_space<hbm>>
    tpu.enqueue_indirect_dma source(%dma_start3A_380 : memref<10000x32xf32, #tpu.memory_space<hbm>>) target(%dma_start3A_374 : memref<125x32xf32, #tpu.memory_space<vmem>>) offsets(%dma_start3A_377 : memref<125xi32, #tpu.memory_space<vmem>>) semaphore(%arg7 : memref<!tpu.dma_semaphore, #tpu.memory_space<semaphore_mem>>)
    %dma_start3A_381 = arith.constant 5 : i32
    %dma_start3A_382 = arith.constant 625 : i32
    %dma_start3A_383 = arith.constant 0 : i32
    %dma_start3A_384 = tpu.memref_slice %arg6[%dma_start3A_382, %dma_start3A_383] : memref<1000x32xf32, #tpu.memory_space<vmem>> -> memref<125x32xf32, #tpu.memory_space<vmem>>
    %dma_start3A_385 = arith.constant 0 : i32
    %dma_start3A_386 = tpu.memref_slice %arg5[%dma_start3A_381, %dma_start3A_385] : memref<8x125xi32, #tpu.memory_space<vmem>> -> memref<1x125xi32, #tpu.memory_space<vmem>>
    %dma_start3A_387 = tpu.memref_squeeze %dma_start3A_386 : memref<1x125xi32, #tpu.memory_space<vmem>> -> memref<125xi32, #tpu.memory_space<vmem>>
    %dma_start3A_388 = arith.constant 0 : i32
    %dma_start3A_389 = arith.constant 0 : i32
    %dma_start3A_390 = tpu.memref_slice %arg2[%dma_start3A_388, %dma_start3A_389] : memref<10000x32xf32, #tpu.memory_space<hbm>> -> memref<10000x32xf32, #tpu.memory_space<hbm>>
    tpu.enqueue_indirect_dma source(%dma_start3A_390 : memref<10000x32xf32, #tpu.memory_space<hbm>>) target(%dma_start3A_384 : memref<125x32xf32, #tpu.memory_space<vmem>>) offsets(%dma_start3A_387 : memref<125xi32, #tpu.memory_space<vmem>>) semaphore(%arg7 : memref<!tpu.dma_semaphore, #tpu.memory_space<semaphore_mem>>)
    %dma_start3A_391 = arith.constant 6 : i32
    %dma_start3A_392 = arith.constant 750 : i32
    %dma_start3A_393 = arith.constant 0 : i32
    %dma_start3A_394 = tpu.memref_slice %arg6[%dma_start3A_392, %dma_start3A_393] : memref<1000x32xf32, #tpu.memory_space<vmem>> -> memref<125x32xf32, #tpu.memory_space<vmem>>
    %dma_start3A_395 = arith.constant 0 : i32
    %dma_start3A_396 = tpu.memref_slice %arg5[%dma_start3A_391, %dma_start3A_395] : memref<8x125xi32, #tpu.memory_space<vmem>> -> memref<1x125xi32, #tpu.memory_space<vmem>>
    %dma_start3A_397 = tpu.memref_squeeze %dma_start3A_396 : memref<1x125xi32, #tpu.memory_space<vmem>> -> memref<125xi32, #tpu.memory_space<vmem>>
    %dma_start3A_398 = arith.constant 0 : i32
    %dma_start3A_399 = arith.constant 0 : i32
    %dma_start3A_400 = tpu.memref_slice %arg2[%dma_start3A_398, %dma_start3A_399] : memref<10000x32xf32, #tpu.memory_space<hbm>> -> memref<10000x32xf32, #tpu.memory_space<hbm>>
    tpu.enqueue_indirect_dma source(%dma_start3A_400 : memref<10000x32xf32, #tpu.memory_space<hbm>>) target(%dma_start3A_394 : memref<125x32xf32, #tpu.memory_space<vmem>>) offsets(%dma_start3A_397 : memref<125xi32, #tpu.memory_space<vmem>>) semaphore(%arg7 : memref<!tpu.dma_semaphore, #tpu.memory_space<semaphore_mem>>)
    %dma_start3A_401 = arith.constant 7 : i32
    %dma_start3A_402 = arith.constant 875 : i32
    %dma_start3A_403 = arith.constant 0 : i32
    %dma_start3A_404 = tpu.memref_slice %arg6[%dma_start3A_402, %dma_start3A_403] : memref<1000x32xf32, #tpu.memory_space<vmem>> -> memref<125x32xf32, #tpu.memory_space<vmem>>
    %dma_start3A_405 = arith.constant 0 : i32
    %dma_start3A_406 = tpu.memref_slice %arg5[%dma_start3A_401, %dma_start3A_405] : memref<8x125xi32, #tpu.memory_space<vmem>> -> memref<1x125xi32, #tpu.memory_space<vmem>>
    %dma_start3A_407 = tpu.memref_squeeze %dma_start3A_406 : memref<1x125xi32, #tpu.memory_space<vmem>> -> memref<125xi32, #tpu.memory_space<vmem>>
    %dma_start3A_408 = arith.constant 0 : i32
    %dma_start3A_409 = arith.constant 0 : i32
    %dma_start3A_410 = tpu.memref_slice %arg2[%dma_start3A_408, %dma_start3A_409] : memref<10000x32xf32, #tpu.memory_space<hbm>> -> memref<10000x32xf32, #tpu.memory_space<hbm>>
    tpu.enqueue_indirect_dma source(%dma_start3A_410 : memref<10000x32xf32, #tpu.memory_space<hbm>>) target(%dma_start3A_404 : memref<125x32xf32, #tpu.memory_space<vmem>>) offsets(%dma_start3A_407 : memref<125xi32, #tpu.memory_space<vmem>>) semaphore(%arg7 : memref<!tpu.dma_semaphore, #tpu.memory_space<semaphore_mem>>)
    %dma_wait3A_411 = arith.constant 0 : i32
    %dma_wait3A_412 = arith.constant 0 : i32
    %dma_wait3A_413 = arith.constant 0 : i32
    %dma_wait3A_414 = tpu.memref_slice %arg6[%dma_wait3A_412, %dma_wait3A_413] : memref<1000x32xf32, #tpu.memory_space<vmem>> -> memref<125x32xf32, #tpu.memory_space<vmem>>
    %dma_wait3A_415 = arith.constant 0 : i32
    %dma_wait3A_416 = tpu.memref_slice %arg5[%dma_wait3A_411, %dma_wait3A_415] : memref<8x125xi32, #tpu.memory_space<vmem>> -> memref<1x125xi32, #tpu.memory_space<vmem>>
    %dma_wait3A_417 = tpu.memref_squeeze %dma_wait3A_416 : memref<1x125xi32, #tpu.memory_space<vmem>> -> memref<125xi32, #tpu.memory_space<vmem>>
    %dma_wait3A_418 = arith.constant 0 : i32
    %dma_wait3A_419 = arith.constant 0 : i32
    %dma_wait3A_420 = tpu.memref_slice %arg2[%dma_wait3A_418, %dma_wait3A_419] : memref<10000x32xf32, #tpu.memory_space<hbm>> -> memref<10000x32xf32, #tpu.memory_space<hbm>>
    tpu.wait_indirect_dma semaphore(%arg7 : memref<!tpu.dma_semaphore, #tpu.memory_space<semaphore_mem>>) src(%dma_wait3A_420 : memref<10000x32xf32, #tpu.memory_space<hbm>>) dst(%dma_wait3A_414 : memref<125x32xf32, #tpu.memory_space<vmem>>)
    %dma_wait3A_421 = arith.constant 1 : i32
    %dma_wait3A_422 = arith.constant 125 : i32
    %dma_wait3A_423 = arith.constant 0 : i32
    %dma_wait3A_424 = tpu.memref_slice %arg6[%dma_wait3A_422, %dma_wait3A_423] : memref<1000x32xf32, #tpu.memory_space<vmem>> -> memref<125x32xf32, #tpu.memory_space<vmem>>
    %dma_wait3A_425 = arith.constant 0 : i32
    %dma_wait3A_426 = tpu.memref_slice %arg5[%dma_wait3A_421, %dma_wait3A_425] : memref<8x125xi32, #tpu.memory_space<vmem>> -> memref<1x125xi32, #tpu.memory_space<vmem>>
    %dma_wait3A_427 = tpu.memref_squeeze %dma_wait3A_426 : memref<1x125xi32, #tpu.memory_space<vmem>> -> memref<125xi32, #tpu.memory_space<vmem>>
    %dma_wait3A_428 = arith.constant 0 : i32
    %dma_wait3A_429 = arith.constant 0 : i32
    %dma_wait3A_430 = tpu.memref_slice %arg2[%dma_wait3A_428, %dma_wait3A_429] : memref<10000x32xf32, #tpu.memory_space<hbm>> -> memref<10000x32xf32, #tpu.memory_space<hbm>>
    tpu.wait_indirect_dma semaphore(%arg7 : memref<!tpu.dma_semaphore, #tpu.memory_space<semaphore_mem>>) src(%dma_wait3A_430 : memref<10000x32xf32, #tpu.memory_space<hbm>>) dst(%dma_wait3A_424 : memref<125x32xf32, #tpu.memory_space<vmem>>)
    %dma_wait3A_431 = arith.constant 2 : i32
    %dma_wait3A_432 = arith.constant 250 : i32
    %dma_wait3A_433 = arith.constant 0 : i32
    %dma_wait3A_434 = tpu.memref_slice %arg6[%dma_wait3A_432, %dma_wait3A_433] : memref<1000x32xf32, #tpu.memory_space<vmem>> -> memref<125x32xf32, #tpu.memory_space<vmem>>
    %dma_wait3A_435 = arith.constant 0 : i32
    %dma_wait3A_436 = tpu.memref_slice %arg5[%dma_wait3A_431, %dma_wait3A_435] : memref<8x125xi32, #tpu.memory_space<vmem>> -> memref<1x125xi32, #tpu.memory_space<vmem>>
    %dma_wait3A_437 = tpu.memref_squeeze %dma_wait3A_436 : memref<1x125xi32, #tpu.memory_space<vmem>> -> memref<125xi32, #tpu.memory_space<vmem>>
    %dma_wait3A_438 = arith.constant 0 : i32
    %dma_wait3A_439 = arith.constant 0 : i32
    %dma_wait3A_440 = tpu.memref_slice %arg2[%dma_wait3A_438, %dma_wait3A_439] : memref<10000x32xf32, #tpu.memory_space<hbm>> -> memref<10000x32xf32, #tpu.memory_space<hbm>>
    tpu.wait_indirect_dma semaphore(%arg7 : memref<!tpu.dma_semaphore, #tpu.memory_space<semaphore_mem>>) src(%dma_wait3A_440 : memref<10000x32xf32, #tpu.memory_space<hbm>>) dst(%dma_wait3A_434 : memref<125x32xf32, #tpu.memory_space<vmem>>)
    %dma_wait3A_441 = arith.constant 3 : i32
    %dma_wait3A_442 = arith.constant 375 : i32
    %dma_wait3A_443 = arith.constant 0 : i32
    %dma_wait3A_444 = tpu.memref_slice %arg6[%dma_wait3A_442, %dma_wait3A_443] : memref<1000x32xf32, #tpu.memory_space<vmem>> -> memref<125x32xf32, #tpu.memory_space<vmem>>
    %dma_wait3A_445 = arith.constant 0 : i32
    %dma_wait3A_446 = tpu.memref_slice %arg5[%dma_wait3A_441, %dma_wait3A_445] : memref<8x125xi32, #tpu.memory_space<vmem>> -> memref<1x125xi32, #tpu.memory_space<vmem>>
    %dma_wait3A_447 = tpu.memref_squeeze %dma_wait3A_446 : memref<1x125xi32, #tpu.memory_space<vmem>> -> memref<125xi32, #tpu.memory_space<vmem>>
    %dma_wait3A_448 = arith.constant 0 : i32
    %dma_wait3A_449 = arith.constant 0 : i32
    %dma_wait3A_450 = tpu.memref_slice %arg2[%dma_wait3A_448, %dma_wait3A_449] : memref<10000x32xf32, #tpu.memory_space<hbm>> -> memref<10000x32xf32, #tpu.memory_space<hbm>>
    tpu.wait_indirect_dma semaphore(%arg7 : memref<!tpu.dma_semaphore, #tpu.memory_space<semaphore_mem>>) src(%dma_wait3A_450 : memref<10000x32xf32, #tpu.memory_space<hbm>>) dst(%dma_wait3A_444 : memref<125x32xf32, #tpu.memory_space<vmem>>)
    %dma_wait3A_451 = arith.constant 4 : i32
    %dma_wait3A_452 = arith.constant 500 : i32
    %dma_wait3A_453 = arith.constant 0 : i32
    %dma_wait3A_454 = tpu.memref_slice %arg6[%dma_wait3A_452, %dma_wait3A_453] : memref<1000x32xf32, #tpu.memory_space<vmem>> -> memref<125x32xf32, #tpu.memory_space<vmem>>
    %dma_wait3A_455 = arith.constant 0 : i32
    %dma_wait3A_456 = tpu.memref_slice %arg5[%dma_wait3A_451, %dma_wait3A_455] : memref<8x125xi32, #tpu.memory_space<vmem>> -> memref<1x125xi32, #tpu.memory_space<vmem>>
    %dma_wait3A_457 = tpu.memref_squeeze %dma_wait3A_456 : memref<1x125xi32, #tpu.memory_space<vmem>> -> memref<125xi32, #tpu.memory_space<vmem>>
    %dma_wait3A_458 = arith.constant 0 : i32
    %dma_wait3A_459 = arith.constant 0 : i32
    %dma_wait3A_460 = tpu.memref_slice %arg2[%dma_wait3A_458, %dma_wait3A_459] : memref<10000x32xf32, #tpu.memory_space<hbm>> -> memref<10000x32xf32, #tpu.memory_space<hbm>>
    tpu.wait_indirect_dma semaphore(%arg7 : memref<!tpu.dma_semaphore, #tpu.memory_space<semaphore_mem>>) src(%dma_wait3A_460 : memref<10000x32xf32, #tpu.memory_space<hbm>>) dst(%dma_wait3A_454 : memref<125x32xf32, #tpu.memory_space<vmem>>)
    %dma_wait3A_461 = arith.constant 5 : i32
    %dma_wait3A_462 = arith.constant 625 : i32
    %dma_wait3A_463 = arith.constant 0 : i32
    %dma_wait3A_464 = tpu.memref_slice %arg6[%dma_wait3A_462, %dma_wait3A_463] : memref<1000x32xf32, #tpu.memory_space<vmem>> -> memref<125x32xf32, #tpu.memory_space<vmem>>
    %dma_wait3A_465 = arith.constant 0 : i32
    %dma_wait3A_466 = tpu.memref_slice %arg5[%dma_wait3A_461, %dma_wait3A_465] : memref<8x125xi32, #tpu.memory_space<vmem>> -> memref<1x125xi32, #tpu.memory_space<vmem>>
    %dma_wait3A_467 = tpu.memref_squeeze %dma_wait3A_466 : memref<1x125xi32, #tpu.memory_space<vmem>> -> memref<125xi32, #tpu.memory_space<vmem>>
    %dma_wait3A_468 = arith.constant 0 : i32
    %dma_wait3A_469 = arith.constant 0 : i32
    %dma_wait3A_470 = tpu.memref_slice %arg2[%dma_wait3A_468, %dma_wait3A_469] : memref<10000x32xf32, #tpu.memory_space<hbm>> -> memref<10000x32xf32, #tpu.memory_space<hbm>>
    tpu.wait_indirect_dma semaphore(%arg7 : memref<!tpu.dma_semaphore, #tpu.memory_space<semaphore_mem>>) src(%dma_wait3A_470 : memref<10000x32xf32, #tpu.memory_space<hbm>>) dst(%dma_wait3A_464 : memref<125x32xf32, #tpu.memory_space<vmem>>)
    %dma_wait3A_471 = arith.constant 6 : i32
    %dma_wait3A_472 = arith.constant 750 : i32
    %dma_wait3A_473 = arith.constant 0 : i32
    %dma_wait3A_474 = tpu.memref_slice %arg6[%dma_wait3A_472, %dma_wait3A_473] : memref<1000x32xf32, #tpu.memory_space<vmem>> -> memref<125x32xf32, #tpu.memory_space<vmem>>
    %dma_wait3A_475 = arith.constant 0 : i32
    %dma_wait3A_476 = tpu.memref_slice %arg5[%dma_wait3A_471, %dma_wait3A_475] : memref<8x125xi32, #tpu.memory_space<vmem>> -> memref<1x125xi32, #tpu.memory_space<vmem>>
    %dma_wait3A_477 = tpu.memref_squeeze %dma_wait3A_476 : memref<1x125xi32, #tpu.memory_space<vmem>> -> memref<125xi32, #tpu.memory_space<vmem>>
    %dma_wait3A_478 = arith.constant 0 : i32
    %dma_wait3A_479 = arith.constant 0 : i32
    %dma_wait3A_480 = tpu.memref_slice %arg2[%dma_wait3A_478, %dma_wait3A_479] : memref<10000x32xf32, #tpu.memory_space<hbm>> -> memref<10000x32xf32, #tpu.memory_space<hbm>>
    tpu.wait_indirect_dma semaphore(%arg7 : memref<!tpu.dma_semaphore, #tpu.memory_space<semaphore_mem>>) src(%dma_wait3A_480 : memref<10000x32xf32, #tpu.memory_space<hbm>>) dst(%dma_wait3A_474 : memref<125x32xf32, #tpu.memory_space<vmem>>)
    %dma_wait3A_481 = arith.constant 7 : i32
    %dma_wait3A_482 = arith.constant 875 : i32
    %dma_wait3A_483 = arith.constant 0 : i32
    %dma_wait3A_484 = tpu.memref_slice %arg6[%dma_wait3A_482, %dma_wait3A_483] : memref<1000x32xf32, #tpu.memory_space<vmem>> -> memref<125x32xf32, #tpu.memory_space<vmem>>
    %dma_wait3A_485 = arith.constant 0 : i32
    %dma_wait3A_486 = tpu.memref_slice %arg5[%dma_wait3A_481, %dma_wait3A_485] : memref<8x125xi32, #tpu.memory_space<vmem>> -> memref<1x125xi32, #tpu.memory_space<vmem>>
    %dma_wait3A_487 = tpu.memref_squeeze %dma_wait3A_486 : memref<1x125xi32, #tpu.memory_space<vmem>> -> memref<125xi32, #tpu.memory_space<vmem>>
    %dma_wait3A_488 = arith.constant 0 : i32
    %dma_wait3A_489 = arith.constant 0 : i32
    %dma_wait3A_490 = tpu.memref_slice %arg2[%dma_wait3A_488, %dma_wait3A_489] : memref<10000x32xf32, #tpu.memory_space<hbm>> -> memref<10000x32xf32, #tpu.memory_space<hbm>>
    tpu.wait_indirect_dma semaphore(%arg7 : memref<!tpu.dma_semaphore, #tpu.memory_space<semaphore_mem>>) src(%dma_wait3A_490 : memref<10000x32xf32, #tpu.memory_space<hbm>>) dst(%dma_wait3A_484 : memref<125x32xf32, #tpu.memory_space<vmem>>)
    %mul3A_491 = arith.constant 125 : i32
    %mul3A_492 = arith.muli %add3A_330, %mul3A_491 : i32
    "tpu.region"() ({
      %run_scoped3A = tpu.sem_alloc : memref<!tpu.dma_semaphore, #tpu.memory_space<semaphore_mem>>
      %dma_start3A_821 = arith.constant 0 : i32
      %dma_start3A_822 = tpu.memref_slice %arg4[%mul3A_492, %dma_start3A_821] : memref<160000x32xf32, #tpu.memory_space<hbm>> -> memref<1000x32xf32, #tpu.memory_space<hbm>>
      %dma_start3A_823 = arith.constant 0 : i32
      %dma_start3A_824 = tpu.memref_slice %arg4[%mul3A_492, %dma_start3A_823] : memref<160000x32xf32, #tpu.memory_space<hbm>> -> memref<1000x32xf32, #tpu.memory_space<hbm>>
      tpu.enqueue_dma source(%arg6 : memref<1000x32xf32, #tpu.memory_space<vmem>>) target(%dma_start3A_824 : memref<1000x32xf32, #tpu.memory_space<hbm>>) target_semaphore(%run_scoped3A : memref<!tpu.dma_semaphore, #tpu.memory_space<semaphore_mem>>)
      %dma_wait3A_825 = arith.constant 0 : i32
      %dma_wait3A_826 = tpu.memref_slice %arg4[%mul3A_492, %dma_wait3A_825] : memref<160000x32xf32, #tpu.memory_space<hbm>> -> memref<1000x32xf32, #tpu.memory_space<hbm>>
      %dma_wait3A_827 = arith.constant 0 : i32
      %dma_wait3A_828 = tpu.memref_slice %arg4[%mul3A_492, %dma_wait3A_827] : memref<160000x32xf32, #tpu.memory_space<hbm>> -> memref<1000x32xf32, #tpu.memory_space<hbm>>
      tpu.wait_dma2 semaphore(%run_scoped3A : memref<!tpu.dma_semaphore, #tpu.memory_space<semaphore_mem>>) src(%arg6 : memref<1000x32xf32, #tpu.memory_space<vmem>>) dst(%dma_wait3A_828 : memref<1000x32xf32, #tpu.memory_space<hbm>>)
      tpu.yield
    }) : () -> ()
    %add3A_493 = arith.constant 24 : i32
    %add3A_494 = arith.addi %mul3A_2, %add3A_493 : i32
    "tpu.region"() ({
      %run_scoped3A = tpu.sem_alloc : memref<!tpu.dma_semaphore, #tpu.memory_space<semaphore_mem>>
      %dma_start3A_821 = arith.constant 0 : i32
      %dma_start3A_822 = tpu.memref_slice %arg3[%add3A_494, %dma_start3A_821] : memref<1280x125xi32, #tpu.memory_space<hbm>> -> memref<8x125xi32, #tpu.memory_space<hbm>>
      %dma_start3A_823 = arith.constant 0 : i32
      %dma_start3A_824 = tpu.memref_slice %arg3[%add3A_494, %dma_start3A_823] : memref<1280x125xi32, #tpu.memory_space<hbm>> -> memref<8x125xi32, #tpu.memory_space<hbm>>
      tpu.enqueue_dma source(%dma_start3A_824 : memref<8x125xi32, #tpu.memory_space<hbm>>) target(%arg5 : memref<8x125xi32, #tpu.memory_space<vmem>>) target_semaphore(%run_scoped3A : memref<!tpu.dma_semaphore, #tpu.memory_space<semaphore_mem>>)
      %dma_wait3A_825 = arith.constant 0 : i32
      %dma_wait3A_826 = tpu.memref_slice %arg3[%add3A_494, %dma_wait3A_825] : memref<1280x125xi32, #tpu.memory_space<hbm>> -> memref<8x125xi32, #tpu.memory_space<hbm>>
      %dma_wait3A_827 = arith.constant 0 : i32
      %dma_wait3A_828 = tpu.memref_slice %arg3[%add3A_494, %dma_wait3A_827] : memref<1280x125xi32, #tpu.memory_space<hbm>> -> memref<8x125xi32, #tpu.memory_space<hbm>>
      tpu.wait_dma2 semaphore(%run_scoped3A : memref<!tpu.dma_semaphore, #tpu.memory_space<semaphore_mem>>) src(%dma_wait3A_828 : memref<8x125xi32, #tpu.memory_space<hbm>>) dst(%arg5 : memref<8x125xi32, #tpu.memory_space<vmem>>)
      tpu.yield
    }) : () -> ()
    %dma_start3A_495 = arith.constant 0 : i32
    %dma_start3A_496 = arith.constant 0 : i32
    %dma_start3A_497 = arith.constant 0 : i32
    %dma_start3A_498 = tpu.memref_slice %arg6[%dma_start3A_496, %dma_start3A_497] : memref<1000x32xf32, #tpu.memory_space<vmem>> -> memref<125x32xf32, #tpu.memory_space<vmem>>
    %dma_start3A_499 = arith.constant 0 : i32
    %dma_start3A_500 = tpu.memref_slice %arg5[%dma_start3A_495, %dma_start3A_499] : memref<8x125xi32, #tpu.memory_space<vmem>> -> memref<1x125xi32, #tpu.memory_space<vmem>>
    %dma_start3A_501 = tpu.memref_squeeze %dma_start3A_500 : memref<1x125xi32, #tpu.memory_space<vmem>> -> memref<125xi32, #tpu.memory_space<vmem>>
    %dma_start3A_502 = arith.constant 0 : i32
    %dma_start3A_503 = arith.constant 0 : i32
    %dma_start3A_504 = tpu.memref_slice %arg2[%dma_start3A_502, %dma_start3A_503] : memref<10000x32xf32, #tpu.memory_space<hbm>> -> memref<10000x32xf32, #tpu.memory_space<hbm>>
    tpu.enqueue_indirect_dma source(%dma_start3A_504 : memref<10000x32xf32, #tpu.memory_space<hbm>>) target(%dma_start3A_498 : memref<125x32xf32, #tpu.memory_space<vmem>>) offsets(%dma_start3A_501 : memref<125xi32, #tpu.memory_space<vmem>>) semaphore(%arg7 : memref<!tpu.dma_semaphore, #tpu.memory_space<semaphore_mem>>)
    %dma_start3A_505 = arith.constant 1 : i32
    %dma_start3A_506 = arith.constant 125 : i32
    %dma_start3A_507 = arith.constant 0 : i32
    %dma_start3A_508 = tpu.memref_slice %arg6[%dma_start3A_506, %dma_start3A_507] : memref<1000x32xf32, #tpu.memory_space<vmem>> -> memref<125x32xf32, #tpu.memory_space<vmem>>
    %dma_start3A_509 = arith.constant 0 : i32
    %dma_start3A_510 = tpu.memref_slice %arg5[%dma_start3A_505, %dma_start3A_509] : memref<8x125xi32, #tpu.memory_space<vmem>> -> memref<1x125xi32, #tpu.memory_space<vmem>>
    %dma_start3A_511 = tpu.memref_squeeze %dma_start3A_510 : memref<1x125xi32, #tpu.memory_space<vmem>> -> memref<125xi32, #tpu.memory_space<vmem>>
    %dma_start3A_512 = arith.constant 0 : i32
    %dma_start3A_513 = arith.constant 0 : i32
    %dma_start3A_514 = tpu.memref_slice %arg2[%dma_start3A_512, %dma_start3A_513] : memref<10000x32xf32, #tpu.memory_space<hbm>> -> memref<10000x32xf32, #tpu.memory_space<hbm>>
    tpu.enqueue_indirect_dma source(%dma_start3A_514 : memref<10000x32xf32, #tpu.memory_space<hbm>>) target(%dma_start3A_508 : memref<125x32xf32, #tpu.memory_space<vmem>>) offsets(%dma_start3A_511 : memref<125xi32, #tpu.memory_space<vmem>>) semaphore(%arg7 : memref<!tpu.dma_semaphore, #tpu.memory_space<semaphore_mem>>)
    %dma_start3A_515 = arith.constant 2 : i32
    %dma_start3A_516 = arith.constant 250 : i32
    %dma_start3A_517 = arith.constant 0 : i32
    %dma_start3A_518 = tpu.memref_slice %arg6[%dma_start3A_516, %dma_start3A_517] : memref<1000x32xf32, #tpu.memory_space<vmem>> -> memref<125x32xf32, #tpu.memory_space<vmem>>
    %dma_start3A_519 = arith.constant 0 : i32
    %dma_start3A_520 = tpu.memref_slice %arg5[%dma_start3A_515, %dma_start3A_519] : memref<8x125xi32, #tpu.memory_space<vmem>> -> memref<1x125xi32, #tpu.memory_space<vmem>>
    %dma_start3A_521 = tpu.memref_squeeze %dma_start3A_520 : memref<1x125xi32, #tpu.memory_space<vmem>> -> memref<125xi32, #tpu.memory_space<vmem>>
    %dma_start3A_522 = arith.constant 0 : i32
    %dma_start3A_523 = arith.constant 0 : i32
    %dma_start3A_524 = tpu.memref_slice %arg2[%dma_start3A_522, %dma_start3A_523] : memref<10000x32xf32, #tpu.memory_space<hbm>> -> memref<10000x32xf32, #tpu.memory_space<hbm>>
    tpu.enqueue_indirect_dma source(%dma_start3A_524 : memref<10000x32xf32, #tpu.memory_space<hbm>>) target(%dma_start3A_518 : memref<125x32xf32, #tpu.memory_space<vmem>>) offsets(%dma_start3A_521 : memref<125xi32, #tpu.memory_space<vmem>>) semaphore(%arg7 : memref<!tpu.dma_semaphore, #tpu.memory_space<semaphore_mem>>)
    %dma_start3A_525 = arith.constant 3 : i32
    %dma_start3A_526 = arith.constant 375 : i32
    %dma_start3A_527 = arith.constant 0 : i32
    %dma_start3A_528 = tpu.memref_slice %arg6[%dma_start3A_526, %dma_start3A_527] : memref<1000x32xf32, #tpu.memory_space<vmem>> -> memref<125x32xf32, #tpu.memory_space<vmem>>
    %dma_start3A_529 = arith.constant 0 : i32
    %dma_start3A_530 = tpu.memref_slice %arg5[%dma_start3A_525, %dma_start3A_529] : memref<8x125xi32, #tpu.memory_space<vmem>> -> memref<1x125xi32, #tpu.memory_space<vmem>>
    %dma_start3A_531 = tpu.memref_squeeze %dma_start3A_530 : memref<1x125xi32, #tpu.memory_space<vmem>> -> memref<125xi32, #tpu.memory_space<vmem>>
    %dma_start3A_532 = arith.constant 0 : i32
    %dma_start3A_533 = arith.constant 0 : i32
    %dma_start3A_534 = tpu.memref_slice %arg2[%dma_start3A_532, %dma_start3A_533] : memref<10000x32xf32, #tpu.memory_space<hbm>> -> memref<10000x32xf32, #tpu.memory_space<hbm>>
    tpu.enqueue_indirect_dma source(%dma_start3A_534 : memref<10000x32xf32, #tpu.memory_space<hbm>>) target(%dma_start3A_528 : memref<125x32xf32, #tpu.memory_space<vmem>>) offsets(%dma_start3A_531 : memref<125xi32, #tpu.memory_space<vmem>>) semaphore(%arg7 : memref<!tpu.dma_semaphore, #tpu.memory_space<semaphore_mem>>)
    %dma_start3A_535 = arith.constant 4 : i32
    %dma_start3A_536 = arith.constant 500 : i32
    %dma_start3A_537 = arith.constant 0 : i32
    %dma_start3A_538 = tpu.memref_slice %arg6[%dma_start3A_536, %dma_start3A_537] : memref<1000x32xf32, #tpu.memory_space<vmem>> -> memref<125x32xf32, #tpu.memory_space<vmem>>
    %dma_start3A_539 = arith.constant 0 : i32
    %dma_start3A_540 = tpu.memref_slice %arg5[%dma_start3A_535, %dma_start3A_539] : memref<8x125xi32, #tpu.memory_space<vmem>> -> memref<1x125xi32, #tpu.memory_space<vmem>>
    %dma_start3A_541 = tpu.memref_squeeze %dma_start3A_540 : memref<1x125xi32, #tpu.memory_space<vmem>> -> memref<125xi32, #tpu.memory_space<vmem>>
    %dma_start3A_542 = arith.constant 0 : i32
    %dma_start3A_543 = arith.constant 0 : i32
    %dma_start3A_544 = tpu.memref_slice %arg2[%dma_start3A_542, %dma_start3A_543] : memref<10000x32xf32, #tpu.memory_space<hbm>> -> memref<10000x32xf32, #tpu.memory_space<hbm>>
    tpu.enqueue_indirect_dma source(%dma_start3A_544 : memref<10000x32xf32, #tpu.memory_space<hbm>>) target(%dma_start3A_538 : memref<125x32xf32, #tpu.memory_space<vmem>>) offsets(%dma_start3A_541 : memref<125xi32, #tpu.memory_space<vmem>>) semaphore(%arg7 : memref<!tpu.dma_semaphore, #tpu.memory_space<semaphore_mem>>)
    %dma_start3A_545 = arith.constant 5 : i32
    %dma_start3A_546 = arith.constant 625 : i32
    %dma_start3A_547 = arith.constant 0 : i32
    %dma_start3A_548 = tpu.memref_slice %arg6[%dma_start3A_546, %dma_start3A_547] : memref<1000x32xf32, #tpu.memory_space<vmem>> -> memref<125x32xf32, #tpu.memory_space<vmem>>
    %dma_start3A_549 = arith.constant 0 : i32
    %dma_start3A_550 = tpu.memref_slice %arg5[%dma_start3A_545, %dma_start3A_549] : memref<8x125xi32, #tpu.memory_space<vmem>> -> memref<1x125xi32, #tpu.memory_space<vmem>>
    %dma_start3A_551 = tpu.memref_squeeze %dma_start3A_550 : memref<1x125xi32, #tpu.memory_space<vmem>> -> memref<125xi32, #tpu.memory_space<vmem>>
    %dma_start3A_552 = arith.constant 0 : i32
    %dma_start3A_553 = arith.constant 0 : i32
    %dma_start3A_554 = tpu.memref_slice %arg2[%dma_start3A_552, %dma_start3A_553] : memref<10000x32xf32, #tpu.memory_space<hbm>> -> memref<10000x32xf32, #tpu.memory_space<hbm>>
    tpu.enqueue_indirect_dma source(%dma_start3A_554 : memref<10000x32xf32, #tpu.memory_space<hbm>>) target(%dma_start3A_548 : memref<125x32xf32, #tpu.memory_space<vmem>>) offsets(%dma_start3A_551 : memref<125xi32, #tpu.memory_space<vmem>>) semaphore(%arg7 : memref<!tpu.dma_semaphore, #tpu.memory_space<semaphore_mem>>)
    %dma_start3A_555 = arith.constant 6 : i32
    %dma_start3A_556 = arith.constant 750 : i32
    %dma_start3A_557 = arith.constant 0 : i32
    %dma_start3A_558 = tpu.memref_slice %arg6[%dma_start3A_556, %dma_start3A_557] : memref<1000x32xf32, #tpu.memory_space<vmem>> -> memref<125x32xf32, #tpu.memory_space<vmem>>
    %dma_start3A_559 = arith.constant 0 : i32
    %dma_start3A_560 = tpu.memref_slice %arg5[%dma_start3A_555, %dma_start3A_559] : memref<8x125xi32, #tpu.memory_space<vmem>> -> memref<1x125xi32, #tpu.memory_space<vmem>>
    %dma_start3A_561 = tpu.memref_squeeze %dma_start3A_560 : memref<1x125xi32, #tpu.memory_space<vmem>> -> memref<125xi32, #tpu.memory_space<vmem>>
    %dma_start3A_562 = arith.constant 0 : i32
    %dma_start3A_563 = arith.constant 0 : i32
    %dma_start3A_564 = tpu.memref_slice %arg2[%dma_start3A_562, %dma_start3A_563] : memref<10000x32xf32, #tpu.memory_space<hbm>> -> memref<10000x32xf32, #tpu.memory_space<hbm>>
    tpu.enqueue_indirect_dma source(%dma_start3A_564 : memref<10000x32xf32, #tpu.memory_space<hbm>>) target(%dma_start3A_558 : memref<125x32xf32, #tpu.memory_space<vmem>>) offsets(%dma_start3A_561 : memref<125xi32, #tpu.memory_space<vmem>>) semaphore(%arg7 : memref<!tpu.dma_semaphore, #tpu.memory_space<semaphore_mem>>)
    %dma_start3A_565 = arith.constant 7 : i32
    %dma_start3A_566 = arith.constant 875 : i32
    %dma_start3A_567 = arith.constant 0 : i32
    %dma_start3A_568 = tpu.memref_slice %arg6[%dma_start3A_566, %dma_start3A_567] : memref<1000x32xf32, #tpu.memory_space<vmem>> -> memref<125x32xf32, #tpu.memory_space<vmem>>
    %dma_start3A_569 = arith.constant 0 : i32
    %dma_start3A_570 = tpu.memref_slice %arg5[%dma_start3A_565, %dma_start3A_569] : memref<8x125xi32, #tpu.memory_space<vmem>> -> memref<1x125xi32, #tpu.memory_space<vmem>>
    %dma_start3A_571 = tpu.memref_squeeze %dma_start3A_570 : memref<1x125xi32, #tpu.memory_space<vmem>> -> memref<125xi32, #tpu.memory_space<vmem>>
    %dma_start3A_572 = arith.constant 0 : i32
    %dma_start3A_573 = arith.constant 0 : i32
    %dma_start3A_574 = tpu.memref_slice %arg2[%dma_start3A_572, %dma_start3A_573] : memref<10000x32xf32, #tpu.memory_space<hbm>> -> memref<10000x32xf32, #tpu.memory_space<hbm>>
    tpu.enqueue_indirect_dma source(%dma_start3A_574 : memref<10000x32xf32, #tpu.memory_space<hbm>>) target(%dma_start3A_568 : memref<125x32xf32, #tpu.memory_space<vmem>>) offsets(%dma_start3A_571 : memref<125xi32, #tpu.memory_space<vmem>>) semaphore(%arg7 : memref<!tpu.dma_semaphore, #tpu.memory_space<semaphore_mem>>)
    %dma_wait3A_575 = arith.constant 0 : i32
    %dma_wait3A_576 = arith.constant 0 : i32
    %dma_wait3A_577 = arith.constant 0 : i32
    %dma_wait3A_578 = tpu.memref_slice %arg6[%dma_wait3A_576, %dma_wait3A_577] : memref<1000x32xf32, #tpu.memory_space<vmem>> -> memref<125x32xf32, #tpu.memory_space<vmem>>
    %dma_wait3A_579 = arith.constant 0 : i32
    %dma_wait3A_580 = tpu.memref_slice %arg5[%dma_wait3A_575, %dma_wait3A_579] : memref<8x125xi32, #tpu.memory_space<vmem>> -> memref<1x125xi32, #tpu.memory_space<vmem>>
    %dma_wait3A_581 = tpu.memref_squeeze %dma_wait3A_580 : memref<1x125xi32, #tpu.memory_space<vmem>> -> memref<125xi32, #tpu.memory_space<vmem>>
    %dma_wait3A_582 = arith.constant 0 : i32
    %dma_wait3A_583 = arith.constant 0 : i32
    %dma_wait3A_584 = tpu.memref_slice %arg2[%dma_wait3A_582, %dma_wait3A_583] : memref<10000x32xf32, #tpu.memory_space<hbm>> -> memref<10000x32xf32, #tpu.memory_space<hbm>>
    tpu.wait_indirect_dma semaphore(%arg7 : memref<!tpu.dma_semaphore, #tpu.memory_space<semaphore_mem>>) src(%dma_wait3A_584 : memref<10000x32xf32, #tpu.memory_space<hbm>>) dst(%dma_wait3A_578 : memref<125x32xf32, #tpu.memory_space<vmem>>)
    %dma_wait3A_585 = arith.constant 1 : i32
    %dma_wait3A_586 = arith.constant 125 : i32
    %dma_wait3A_587 = arith.constant 0 : i32
    %dma_wait3A_588 = tpu.memref_slice %arg6[%dma_wait3A_586, %dma_wait3A_587] : memref<1000x32xf32, #tpu.memory_space<vmem>> -> memref<125x32xf32, #tpu.memory_space<vmem>>
    %dma_wait3A_589 = arith.constant 0 : i32
    %dma_wait3A_590 = tpu.memref_slice %arg5[%dma_wait3A_585, %dma_wait3A_589] : memref<8x125xi32, #tpu.memory_space<vmem>> -> memref<1x125xi32, #tpu.memory_space<vmem>>
    %dma_wait3A_591 = tpu.memref_squeeze %dma_wait3A_590 : memref<1x125xi32, #tpu.memory_space<vmem>> -> memref<125xi32, #tpu.memory_space<vmem>>
    %dma_wait3A_592 = arith.constant 0 : i32
    %dma_wait3A_593 = arith.constant 0 : i32
    %dma_wait3A_594 = tpu.memref_slice %arg2[%dma_wait3A_592, %dma_wait3A_593] : memref<10000x32xf32, #tpu.memory_space<hbm>> -> memref<10000x32xf32, #tpu.memory_space<hbm>>
    tpu.wait_indirect_dma semaphore(%arg7 : memref<!tpu.dma_semaphore, #tpu.memory_space<semaphore_mem>>) src(%dma_wait3A_594 : memref<10000x32xf32, #tpu.memory_space<hbm>>) dst(%dma_wait3A_588 : memref<125x32xf32, #tpu.memory_space<vmem>>)
    %dma_wait3A_595 = arith.constant 2 : i32
    %dma_wait3A_596 = arith.constant 250 : i32
    %dma_wait3A_597 = arith.constant 0 : i32
    %dma_wait3A_598 = tpu.memref_slice %arg6[%dma_wait3A_596, %dma_wait3A_597] : memref<1000x32xf32, #tpu.memory_space<vmem>> -> memref<125x32xf32, #tpu.memory_space<vmem>>
    %dma_wait3A_599 = arith.constant 0 : i32
    %dma_wait3A_600 = tpu.memref_slice %arg5[%dma_wait3A_595, %dma_wait3A_599] : memref<8x125xi32, #tpu.memory_space<vmem>> -> memref<1x125xi32, #tpu.memory_space<vmem>>
    %dma_wait3A_601 = tpu.memref_squeeze %dma_wait3A_600 : memref<1x125xi32, #tpu.memory_space<vmem>> -> memref<125xi32, #tpu.memory_space<vmem>>
    %dma_wait3A_602 = arith.constant 0 : i32
    %dma_wait3A_603 = arith.constant 0 : i32
    %dma_wait3A_604 = tpu.memref_slice %arg2[%dma_wait3A_602, %dma_wait3A_603] : memref<10000x32xf32, #tpu.memory_space<hbm>> -> memref<10000x32xf32, #tpu.memory_space<hbm>>
    tpu.wait_indirect_dma semaphore(%arg7 : memref<!tpu.dma_semaphore, #tpu.memory_space<semaphore_mem>>) src(%dma_wait3A_604 : memref<10000x32xf32, #tpu.memory_space<hbm>>) dst(%dma_wait3A_598 : memref<125x32xf32, #tpu.memory_space<vmem>>)
    %dma_wait3A_605 = arith.constant 3 : i32
    %dma_wait3A_606 = arith.constant 375 : i32
    %dma_wait3A_607 = arith.constant 0 : i32
    %dma_wait3A_608 = tpu.memref_slice %arg6[%dma_wait3A_606, %dma_wait3A_607] : memref<1000x32xf32, #tpu.memory_space<vmem>> -> memref<125x32xf32, #tpu.memory_space<vmem>>
    %dma_wait3A_609 = arith.constant 0 : i32
    %dma_wait3A_610 = tpu.memref_slice %arg5[%dma_wait3A_605, %dma_wait3A_609] : memref<8x125xi32, #tpu.memory_space<vmem>> -> memref<1x125xi32, #tpu.memory_space<vmem>>
    %dma_wait3A_611 = tpu.memref_squeeze %dma_wait3A_610 : memref<1x125xi32, #tpu.memory_space<vmem>> -> memref<125xi32, #tpu.memory_space<vmem>>
    %dma_wait3A_612 = arith.constant 0 : i32
    %dma_wait3A_613 = arith.constant 0 : i32
    %dma_wait3A_614 = tpu.memref_slice %arg2[%dma_wait3A_612, %dma_wait3A_613] : memref<10000x32xf32, #tpu.memory_space<hbm>> -> memref<10000x32xf32, #tpu.memory_space<hbm>>
    tpu.wait_indirect_dma semaphore(%arg7 : memref<!tpu.dma_semaphore, #tpu.memory_space<semaphore_mem>>) src(%dma_wait3A_614 : memref<10000x32xf32, #tpu.memory_space<hbm>>) dst(%dma_wait3A_608 : memref<125x32xf32, #tpu.memory_space<vmem>>)
    %dma_wait3A_615 = arith.constant 4 : i32
    %dma_wait3A_616 = arith.constant 500 : i32
    %dma_wait3A_617 = arith.constant 0 : i32
    %dma_wait3A_618 = tpu.memref_slice %arg6[%dma_wait3A_616, %dma_wait3A_617] : memref<1000x32xf32, #tpu.memory_space<vmem>> -> memref<125x32xf32, #tpu.memory_space<vmem>>
    %dma_wait3A_619 = arith.constant 0 : i32
    %dma_wait3A_620 = tpu.memref_slice %arg5[%dma_wait3A_615, %dma_wait3A_619] : memref<8x125xi32, #tpu.memory_space<vmem>> -> memref<1x125xi32, #tpu.memory_space<vmem>>
    %dma_wait3A_621 = tpu.memref_squeeze %dma_wait3A_620 : memref<1x125xi32, #tpu.memory_space<vmem>> -> memref<125xi32, #tpu.memory_space<vmem>>
    %dma_wait3A_622 = arith.constant 0 : i32
    %dma_wait3A_623 = arith.constant 0 : i32
    %dma_wait3A_624 = tpu.memref_slice %arg2[%dma_wait3A_622, %dma_wait3A_623] : memref<10000x32xf32, #tpu.memory_space<hbm>> -> memref<10000x32xf32, #tpu.memory_space<hbm>>
    tpu.wait_indirect_dma semaphore(%arg7 : memref<!tpu.dma_semaphore, #tpu.memory_space<semaphore_mem>>) src(%dma_wait3A_624 : memref<10000x32xf32, #tpu.memory_space<hbm>>) dst(%dma_wait3A_618 : memref<125x32xf32, #tpu.memory_space<vmem>>)
    %dma_wait3A_625 = arith.constant 5 : i32
    %dma_wait3A_626 = arith.constant 625 : i32
    %dma_wait3A_627 = arith.constant 0 : i32
    %dma_wait3A_628 = tpu.memref_slice %arg6[%dma_wait3A_626, %dma_wait3A_627] : memref<1000x32xf32, #tpu.memory_space<vmem>> -> memref<125x32xf32, #tpu.memory_space<vmem>>
    %dma_wait3A_629 = arith.constant 0 : i32
    %dma_wait3A_630 = tpu.memref_slice %arg5[%dma_wait3A_625, %dma_wait3A_629] : memref<8x125xi32, #tpu.memory_space<vmem>> -> memref<1x125xi32, #tpu.memory_space<vmem>>
    %dma_wait3A_631 = tpu.memref_squeeze %dma_wait3A_630 : memref<1x125xi32, #tpu.memory_space<vmem>> -> memref<125xi32, #tpu.memory_space<vmem>>
    %dma_wait3A_632 = arith.constant 0 : i32
    %dma_wait3A_633 = arith.constant 0 : i32
    %dma_wait3A_634 = tpu.memref_slice %arg2[%dma_wait3A_632, %dma_wait3A_633] : memref<10000x32xf32, #tpu.memory_space<hbm>> -> memref<10000x32xf32, #tpu.memory_space<hbm>>
    tpu.wait_indirect_dma semaphore(%arg7 : memref<!tpu.dma_semaphore, #tpu.memory_space<semaphore_mem>>) src(%dma_wait3A_634 : memref<10000x32xf32, #tpu.memory_space<hbm>>) dst(%dma_wait3A_628 : memref<125x32xf32, #tpu.memory_space<vmem>>)
    %dma_wait3A_635 = arith.constant 6 : i32
    %dma_wait3A_636 = arith.constant 750 : i32
    %dma_wait3A_637 = arith.constant 0 : i32
    %dma_wait3A_638 = tpu.memref_slice %arg6[%dma_wait3A_636, %dma_wait3A_637] : memref<1000x32xf32, #tpu.memory_space<vmem>> -> memref<125x32xf32, #tpu.memory_space<vmem>>
    %dma_wait3A_639 = arith.constant 0 : i32
    %dma_wait3A_640 = tpu.memref_slice %arg5[%dma_wait3A_635, %dma_wait3A_639] : memref<8x125xi32, #tpu.memory_space<vmem>> -> memref<1x125xi32, #tpu.memory_space<vmem>>
    %dma_wait3A_641 = tpu.memref_squeeze %dma_wait3A_640 : memref<1x125xi32, #tpu.memory_space<vmem>> -> memref<125xi32, #tpu.memory_space<vmem>>
    %dma_wait3A_642 = arith.constant 0 : i32
    %dma_wait3A_643 = arith.constant 0 : i32
    %dma_wait3A_644 = tpu.memref_slice %arg2[%dma_wait3A_642, %dma_wait3A_643] : memref<10000x32xf32, #tpu.memory_space<hbm>> -> memref<10000x32xf32, #tpu.memory_space<hbm>>
    tpu.wait_indirect_dma semaphore(%arg7 : memref<!tpu.dma_semaphore, #tpu.memory_space<semaphore_mem>>) src(%dma_wait3A_644 : memref<10000x32xf32, #tpu.memory_space<hbm>>) dst(%dma_wait3A_638 : memref<125x32xf32, #tpu.memory_space<vmem>>)
    %dma_wait3A_645 = arith.constant 7 : i32
    %dma_wait3A_646 = arith.constant 875 : i32
    %dma_wait3A_647 = arith.constant 0 : i32
    %dma_wait3A_648 = tpu.memref_slice %arg6[%dma_wait3A_646, %dma_wait3A_647] : memref<1000x32xf32, #tpu.memory_space<vmem>> -> memref<125x32xf32, #tpu.memory_space<vmem>>
    %dma_wait3A_649 = arith.constant 0 : i32
    %dma_wait3A_650 = tpu.memref_slice %arg5[%dma_wait3A_645, %dma_wait3A_649] : memref<8x125xi32, #tpu.memory_space<vmem>> -> memref<1x125xi32, #tpu.memory_space<vmem>>
    %dma_wait3A_651 = tpu.memref_squeeze %dma_wait3A_650 : memref<1x125xi32, #tpu.memory_space<vmem>> -> memref<125xi32, #tpu.memory_space<vmem>>
    %dma_wait3A_652 = arith.constant 0 : i32
    %dma_wait3A_653 = arith.constant 0 : i32
    %dma_wait3A_654 = tpu.memref_slice %arg2[%dma_wait3A_652, %dma_wait3A_653] : memref<10000x32xf32, #tpu.memory_space<hbm>> -> memref<10000x32xf32, #tpu.memory_space<hbm>>
    tpu.wait_indirect_dma semaphore(%arg7 : memref<!tpu.dma_semaphore, #tpu.memory_space<semaphore_mem>>) src(%dma_wait3A_654 : memref<10000x32xf32, #tpu.memory_space<hbm>>) dst(%dma_wait3A_648 : memref<125x32xf32, #tpu.memory_space<vmem>>)
    %mul3A_655 = arith.constant 125 : i32
    %mul3A_656 = arith.muli %add3A_494, %mul3A_655 : i32
    "tpu.region"() ({
      %run_scoped3A = tpu.sem_alloc : memref<!tpu.dma_semaphore, #tpu.memory_space<semaphore_mem>>
      %dma_start3A_821 = arith.constant 0 : i32
      %dma_start3A_822 = tpu.memref_slice %arg4[%mul3A_656, %dma_start3A_821] : memref<160000x32xf32, #tpu.memory_space<hbm>> -> memref<1000x32xf32, #tpu.memory_space<hbm>>
      %dma_start3A_823 = arith.constant 0 : i32
      %dma_start3A_824 = tpu.memref_slice %arg4[%mul3A_656, %dma_start3A_823] : memref<160000x32xf32, #tpu.memory_space<hbm>> -> memref<1000x32xf32, #tpu.memory_space<hbm>>
      tpu.enqueue_dma source(%arg6 : memref<1000x32xf32, #tpu.memory_space<vmem>>) target(%dma_start3A_824 : memref<1000x32xf32, #tpu.memory_space<hbm>>) target_semaphore(%run_scoped3A : memref<!tpu.dma_semaphore, #tpu.memory_space<semaphore_mem>>)
      %dma_wait3A_825 = arith.constant 0 : i32
      %dma_wait3A_826 = tpu.memref_slice %arg4[%mul3A_656, %dma_wait3A_825] : memref<160000x32xf32, #tpu.memory_space<hbm>> -> memref<1000x32xf32, #tpu.memory_space<hbm>>
      %dma_wait3A_827 = arith.constant 0 : i32
      %dma_wait3A_828 = tpu.memref_slice %arg4[%mul3A_656, %dma_wait3A_827] : memref<160000x32xf32, #tpu.memory_space<hbm>> -> memref<1000x32xf32, #tpu.memory_space<hbm>>
      tpu.wait_dma2 semaphore(%run_scoped3A : memref<!tpu.dma_semaphore, #tpu.memory_space<semaphore_mem>>) src(%arg6 : memref<1000x32xf32, #tpu.memory_space<vmem>>) dst(%dma_wait3A_828 : memref<1000x32xf32, #tpu.memory_space<hbm>>)
      tpu.yield
    }) : () -> ()
    %add3A_657 = arith.constant 32 : i32
    %add3A_658 = arith.addi %mul3A_2, %add3A_657 : i32
    "tpu.region"() ({
      %run_scoped3A = tpu.sem_alloc : memref<!tpu.dma_semaphore, #tpu.memory_space<semaphore_mem>>
      %dma_start3A_821 = arith.constant 0 : i32
      %dma_start3A_822 = tpu.memref_slice %arg3[%add3A_658, %dma_start3A_821] : memref<1280x125xi32, #tpu.memory_space<hbm>> -> memref<8x125xi32, #tpu.memory_space<hbm>>
      %dma_start3A_823 = arith.constant 0 : i32
      %dma_start3A_824 = tpu.memref_slice %arg3[%add3A_658, %dma_start3A_823] : memref<1280x125xi32, #tpu.memory_space<hbm>> -> memref<8x125xi32, #tpu.memory_space<hbm>>
      tpu.enqueue_dma source(%dma_start3A_824 : memref<8x125xi32, #tpu.memory_space<hbm>>) target(%arg5 : memref<8x125xi32, #tpu.memory_space<vmem>>) target_semaphore(%run_scoped3A : memref<!tpu.dma_semaphore, #tpu.memory_space<semaphore_mem>>)
      %dma_wait3A_825 = arith.constant 0 : i32
      %dma_wait3A_826 = tpu.memref_slice %arg3[%add3A_658, %dma_wait3A_825] : memref<1280x125xi32, #tpu.memory_space<hbm>> -> memref<8x125xi32, #tpu.memory_space<hbm>>
      %dma_wait3A_827 = arith.constant 0 : i32
      %dma_wait3A_828 = tpu.memref_slice %arg3[%add3A_658, %dma_wait3A_827] : memref<1280x125xi32, #tpu.memory_space<hbm>> -> memref<8x125xi32, #tpu.memory_space<hbm>>
      tpu.wait_dma2 semaphore(%run_scoped3A : memref<!tpu.dma_semaphore, #tpu.memory_space<semaphore_mem>>) src(%dma_wait3A_828 : memref<8x125xi32, #tpu.memory_space<hbm>>) dst(%arg5 : memref<8x125xi32, #tpu.memory_space<vmem>>)
      tpu.yield
    }) : () -> ()
    %dma_start3A_659 = arith.constant 0 : i32
    %dma_start3A_660 = arith.constant 0 : i32
    %dma_start3A_661 = arith.constant 0 : i32
    %dma_start3A_662 = tpu.memref_slice %arg6[%dma_start3A_660, %dma_start3A_661] : memref<1000x32xf32, #tpu.memory_space<vmem>> -> memref<125x32xf32, #tpu.memory_space<vmem>>
    %dma_start3A_663 = arith.constant 0 : i32
    %dma_start3A_664 = tpu.memref_slice %arg5[%dma_start3A_659, %dma_start3A_663] : memref<8x125xi32, #tpu.memory_space<vmem>> -> memref<1x125xi32, #tpu.memory_space<vmem>>
    %dma_start3A_665 = tpu.memref_squeeze %dma_start3A_664 : memref<1x125xi32, #tpu.memory_space<vmem>> -> memref<125xi32, #tpu.memory_space<vmem>>
    %dma_start3A_666 = arith.constant 0 : i32
    %dma_start3A_667 = arith.constant 0 : i32
    %dma_start3A_668 = tpu.memref_slice %arg2[%dma_start3A_666, %dma_start3A_667] : memref<10000x32xf32, #tpu.memory_space<hbm>> -> memref<10000x32xf32, #tpu.memory_space<hbm>>
    tpu.enqueue_indirect_dma source(%dma_start3A_668 : memref<10000x32xf32, #tpu.memory_space<hbm>>) target(%dma_start3A_662 : memref<125x32xf32, #tpu.memory_space<vmem>>) offsets(%dma_start3A_665 : memref<125xi32, #tpu.memory_space<vmem>>) semaphore(%arg7 : memref<!tpu.dma_semaphore, #tpu.memory_space<semaphore_mem>>)
    %dma_start3A_669 = arith.constant 1 : i32
    %dma_start3A_670 = arith.constant 125 : i32
    %dma_start3A_671 = arith.constant 0 : i32
    %dma_start3A_672 = tpu.memref_slice %arg6[%dma_start3A_670, %dma_start3A_671] : memref<1000x32xf32, #tpu.memory_space<vmem>> -> memref<125x32xf32, #tpu.memory_space<vmem>>
    %dma_start3A_673 = arith.constant 0 : i32
    %dma_start3A_674 = tpu.memref_slice %arg5[%dma_start3A_669, %dma_start3A_673] : memref<8x125xi32, #tpu.memory_space<vmem>> -> memref<1x125xi32, #tpu.memory_space<vmem>>
    %dma_start3A_675 = tpu.memref_squeeze %dma_start3A_674 : memref<1x125xi32, #tpu.memory_space<vmem>> -> memref<125xi32, #tpu.memory_space<vmem>>
    %dma_start3A_676 = arith.constant 0 : i32
    %dma_start3A_677 = arith.constant 0 : i32
    %dma_start3A_678 = tpu.memref_slice %arg2[%dma_start3A_676, %dma_start3A_677] : memref<10000x32xf32, #tpu.memory_space<hbm>> -> memref<10000x32xf32, #tpu.memory_space<hbm>>
    tpu.enqueue_indirect_dma source(%dma_start3A_678 : memref<10000x32xf32, #tpu.memory_space<hbm>>) target(%dma_start3A_672 : memref<125x32xf32, #tpu.memory_space<vmem>>) offsets(%dma_start3A_675 : memref<125xi32, #tpu.memory_space<vmem>>) semaphore(%arg7 : memref<!tpu.dma_semaphore, #tpu.memory_space<semaphore_mem>>)
    %dma_start3A_679 = arith.constant 2 : i32
    %dma_start3A_680 = arith.constant 250 : i32
    %dma_start3A_681 = arith.constant 0 : i32
    %dma_start3A_682 = tpu.memref_slice %arg6[%dma_start3A_680, %dma_start3A_681] : memref<1000x32xf32, #tpu.memory_space<vmem>> -> memref<125x32xf32, #tpu.memory_space<vmem>>
    %dma_start3A_683 = arith.constant 0 : i32
    %dma_start3A_684 = tpu.memref_slice %arg5[%dma_start3A_679, %dma_start3A_683] : memref<8x125xi32, #tpu.memory_space<vmem>> -> memref<1x125xi32, #tpu.memory_space<vmem>>
    %dma_start3A_685 = tpu.memref_squeeze %dma_start3A_684 : memref<1x125xi32, #tpu.memory_space<vmem>> -> memref<125xi32, #tpu.memory_space<vmem>>
    %dma_start3A_686 = arith.constant 0 : i32
    %dma_start3A_687 = arith.constant 0 : i32
    %dma_start3A_688 = tpu.memref_slice %arg2[%dma_start3A_686, %dma_start3A_687] : memref<10000x32xf32, #tpu.memory_space<hbm>> -> memref<10000x32xf32, #tpu.memory_space<hbm>>
    tpu.enqueue_indirect_dma source(%dma_start3A_688 : memref<10000x32xf32, #tpu.memory_space<hbm>>) target(%dma_start3A_682 : memref<125x32xf32, #tpu.memory_space<vmem>>) offsets(%dma_start3A_685 : memref<125xi32, #tpu.memory_space<vmem>>) semaphore(%arg7 : memref<!tpu.dma_semaphore, #tpu.memory_space<semaphore_mem>>)
    %dma_start3A_689 = arith.constant 3 : i32
    %dma_start3A_690 = arith.constant 375 : i32
    %dma_start3A_691 = arith.constant 0 : i32
    %dma_start3A_692 = tpu.memref_slice %arg6[%dma_start3A_690, %dma_start3A_691] : memref<1000x32xf32, #tpu.memory_space<vmem>> -> memref<125x32xf32, #tpu.memory_space<vmem>>
    %dma_start3A_693 = arith.constant 0 : i32
    %dma_start3A_694 = tpu.memref_slice %arg5[%dma_start3A_689, %dma_start3A_693] : memref<8x125xi32, #tpu.memory_space<vmem>> -> memref<1x125xi32, #tpu.memory_space<vmem>>
    %dma_start3A_695 = tpu.memref_squeeze %dma_start3A_694 : memref<1x125xi32, #tpu.memory_space<vmem>> -> memref<125xi32, #tpu.memory_space<vmem>>
    %dma_start3A_696 = arith.constant 0 : i32
    %dma_start3A_697 = arith.constant 0 : i32
    %dma_start3A_698 = tpu.memref_slice %arg2[%dma_start3A_696, %dma_start3A_697] : memref<10000x32xf32, #tpu.memory_space<hbm>> -> memref<10000x32xf32, #tpu.memory_space<hbm>>
    tpu.enqueue_indirect_dma source(%dma_start3A_698 : memref<10000x32xf32, #tpu.memory_space<hbm>>) target(%dma_start3A_692 : memref<125x32xf32, #tpu.memory_space<vmem>>) offsets(%dma_start3A_695 : memref<125xi32, #tpu.memory_space<vmem>>) semaphore(%arg7 : memref<!tpu.dma_semaphore, #tpu.memory_space<semaphore_mem>>)
    %dma_start3A_699 = arith.constant 4 : i32
    %dma_start3A_700 = arith.constant 500 : i32
    %dma_start3A_701 = arith.constant 0 : i32
    %dma_start3A_702 = tpu.memref_slice %arg6[%dma_start3A_700, %dma_start3A_701] : memref<1000x32xf32, #tpu.memory_space<vmem>> -> memref<125x32xf32, #tpu.memory_space<vmem>>
    %dma_start3A_703 = arith.constant 0 : i32
    %dma_start3A_704 = tpu.memref_slice %arg5[%dma_start3A_699, %dma_start3A_703] : memref<8x125xi32, #tpu.memory_space<vmem>> -> memref<1x125xi32, #tpu.memory_space<vmem>>
    %dma_start3A_705 = tpu.memref_squeeze %dma_start3A_704 : memref<1x125xi32, #tpu.memory_space<vmem>> -> memref<125xi32, #tpu.memory_space<vmem>>
    %dma_start3A_706 = arith.constant 0 : i32
    %dma_start3A_707 = arith.constant 0 : i32
    %dma_start3A_708 = tpu.memref_slice %arg2[%dma_start3A_706, %dma_start3A_707] : memref<10000x32xf32, #tpu.memory_space<hbm>> -> memref<10000x32xf32, #tpu.memory_space<hbm>>
    tpu.enqueue_indirect_dma source(%dma_start3A_708 : memref<10000x32xf32, #tpu.memory_space<hbm>>) target(%dma_start3A_702 : memref<125x32xf32, #tpu.memory_space<vmem>>) offsets(%dma_start3A_705 : memref<125xi32, #tpu.memory_space<vmem>>) semaphore(%arg7 : memref<!tpu.dma_semaphore, #tpu.memory_space<semaphore_mem>>)
    %dma_start3A_709 = arith.constant 5 : i32
    %dma_start3A_710 = arith.constant 625 : i32
    %dma_start3A_711 = arith.constant 0 : i32
    %dma_start3A_712 = tpu.memref_slice %arg6[%dma_start3A_710, %dma_start3A_711] : memref<1000x32xf32, #tpu.memory_space<vmem>> -> memref<125x32xf32, #tpu.memory_space<vmem>>
    %dma_start3A_713 = arith.constant 0 : i32
    %dma_start3A_714 = tpu.memref_slice %arg5[%dma_start3A_709, %dma_start3A_713] : memref<8x125xi32, #tpu.memory_space<vmem>> -> memref<1x125xi32, #tpu.memory_space<vmem>>
    %dma_start3A_715 = tpu.memref_squeeze %dma_start3A_714 : memref<1x125xi32, #tpu.memory_space<vmem>> -> memref<125xi32, #tpu.memory_space<vmem>>
    %dma_start3A_716 = arith.constant 0 : i32
    %dma_start3A_717 = arith.constant 0 : i32
    %dma_start3A_718 = tpu.memref_slice %arg2[%dma_start3A_716, %dma_start3A_717] : memref<10000x32xf32, #tpu.memory_space<hbm>> -> memref<10000x32xf32, #tpu.memory_space<hbm>>
    tpu.enqueue_indirect_dma source(%dma_start3A_718 : memref<10000x32xf32, #tpu.memory_space<hbm>>) target(%dma_start3A_712 : memref<125x32xf32, #tpu.memory_space<vmem>>) offsets(%dma_start3A_715 : memref<125xi32, #tpu.memory_space<vmem>>) semaphore(%arg7 : memref<!tpu.dma_semaphore, #tpu.memory_space<semaphore_mem>>)
    %dma_start3A_719 = arith.constant 6 : i32
    %dma_start3A_720 = arith.constant 750 : i32
    %dma_start3A_721 = arith.constant 0 : i32
    %dma_start3A_722 = tpu.memref_slice %arg6[%dma_start3A_720, %dma_start3A_721] : memref<1000x32xf32, #tpu.memory_space<vmem>> -> memref<125x32xf32, #tpu.memory_space<vmem>>
    %dma_start3A_723 = arith.constant 0 : i32
    %dma_start3A_724 = tpu.memref_slice %arg5[%dma_start3A_719, %dma_start3A_723] : memref<8x125xi32, #tpu.memory_space<vmem>> -> memref<1x125xi32, #tpu.memory_space<vmem>>
    %dma_start3A_725 = tpu.memref_squeeze %dma_start3A_724 : memref<1x125xi32, #tpu.memory_space<vmem>> -> memref<125xi32, #tpu.memory_space<vmem>>
    %dma_start3A_726 = arith.constant 0 : i32
    %dma_start3A_727 = arith.constant 0 : i32
    %dma_start3A_728 = tpu.memref_slice %arg2[%dma_start3A_726, %dma_start3A_727] : memref<10000x32xf32, #tpu.memory_space<hbm>> -> memref<10000x32xf32, #tpu.memory_space<hbm>>
    tpu.enqueue_indirect_dma source(%dma_start3A_728 : memref<10000x32xf32, #tpu.memory_space<hbm>>) target(%dma_start3A_722 : memref<125x32xf32, #tpu.memory_space<vmem>>) offsets(%dma_start3A_725 : memref<125xi32, #tpu.memory_space<vmem>>) semaphore(%arg7 : memref<!tpu.dma_semaphore, #tpu.memory_space<semaphore_mem>>)
    %dma_start3A_729 = arith.constant 7 : i32
    %dma_start3A_730 = arith.constant 875 : i32
    %dma_start3A_731 = arith.constant 0 : i32
    %dma_start3A_732 = tpu.memref_slice %arg6[%dma_start3A_730, %dma_start3A_731] : memref<1000x32xf32, #tpu.memory_space<vmem>> -> memref<125x32xf32, #tpu.memory_space<vmem>>
    %dma_start3A_733 = arith.constant 0 : i32
    %dma_start3A_734 = tpu.memref_slice %arg5[%dma_start3A_729, %dma_start3A_733] : memref<8x125xi32, #tpu.memory_space<vmem>> -> memref<1x125xi32, #tpu.memory_space<vmem>>
    %dma_start3A_735 = tpu.memref_squeeze %dma_start3A_734 : memref<1x125xi32, #tpu.memory_space<vmem>> -> memref<125xi32, #tpu.memory_space<vmem>>
    %dma_start3A_736 = arith.constant 0 : i32
    %dma_start3A_737 = arith.constant 0 : i32
    %dma_start3A_738 = tpu.memref_slice %arg2[%dma_start3A_736, %dma_start3A_737] : memref<10000x32xf32, #tpu.memory_space<hbm>> -> memref<10000x32xf32, #tpu.memory_space<hbm>>
    tpu.enqueue_indirect_dma source(%dma_start3A_738 : memref<10000x32xf32, #tpu.memory_space<hbm>>) target(%dma_start3A_732 : memref<125x32xf32, #tpu.memory_space<vmem>>) offsets(%dma_start3A_735 : memref<125xi32, #tpu.memory_space<vmem>>) semaphore(%arg7 : memref<!tpu.dma_semaphore, #tpu.memory_space<semaphore_mem>>)
    %dma_wait3A_739 = arith.constant 0 : i32
    %dma_wait3A_740 = arith.constant 0 : i32
    %dma_wait3A_741 = arith.constant 0 : i32
    %dma_wait3A_742 = tpu.memref_slice %arg6[%dma_wait3A_740, %dma_wait3A_741] : memref<1000x32xf32, #tpu.memory_space<vmem>> -> memref<125x32xf32, #tpu.memory_space<vmem>>
    %dma_wait3A_743 = arith.constant 0 : i32
    %dma_wait3A_744 = tpu.memref_slice %arg5[%dma_wait3A_739, %dma_wait3A_743] : memref<8x125xi32, #tpu.memory_space<vmem>> -> memref<1x125xi32, #tpu.memory_space<vmem>>
    %dma_wait3A_745 = tpu.memref_squeeze %dma_wait3A_744 : memref<1x125xi32, #tpu.memory_space<vmem>> -> memref<125xi32, #tpu.memory_space<vmem>>
    %dma_wait3A_746 = arith.constant 0 : i32
    %dma_wait3A_747 = arith.constant 0 : i32
    %dma_wait3A_748 = tpu.memref_slice %arg2[%dma_wait3A_746, %dma_wait3A_747] : memref<10000x32xf32, #tpu.memory_space<hbm>> -> memref<10000x32xf32, #tpu.memory_space<hbm>>
    tpu.wait_indirect_dma semaphore(%arg7 : memref<!tpu.dma_semaphore, #tpu.memory_space<semaphore_mem>>) src(%dma_wait3A_748 : memref<10000x32xf32, #tpu.memory_space<hbm>>) dst(%dma_wait3A_742 : memref<125x32xf32, #tpu.memory_space<vmem>>)
    %dma_wait3A_749 = arith.constant 1 : i32
    %dma_wait3A_750 = arith.constant 125 : i32
    %dma_wait3A_751 = arith.constant 0 : i32
    %dma_wait3A_752 = tpu.memref_slice %arg6[%dma_wait3A_750, %dma_wait3A_751] : memref<1000x32xf32, #tpu.memory_space<vmem>> -> memref<125x32xf32, #tpu.memory_space<vmem>>
    %dma_wait3A_753 = arith.constant 0 : i32
    %dma_wait3A_754 = tpu.memref_slice %arg5[%dma_wait3A_749, %dma_wait3A_753] : memref<8x125xi32, #tpu.memory_space<vmem>> -> memref<1x125xi32, #tpu.memory_space<vmem>>
    %dma_wait3A_755 = tpu.memref_squeeze %dma_wait3A_754 : memref<1x125xi32, #tpu.memory_space<vmem>> -> memref<125xi32, #tpu.memory_space<vmem>>
    %dma_wait3A_756 = arith.constant 0 : i32
    %dma_wait3A_757 = arith.constant 0 : i32
    %dma_wait3A_758 = tpu.memref_slice %arg2[%dma_wait3A_756, %dma_wait3A_757] : memref<10000x32xf32, #tpu.memory_space<hbm>> -> memref<10000x32xf32, #tpu.memory_space<hbm>>
    tpu.wait_indirect_dma semaphore(%arg7 : memref<!tpu.dma_semaphore, #tpu.memory_space<semaphore_mem>>) src(%dma_wait3A_758 : memref<10000x32xf32, #tpu.memory_space<hbm>>) dst(%dma_wait3A_752 : memref<125x32xf32, #tpu.memory_space<vmem>>)
    %dma_wait3A_759 = arith.constant 2 : i32
    %dma_wait3A_760 = arith.constant 250 : i32
    %dma_wait3A_761 = arith.constant 0 : i32
    %dma_wait3A_762 = tpu.memref_slice %arg6[%dma_wait3A_760, %dma_wait3A_761] : memref<1000x32xf32, #tpu.memory_space<vmem>> -> memref<125x32xf32, #tpu.memory_space<vmem>>
    %dma_wait3A_763 = arith.constant 0 : i32
    %dma_wait3A_764 = tpu.memref_slice %arg5[%dma_wait3A_759, %dma_wait3A_763] : memref<8x125xi32, #tpu.memory_space<vmem>> -> memref<1x125xi32, #tpu.memory_space<vmem>>
    %dma_wait3A_765 = tpu.memref_squeeze %dma_wait3A_764 : memref<1x125xi32, #tpu.memory_space<vmem>> -> memref<125xi32, #tpu.memory_space<vmem>>
    %dma_wait3A_766 = arith.constant 0 : i32
    %dma_wait3A_767 = arith.constant 0 : i32
    %dma_wait3A_768 = tpu.memref_slice %arg2[%dma_wait3A_766, %dma_wait3A_767] : memref<10000x32xf32, #tpu.memory_space<hbm>> -> memref<10000x32xf32, #tpu.memory_space<hbm>>
    tpu.wait_indirect_dma semaphore(%arg7 : memref<!tpu.dma_semaphore, #tpu.memory_space<semaphore_mem>>) src(%dma_wait3A_768 : memref<10000x32xf32, #tpu.memory_space<hbm>>) dst(%dma_wait3A_762 : memref<125x32xf32, #tpu.memory_space<vmem>>)
    %dma_wait3A_769 = arith.constant 3 : i32
    %dma_wait3A_770 = arith.constant 375 : i32
    %dma_wait3A_771 = arith.constant 0 : i32
    %dma_wait3A_772 = tpu.memref_slice %arg6[%dma_wait3A_770, %dma_wait3A_771] : memref<1000x32xf32, #tpu.memory_space<vmem>> -> memref<125x32xf32, #tpu.memory_space<vmem>>
    %dma_wait3A_773 = arith.constant 0 : i32
    %dma_wait3A_774 = tpu.memref_slice %arg5[%dma_wait3A_769, %dma_wait3A_773] : memref<8x125xi32, #tpu.memory_space<vmem>> -> memref<1x125xi32, #tpu.memory_space<vmem>>
    %dma_wait3A_775 = tpu.memref_squeeze %dma_wait3A_774 : memref<1x125xi32, #tpu.memory_space<vmem>> -> memref<125xi32, #tpu.memory_space<vmem>>
    %dma_wait3A_776 = arith.constant 0 : i32
    %dma_wait3A_777 = arith.constant 0 : i32
    %dma_wait3A_778 = tpu.memref_slice %arg2[%dma_wait3A_776, %dma_wait3A_777] : memref<10000x32xf32, #tpu.memory_space<hbm>> -> memref<10000x32xf32, #tpu.memory_space<hbm>>
    tpu.wait_indirect_dma semaphore(%arg7 : memref<!tpu.dma_semaphore, #tpu.memory_space<semaphore_mem>>) src(%dma_wait3A_778 : memref<10000x32xf32, #tpu.memory_space<hbm>>) dst(%dma_wait3A_772 : memref<125x32xf32, #tpu.memory_space<vmem>>)
    %dma_wait3A_779 = arith.constant 4 : i32
    %dma_wait3A_780 = arith.constant 500 : i32
    %dma_wait3A_781 = arith.constant 0 : i32
    %dma_wait3A_782 = tpu.memref_slice %arg6[%dma_wait3A_780, %dma_wait3A_781] : memref<1000x32xf32, #tpu.memory_space<vmem>> -> memref<125x32xf32, #tpu.memory_space<vmem>>
    %dma_wait3A_783 = arith.constant 0 : i32
    %dma_wait3A_784 = tpu.memref_slice %arg5[%dma_wait3A_779, %dma_wait3A_783] : memref<8x125xi32, #tpu.memory_space<vmem>> -> memref<1x125xi32, #tpu.memory_space<vmem>>
    %dma_wait3A_785 = tpu.memref_squeeze %dma_wait3A_784 : memref<1x125xi32, #tpu.memory_space<vmem>> -> memref<125xi32, #tpu.memory_space<vmem>>
    %dma_wait3A_786 = arith.constant 0 : i32
    %dma_wait3A_787 = arith.constant 0 : i32
    %dma_wait3A_788 = tpu.memref_slice %arg2[%dma_wait3A_786, %dma_wait3A_787] : memref<10000x32xf32, #tpu.memory_space<hbm>> -> memref<10000x32xf32, #tpu.memory_space<hbm>>
    tpu.wait_indirect_dma semaphore(%arg7 : memref<!tpu.dma_semaphore, #tpu.memory_space<semaphore_mem>>) src(%dma_wait3A_788 : memref<10000x32xf32, #tpu.memory_space<hbm>>) dst(%dma_wait3A_782 : memref<125x32xf32, #tpu.memory_space<vmem>>)
    %dma_wait3A_789 = arith.constant 5 : i32
    %dma_wait3A_790 = arith.constant 625 : i32
    %dma_wait3A_791 = arith.constant 0 : i32
    %dma_wait3A_792 = tpu.memref_slice %arg6[%dma_wait3A_790, %dma_wait3A_791] : memref<1000x32xf32, #tpu.memory_space<vmem>> -> memref<125x32xf32, #tpu.memory_space<vmem>>
    %dma_wait3A_793 = arith.constant 0 : i32
    %dma_wait3A_794 = tpu.memref_slice %arg5[%dma_wait3A_789, %dma_wait3A_793] : memref<8x125xi32, #tpu.memory_space<vmem>> -> memref<1x125xi32, #tpu.memory_space<vmem>>
    %dma_wait3A_795 = tpu.memref_squeeze %dma_wait3A_794 : memref<1x125xi32, #tpu.memory_space<vmem>> -> memref<125xi32, #tpu.memory_space<vmem>>
    %dma_wait3A_796 = arith.constant 0 : i32
    %dma_wait3A_797 = arith.constant 0 : i32
    %dma_wait3A_798 = tpu.memref_slice %arg2[%dma_wait3A_796, %dma_wait3A_797] : memref<10000x32xf32, #tpu.memory_space<hbm>> -> memref<10000x32xf32, #tpu.memory_space<hbm>>
    tpu.wait_indirect_dma semaphore(%arg7 : memref<!tpu.dma_semaphore, #tpu.memory_space<semaphore_mem>>) src(%dma_wait3A_798 : memref<10000x32xf32, #tpu.memory_space<hbm>>) dst(%dma_wait3A_792 : memref<125x32xf32, #tpu.memory_space<vmem>>)
    %dma_wait3A_799 = arith.constant 6 : i32
    %dma_wait3A_800 = arith.constant 750 : i32
    %dma_wait3A_801 = arith.constant 0 : i32
    %dma_wait3A_802 = tpu.memref_slice %arg6[%dma_wait3A_800, %dma_wait3A_801] : memref<1000x32xf32, #tpu.memory_space<vmem>> -> memref<125x32xf32, #tpu.memory_space<vmem>>
    %dma_wait3A_803 = arith.constant 0 : i32
    %dma_wait3A_804 = tpu.memref_slice %arg5[%dma_wait3A_799, %dma_wait3A_803] : memref<8x125xi32, #tpu.memory_space<vmem>> -> memref<1x125xi32, #tpu.memory_space<vmem>>
    %dma_wait3A_805 = tpu.memref_squeeze %dma_wait3A_804 : memref<1x125xi32, #tpu.memory_space<vmem>> -> memref<125xi32, #tpu.memory_space<vmem>>
    %dma_wait3A_806 = arith.constant 0 : i32
    %dma_wait3A_807 = arith.constant 0 : i32
    %dma_wait3A_808 = tpu.memref_slice %arg2[%dma_wait3A_806, %dma_wait3A_807] : memref<10000x32xf32, #tpu.memory_space<hbm>> -> memref<10000x32xf32, #tpu.memory_space<hbm>>
    tpu.wait_indirect_dma semaphore(%arg7 : memref<!tpu.dma_semaphore, #tpu.memory_space<semaphore_mem>>) src(%dma_wait3A_808 : memref<10000x32xf32, #tpu.memory_space<hbm>>) dst(%dma_wait3A_802 : memref<125x32xf32, #tpu.memory_space<vmem>>)
    %dma_wait3A_809 = arith.constant 7 : i32
    %dma_wait3A_810 = arith.constant 875 : i32
    %dma_wait3A_811 = arith.constant 0 : i32
    %dma_wait3A_812 = tpu.memref_slice %arg6[%dma_wait3A_810, %dma_wait3A_811] : memref<1000x32xf32, #tpu.memory_space<vmem>> -> memref<125x32xf32, #tpu.memory_space<vmem>>
    %dma_wait3A_813 = arith.constant 0 : i32
    %dma_wait3A_814 = tpu.memref_slice %arg5[%dma_wait3A_809, %dma_wait3A_813] : memref<8x125xi32, #tpu.memory_space<vmem>> -> memref<1x125xi32, #tpu.memory_space<vmem>>
    %dma_wait3A_815 = tpu.memref_squeeze %dma_wait3A_814 : memref<1x125xi32, #tpu.memory_space<vmem>> -> memref<125xi32, #tpu.memory_space<vmem>>
    %dma_wait3A_816 = arith.constant 0 : i32
    %dma_wait3A_817 = arith.constant 0 : i32
    %dma_wait3A_818 = tpu.memref_slice %arg2[%dma_wait3A_816, %dma_wait3A_817] : memref<10000x32xf32, #tpu.memory_space<hbm>> -> memref<10000x32xf32, #tpu.memory_space<hbm>>
    tpu.wait_indirect_dma semaphore(%arg7 : memref<!tpu.dma_semaphore, #tpu.memory_space<semaphore_mem>>) src(%dma_wait3A_818 : memref<10000x32xf32, #tpu.memory_space<hbm>>) dst(%dma_wait3A_812 : memref<125x32xf32, #tpu.memory_space<vmem>>)
    %mul3A_819 = arith.constant 125 : i32
    %mul3A_820 = arith.muli %add3A_658, %mul3A_819 : i32
    "tpu.region"() ({
      %run_scoped3A = tpu.sem_alloc : memref<!tpu.dma_semaphore, #tpu.memory_space<semaphore_mem>>
      %dma_start3A_821 = arith.constant 0 : i32
      %dma_start3A_822 = tpu.memref_slice %arg4[%mul3A_820, %dma_start3A_821] : memref<160000x32xf32, #tpu.memory_space<hbm>> -> memref<1000x32xf32, #tpu.memory_space<hbm>>
      %dma_start3A_823 = arith.constant 0 : i32
      %dma_start3A_824 = tpu.memref_slice %arg4[%mul3A_820, %dma_start3A_823] : memref<160000x32xf32, #tpu.memory_space<hbm>> -> memref<1000x32xf32, #tpu.memory_space<hbm>>
      tpu.enqueue_dma source(%arg6 : memref<1000x32xf32, #tpu.memory_space<vmem>>) target(%dma_start3A_824 : memref<1000x32xf32, #tpu.memory_space<hbm>>) target_semaphore(%run_scoped3A : memref<!tpu.dma_semaphore, #tpu.memory_space<semaphore_mem>>)
      %dma_wait3A_825 = arith.constant 0 : i32
      %dma_wait3A_826 = tpu.memref_slice %arg4[%mul3A_820, %dma_wait3A_825] : memref<160000x32xf32, #tpu.memory_space<hbm>> -> memref<1000x32xf32, #tpu.memory_space<hbm>>
      %dma_wait3A_827 = arith.constant 0 : i32
      %dma_wait3A_828 = tpu.memref_slice %arg4[%mul3A_820, %dma_wait3A_827] : memref<160000x32xf32, #tpu.memory_space<hbm>> -> memref<1000x32xf32, #tpu.memory_space<hbm>>
      tpu.wait_dma2 semaphore(%run_scoped3A : memref<!tpu.dma_semaphore, #tpu.memory_space<semaphore_mem>>) src(%arg6 : memref<1000x32xf32, #tpu.memory_space<vmem>>) dst(%dma_wait3A_828 : memref<1000x32xf32, #tpu.memory_space<hbm>>)
      tpu.yield
    }) : () -> ()
    return
  }
}

module attributes {stable_mosaic.version = 14 : i64} {
  func.func @body(%arg0: i32, %arg1: memref<200x32xf32, #tpu.memory_space<vmem>>, %arg2: memref<3200x32xf32, #tpu.memory_space<vmem>>, %arg3: memref<26x100xf32, #tpu.memory_space<vmem>>, %arg4: memref<15x100x100xf32, #tpu.memory_space<vmem>>, %arg5: memref<100x1xf32, #tpu.memory_space<vmem>>, %arg6: memref<200x3xf32, #tpu.memory_space<vmem>>) attributes {dimension_semantics = [#tpu.dimension_semantics<arbitrary>], iteration_bounds = array<i64: 50>, scalar_prefetch = 0 : i64, scratch_operands = 0 : i64, tpu.core_type = #tpu.core_type<tc>, window_params = [{transform_indices = @transform_0, window_bounds = array<i64: 200, 32>}, {transform_indices = @transform_1, window_bounds = array<i64: 3200, 32>}, {pipeline_mode = #tpu.pipeline_mode<synchronous>, transform_indices = @transform_2, window_bounds = array<i64: 26, 100>}, {pipeline_mode = #tpu.pipeline_mode<synchronous>, transform_indices = @transform_3, window_bounds = array<i64: 15, 100, 100>}, {pipeline_mode = #tpu.pipeline_mode<synchronous>, transform_indices = @transform_4, window_bounds = array<i64: 100, 1>}, {transform_indices = @transform_5, window_bounds = array<i64: 200, 3>}]} {
    %get3A = arith.constant 0 : index
    %get3A_0 = arith.constant 0 : index
    %get3A_1 = vector.load %arg1[%get3A, %get3A_0] : memref<200x32xf32, #tpu.memory_space<vmem>>, vector<200x32xf32>
    %get3A_2 = arith.constant 0 : index
    %get3A_3 = arith.constant 0 : index
    %get3A_4 = vector.load %arg2[%get3A_2, %get3A_3] : memref<3200x32xf32, #tpu.memory_space<vmem>>, vector<3200x32xf32>
    %broadcast_in_dim3A = vector.shape_cast %get3A_1 : vector<200x32xf32> to vector<200x1x32xf32>
    %broadcast_in_dim3A_5 = vector.shape_cast %broadcast_in_dim3A : vector<200x1x32xf32> to vector<200x1x32xf32>
    %broadcast_in_dim3A_6 = vector.broadcast %broadcast_in_dim3A_5 : vector<200x1x32xf32> to vector<200x16x32xf32>
    %reshape3A = vector.shape_cast %broadcast_in_dim3A_6 : vector<200x16x32xf32> to vector<3200x32xf32>
    %slice3A = vector.extract_strided_slice %get3A_4 {offsets = [0, 28], sizes = [3200, 1], strides = [1, 1]} : vector<3200x32xf32> to vector<3200x1xf32>
    %slice3A_7 = vector.extract_strided_slice %reshape3A {offsets = [0, 0], sizes = [3200, 3], strides = [1, 1]} : vector<3200x32xf32> to vector<3200x3xf32>
    %slice3A_8 = vector.extract_strided_slice %get3A_4 {offsets = [0, 0], sizes = [3200, 3], strides = [1, 1]} : vector<3200x32xf32> to vector<3200x3xf32>
    %sub3A = arith.subf %slice3A_7, %slice3A_8 : vector<3200x3xf32>
    %max3A = arith.constant 0.00999999977 : f32
    %max3A_9 = vector.broadcast %max3A : f32 to vector<3200x1xf32>
    %max3A_10 = arith.maximumf %slice3A, %max3A_9 : vector<3200x1xf32>
    %div3A = vector.broadcast %max3A_10 : vector<3200x1xf32> to vector<3200x3xf32>
    %div3A_11 = arith.divf %sub3A, %div3A : vector<3200x3xf32>
    %slice3A_12 = vector.extract_strided_slice %reshape3A {offsets = [0, 3], sizes = [3200, 24], strides = [1, 1]} : vector<3200x32xf32> to vector<3200x24xf32>
    %slice3A_13 = vector.extract_strided_slice %get3A_4 {offsets = [0, 3], sizes = [3200, 24], strides = [1, 1]} : vector<3200x32xf32> to vector<3200x24xf32>
    %add3A = arith.addf %slice3A_12, %slice3A_13 : vector<3200x24xf32>
    %slice3A_14 = vector.extract_strided_slice %reshape3A {offsets = [0, 27], sizes = [3200, 1], strides = [1, 1]} : vector<3200x32xf32> to vector<3200x1xf32>
    %slice3A_15 = vector.extract_strided_slice %get3A_4 {offsets = [0, 27], sizes = [3200, 1], strides = [1, 1]} : vector<3200x32xf32> to vector<3200x1xf32>
    %sub3A_16 = arith.subf %slice3A_14, %slice3A_15 : vector<3200x1xf32>
    %abs3A = math.absf %sub3A_16 : vector<3200x1xf32>
    %div3A_17 = arith.constant 5.000000e+00 : f32
    %div3A_18 = vector.broadcast %div3A_17 : f32 to vector<3200x1xf32>
    %div3A_19 = arith.divf %abs3A, %div3A_18 : vector<3200x1xf32>
    %min3A = arith.constant 1.000000e+00 : f32
    %min3A_20 = vector.broadcast %min3A : f32 to vector<3200x1xf32>
    %min3A_21 = arith.minimumf %div3A_19, %min3A_20 : vector<3200x1xf32>
    %sub3A_22 = arith.constant 0.00999999977 : f32
    %sub3A_23 = vector.broadcast %sub3A_22 : f32 to vector<3200x1xf32>
    %sub3A_24 = arith.subf %slice3A, %sub3A_23 : vector<3200x1xf32>
    %concatenate3A = tpu.concatenate %add3A, %sub3A_24, %min3A_21 in 1 : vector<3200x24xf32>, vector<3200x1xf32>, vector<3200x1xf32> -> vector<3200x26xf32>
    %add3A_25 = arith.constant 0.00999999977 : f32
    %add3A_26 = vector.broadcast %add3A_25 : f32 to vector<3200x1xf32>
    %add3A_27 = arith.addf %slice3A, %add3A_26 : vector<3200x1xf32>
    %concatenate3A_28 = tpu.concatenate %add3A, %add3A_27, %min3A_21 in 1 : vector<3200x24xf32>, vector<3200x1xf32>, vector<3200x1xf32> -> vector<3200x26xf32>
    %concatenate3A_29 = tpu.concatenate %concatenate3A, %concatenate3A_28 in 0 : vector<3200x26xf32>, vector<3200x26xf32> -> vector<6400x26xf32>
    %get3A_30 = arith.constant 0 : index
    %get3A_31 = arith.constant 0 : index
    %get3A_32 = vector.load %arg3[%get3A_30, %get3A_31] : memref<26x100xf32, #tpu.memory_space<vmem>>, vector<26x100xf32>
    %dot_general3A = arith.constant dense<0.000000e+00> : vector<6400x100xf32>
    %dot_general3A_33 = tpu.matmul %concatenate3A_29, %get3A_32, %dot_general3A {dimension_numbers = #tpu.dot_dimension_numbers<[1], [0], [0], [1], [0, 0, 1, 1], [], []>, transpose_lhs_hint = false} : vector<6400x26xf32>, vector<26x100xf32>, vector<6400x100xf32> -> vector<6400x100xf32>
    %max3A_34 = arith.constant 0.000000e+00 : f32
    %max3A_35 = vector.broadcast %max3A_34 : f32 to vector<6400x100xf32>
    %max3A_36 = arith.maximumf %dot_general3A_33, %max3A_35 : vector<6400x100xf32>
    %get3A_37 = arith.constant 0 : index
    %get3A_38 = arith.constant 0 : index
    %get3A_39 = arith.constant 0 : index
    %get3A_40 = vector.load %arg4[%get3A_37, %get3A_38, %get3A_39] : memref<15x100x100xf32, #tpu.memory_space<vmem>>, vector<1x100x100xf32>
    %get3A_41 = vector.shape_cast %get3A_40 : vector<1x100x100xf32> to vector<100x100xf32>
    %dot_general3A_42 = arith.constant dense<0.000000e+00> : vector<6400x100xf32>
    %dot_general3A_43 = tpu.matmul %max3A_36, %get3A_41, %dot_general3A_42 {dimension_numbers = #tpu.dot_dimension_numbers<[1], [0], [0], [1], [0, 0, 1, 1], [], []>, transpose_lhs_hint = false} : vector<6400x100xf32>, vector<100x100xf32>, vector<6400x100xf32> -> vector<6400x100xf32>
    %max3A_44 = arith.constant 0.000000e+00 : f32
    %max3A_45 = vector.broadcast %max3A_44 : f32 to vector<6400x100xf32>
    %max3A_46 = arith.maximumf %dot_general3A_43, %max3A_45 : vector<6400x100xf32>
    %add3A_47 = arith.addf %max3A_36, %max3A_46 : vector<6400x100xf32>
    %get3A_48 = arith.constant 1 : index
    %get3A_49 = arith.constant 0 : index
    %get3A_50 = arith.constant 0 : index
    %get3A_51 = vector.load %arg4[%get3A_48, %get3A_49, %get3A_50] : memref<15x100x100xf32, #tpu.memory_space<vmem>>, vector<1x100x100xf32>
    %get3A_52 = vector.shape_cast %get3A_51 : vector<1x100x100xf32> to vector<100x100xf32>
    %dot_general3A_53 = arith.constant dense<0.000000e+00> : vector<6400x100xf32>
    %dot_general3A_54 = tpu.matmul %add3A_47, %get3A_52, %dot_general3A_53 {dimension_numbers = #tpu.dot_dimension_numbers<[1], [0], [0], [1], [0, 0, 1, 1], [], []>, transpose_lhs_hint = false} : vector<6400x100xf32>, vector<100x100xf32>, vector<6400x100xf32> -> vector<6400x100xf32>
    %max3A_55 = arith.constant 0.000000e+00 : f32
    %max3A_56 = vector.broadcast %max3A_55 : f32 to vector<6400x100xf32>
    %max3A_57 = arith.maximumf %dot_general3A_54, %max3A_56 : vector<6400x100xf32>
    %add3A_58 = arith.addf %add3A_47, %max3A_57 : vector<6400x100xf32>
    %get3A_59 = arith.constant 2 : index
    %get3A_60 = arith.constant 0 : index
    %get3A_61 = arith.constant 0 : index
    %get3A_62 = vector.load %arg4[%get3A_59, %get3A_60, %get3A_61] : memref<15x100x100xf32, #tpu.memory_space<vmem>>, vector<1x100x100xf32>
    %get3A_63 = vector.shape_cast %get3A_62 : vector<1x100x100xf32> to vector<100x100xf32>
    %dot_general3A_64 = arith.constant dense<0.000000e+00> : vector<6400x100xf32>
    %dot_general3A_65 = tpu.matmul %add3A_58, %get3A_63, %dot_general3A_64 {dimension_numbers = #tpu.dot_dimension_numbers<[1], [0], [0], [1], [0, 0, 1, 1], [], []>, transpose_lhs_hint = false} : vector<6400x100xf32>, vector<100x100xf32>, vector<6400x100xf32> -> vector<6400x100xf32>
    %max3A_66 = arith.constant 0.000000e+00 : f32
    %max3A_67 = vector.broadcast %max3A_66 : f32 to vector<6400x100xf32>
    %max3A_68 = arith.maximumf %dot_general3A_65, %max3A_67 : vector<6400x100xf32>
    %add3A_69 = arith.addf %add3A_58, %max3A_68 : vector<6400x100xf32>
    %get3A_70 = arith.constant 3 : index
    %get3A_71 = arith.constant 0 : index
    %get3A_72 = arith.constant 0 : index
    %get3A_73 = vector.load %arg4[%get3A_70, %get3A_71, %get3A_72] : memref<15x100x100xf32, #tpu.memory_space<vmem>>, vector<1x100x100xf32>
    %get3A_74 = vector.shape_cast %get3A_73 : vector<1x100x100xf32> to vector<100x100xf32>
    %dot_general3A_75 = arith.constant dense<0.000000e+00> : vector<6400x100xf32>
    %dot_general3A_76 = tpu.matmul %add3A_69, %get3A_74, %dot_general3A_75 {dimension_numbers = #tpu.dot_dimension_numbers<[1], [0], [0], [1], [0, 0, 1, 1], [], []>, transpose_lhs_hint = false} : vector<6400x100xf32>, vector<100x100xf32>, vector<6400x100xf32> -> vector<6400x100xf32>
    %max3A_77 = arith.constant 0.000000e+00 : f32
    %max3A_78 = vector.broadcast %max3A_77 : f32 to vector<6400x100xf32>
    %max3A_79 = arith.maximumf %dot_general3A_76, %max3A_78 : vector<6400x100xf32>
    %add3A_80 = arith.addf %add3A_69, %max3A_79 : vector<6400x100xf32>
    %get3A_81 = arith.constant 4 : index
    %get3A_82 = arith.constant 0 : index
    %get3A_83 = arith.constant 0 : index
    %get3A_84 = vector.load %arg4[%get3A_81, %get3A_82, %get3A_83] : memref<15x100x100xf32, #tpu.memory_space<vmem>>, vector<1x100x100xf32>
    %get3A_85 = vector.shape_cast %get3A_84 : vector<1x100x100xf32> to vector<100x100xf32>
    %dot_general3A_86 = arith.constant dense<0.000000e+00> : vector<6400x100xf32>
    %dot_general3A_87 = tpu.matmul %add3A_80, %get3A_85, %dot_general3A_86 {dimension_numbers = #tpu.dot_dimension_numbers<[1], [0], [0], [1], [0, 0, 1, 1], [], []>, transpose_lhs_hint = false} : vector<6400x100xf32>, vector<100x100xf32>, vector<6400x100xf32> -> vector<6400x100xf32>
    %max3A_88 = arith.constant 0.000000e+00 : f32
    %max3A_89 = vector.broadcast %max3A_88 : f32 to vector<6400x100xf32>
    %max3A_90 = arith.maximumf %dot_general3A_87, %max3A_89 : vector<6400x100xf32>
    %add3A_91 = arith.addf %add3A_80, %max3A_90 : vector<6400x100xf32>
    %get3A_92 = arith.constant 5 : index
    %get3A_93 = arith.constant 0 : index
    %get3A_94 = arith.constant 0 : index
    %get3A_95 = vector.load %arg4[%get3A_92, %get3A_93, %get3A_94] : memref<15x100x100xf32, #tpu.memory_space<vmem>>, vector<1x100x100xf32>
    %get3A_96 = vector.shape_cast %get3A_95 : vector<1x100x100xf32> to vector<100x100xf32>
    %dot_general3A_97 = arith.constant dense<0.000000e+00> : vector<6400x100xf32>
    %dot_general3A_98 = tpu.matmul %add3A_91, %get3A_96, %dot_general3A_97 {dimension_numbers = #tpu.dot_dimension_numbers<[1], [0], [0], [1], [0, 0, 1, 1], [], []>, transpose_lhs_hint = false} : vector<6400x100xf32>, vector<100x100xf32>, vector<6400x100xf32> -> vector<6400x100xf32>
    %max3A_99 = arith.constant 0.000000e+00 : f32
    %max3A_100 = vector.broadcast %max3A_99 : f32 to vector<6400x100xf32>
    %max3A_101 = arith.maximumf %dot_general3A_98, %max3A_100 : vector<6400x100xf32>
    %add3A_102 = arith.addf %add3A_91, %max3A_101 : vector<6400x100xf32>
    %get3A_103 = arith.constant 6 : index
    %get3A_104 = arith.constant 0 : index
    %get3A_105 = arith.constant 0 : index
    %get3A_106 = vector.load %arg4[%get3A_103, %get3A_104, %get3A_105] : memref<15x100x100xf32, #tpu.memory_space<vmem>>, vector<1x100x100xf32>
    %get3A_107 = vector.shape_cast %get3A_106 : vector<1x100x100xf32> to vector<100x100xf32>
    %dot_general3A_108 = arith.constant dense<0.000000e+00> : vector<6400x100xf32>
    %dot_general3A_109 = tpu.matmul %add3A_102, %get3A_107, %dot_general3A_108 {dimension_numbers = #tpu.dot_dimension_numbers<[1], [0], [0], [1], [0, 0, 1, 1], [], []>, transpose_lhs_hint = false} : vector<6400x100xf32>, vector<100x100xf32>, vector<6400x100xf32> -> vector<6400x100xf32>
    %max3A_110 = arith.constant 0.000000e+00 : f32
    %max3A_111 = vector.broadcast %max3A_110 : f32 to vector<6400x100xf32>
    %max3A_112 = arith.maximumf %dot_general3A_109, %max3A_111 : vector<6400x100xf32>
    %add3A_113 = arith.addf %add3A_102, %max3A_112 : vector<6400x100xf32>
    %get3A_114 = arith.constant 7 : index
    %get3A_115 = arith.constant 0 : index
    %get3A_116 = arith.constant 0 : index
    %get3A_117 = vector.load %arg4[%get3A_114, %get3A_115, %get3A_116] : memref<15x100x100xf32, #tpu.memory_space<vmem>>, vector<1x100x100xf32>
    %get3A_118 = vector.shape_cast %get3A_117 : vector<1x100x100xf32> to vector<100x100xf32>
    %dot_general3A_119 = arith.constant dense<0.000000e+00> : vector<6400x100xf32>
    %dot_general3A_120 = tpu.matmul %add3A_113, %get3A_118, %dot_general3A_119 {dimension_numbers = #tpu.dot_dimension_numbers<[1], [0], [0], [1], [0, 0, 1, 1], [], []>, transpose_lhs_hint = false} : vector<6400x100xf32>, vector<100x100xf32>, vector<6400x100xf32> -> vector<6400x100xf32>
    %max3A_121 = arith.constant 0.000000e+00 : f32
    %max3A_122 = vector.broadcast %max3A_121 : f32 to vector<6400x100xf32>
    %max3A_123 = arith.maximumf %dot_general3A_120, %max3A_122 : vector<6400x100xf32>
    %add3A_124 = arith.addf %add3A_113, %max3A_123 : vector<6400x100xf32>
    %get3A_125 = arith.constant 8 : index
    %get3A_126 = arith.constant 0 : index
    %get3A_127 = arith.constant 0 : index
    %get3A_128 = vector.load %arg4[%get3A_125, %get3A_126, %get3A_127] : memref<15x100x100xf32, #tpu.memory_space<vmem>>, vector<1x100x100xf32>
    %get3A_129 = vector.shape_cast %get3A_128 : vector<1x100x100xf32> to vector<100x100xf32>
    %dot_general3A_130 = arith.constant dense<0.000000e+00> : vector<6400x100xf32>
    %dot_general3A_131 = tpu.matmul %add3A_124, %get3A_129, %dot_general3A_130 {dimension_numbers = #tpu.dot_dimension_numbers<[1], [0], [0], [1], [0, 0, 1, 1], [], []>, transpose_lhs_hint = false} : vector<6400x100xf32>, vector<100x100xf32>, vector<6400x100xf32> -> vector<6400x100xf32>
    %max3A_132 = arith.constant 0.000000e+00 : f32
    %max3A_133 = vector.broadcast %max3A_132 : f32 to vector<6400x100xf32>
    %max3A_134 = arith.maximumf %dot_general3A_131, %max3A_133 : vector<6400x100xf32>
    %add3A_135 = arith.addf %add3A_124, %max3A_134 : vector<6400x100xf32>
    %get3A_136 = arith.constant 9 : index
    %get3A_137 = arith.constant 0 : index
    %get3A_138 = arith.constant 0 : index
    %get3A_139 = vector.load %arg4[%get3A_136, %get3A_137, %get3A_138] : memref<15x100x100xf32, #tpu.memory_space<vmem>>, vector<1x100x100xf32>
    %get3A_140 = vector.shape_cast %get3A_139 : vector<1x100x100xf32> to vector<100x100xf32>
    %dot_general3A_141 = arith.constant dense<0.000000e+00> : vector<6400x100xf32>
    %dot_general3A_142 = tpu.matmul %add3A_135, %get3A_140, %dot_general3A_141 {dimension_numbers = #tpu.dot_dimension_numbers<[1], [0], [0], [1], [0, 0, 1, 1], [], []>, transpose_lhs_hint = false} : vector<6400x100xf32>, vector<100x100xf32>, vector<6400x100xf32> -> vector<6400x100xf32>
    %max3A_143 = arith.constant 0.000000e+00 : f32
    %max3A_144 = vector.broadcast %max3A_143 : f32 to vector<6400x100xf32>
    %max3A_145 = arith.maximumf %dot_general3A_142, %max3A_144 : vector<6400x100xf32>
    %add3A_146 = arith.addf %add3A_135, %max3A_145 : vector<6400x100xf32>
    %get3A_147 = arith.constant 10 : index
    %get3A_148 = arith.constant 0 : index
    %get3A_149 = arith.constant 0 : index
    %get3A_150 = vector.load %arg4[%get3A_147, %get3A_148, %get3A_149] : memref<15x100x100xf32, #tpu.memory_space<vmem>>, vector<1x100x100xf32>
    %get3A_151 = vector.shape_cast %get3A_150 : vector<1x100x100xf32> to vector<100x100xf32>
    %dot_general3A_152 = arith.constant dense<0.000000e+00> : vector<6400x100xf32>
    %dot_general3A_153 = tpu.matmul %add3A_146, %get3A_151, %dot_general3A_152 {dimension_numbers = #tpu.dot_dimension_numbers<[1], [0], [0], [1], [0, 0, 1, 1], [], []>, transpose_lhs_hint = false} : vector<6400x100xf32>, vector<100x100xf32>, vector<6400x100xf32> -> vector<6400x100xf32>
    %max3A_154 = arith.constant 0.000000e+00 : f32
    %max3A_155 = vector.broadcast %max3A_154 : f32 to vector<6400x100xf32>
    %max3A_156 = arith.maximumf %dot_general3A_153, %max3A_155 : vector<6400x100xf32>
    %add3A_157 = arith.addf %add3A_146, %max3A_156 : vector<6400x100xf32>
    %get3A_158 = arith.constant 11 : index
    %get3A_159 = arith.constant 0 : index
    %get3A_160 = arith.constant 0 : index
    %get3A_161 = vector.load %arg4[%get3A_158, %get3A_159, %get3A_160] : memref<15x100x100xf32, #tpu.memory_space<vmem>>, vector<1x100x100xf32>
    %get3A_162 = vector.shape_cast %get3A_161 : vector<1x100x100xf32> to vector<100x100xf32>
    %dot_general3A_163 = arith.constant dense<0.000000e+00> : vector<6400x100xf32>
    %dot_general3A_164 = tpu.matmul %add3A_157, %get3A_162, %dot_general3A_163 {dimension_numbers = #tpu.dot_dimension_numbers<[1], [0], [0], [1], [0, 0, 1, 1], [], []>, transpose_lhs_hint = false} : vector<6400x100xf32>, vector<100x100xf32>, vector<6400x100xf32> -> vector<6400x100xf32>
    %max3A_165 = arith.constant 0.000000e+00 : f32
    %max3A_166 = vector.broadcast %max3A_165 : f32 to vector<6400x100xf32>
    %max3A_167 = arith.maximumf %dot_general3A_164, %max3A_166 : vector<6400x100xf32>
    %add3A_168 = arith.addf %add3A_157, %max3A_167 : vector<6400x100xf32>
    %get3A_169 = arith.constant 12 : index
    %get3A_170 = arith.constant 0 : index
    %get3A_171 = arith.constant 0 : index
    %get3A_172 = vector.load %arg4[%get3A_169, %get3A_170, %get3A_171] : memref<15x100x100xf32, #tpu.memory_space<vmem>>, vector<1x100x100xf32>
    %get3A_173 = vector.shape_cast %get3A_172 : vector<1x100x100xf32> to vector<100x100xf32>
    %dot_general3A_174 = arith.constant dense<0.000000e+00> : vector<6400x100xf32>
    %dot_general3A_175 = tpu.matmul %add3A_168, %get3A_173, %dot_general3A_174 {dimension_numbers = #tpu.dot_dimension_numbers<[1], [0], [0], [1], [0, 0, 1, 1], [], []>, transpose_lhs_hint = false} : vector<6400x100xf32>, vector<100x100xf32>, vector<6400x100xf32> -> vector<6400x100xf32>
    %max3A_176 = arith.constant 0.000000e+00 : f32
    %max3A_177 = vector.broadcast %max3A_176 : f32 to vector<6400x100xf32>
    %max3A_178 = arith.maximumf %dot_general3A_175, %max3A_177 : vector<6400x100xf32>
    %add3A_179 = arith.addf %add3A_168, %max3A_178 : vector<6400x100xf32>
    %get3A_180 = arith.constant 13 : index
    %get3A_181 = arith.constant 0 : index
    %get3A_182 = arith.constant 0 : index
    %get3A_183 = vector.load %arg4[%get3A_180, %get3A_181, %get3A_182] : memref<15x100x100xf32, #tpu.memory_space<vmem>>, vector<1x100x100xf32>
    %get3A_184 = vector.shape_cast %get3A_183 : vector<1x100x100xf32> to vector<100x100xf32>
    %dot_general3A_185 = arith.constant dense<0.000000e+00> : vector<6400x100xf32>
    %dot_general3A_186 = tpu.matmul %add3A_179, %get3A_184, %dot_general3A_185 {dimension_numbers = #tpu.dot_dimension_numbers<[1], [0], [0], [1], [0, 0, 1, 1], [], []>, transpose_lhs_hint = false} : vector<6400x100xf32>, vector<100x100xf32>, vector<6400x100xf32> -> vector<6400x100xf32>
    %max3A_187 = arith.constant 0.000000e+00 : f32
    %max3A_188 = vector.broadcast %max3A_187 : f32 to vector<6400x100xf32>
    %max3A_189 = arith.maximumf %dot_general3A_186, %max3A_188 : vector<6400x100xf32>
    %add3A_190 = arith.addf %add3A_179, %max3A_189 : vector<6400x100xf32>
    %get3A_191 = arith.constant 14 : index
    %get3A_192 = arith.constant 0 : index
    %get3A_193 = arith.constant 0 : index
    %get3A_194 = vector.load %arg4[%get3A_191, %get3A_192, %get3A_193] : memref<15x100x100xf32, #tpu.memory_space<vmem>>, vector<1x100x100xf32>
    %get3A_195 = vector.shape_cast %get3A_194 : vector<1x100x100xf32> to vector<100x100xf32>
    %dot_general3A_196 = arith.constant dense<0.000000e+00> : vector<6400x100xf32>
    %dot_general3A_197 = tpu.matmul %add3A_190, %get3A_195, %dot_general3A_196 {dimension_numbers = #tpu.dot_dimension_numbers<[1], [0], [0], [1], [0, 0, 1, 1], [], []>, transpose_lhs_hint = false} : vector<6400x100xf32>, vector<100x100xf32>, vector<6400x100xf32> -> vector<6400x100xf32>
    %max3A_198 = arith.constant 0.000000e+00 : f32
    %max3A_199 = vector.broadcast %max3A_198 : f32 to vector<6400x100xf32>
    %max3A_200 = arith.maximumf %dot_general3A_197, %max3A_199 : vector<6400x100xf32>
    %add3A_201 = arith.addf %add3A_190, %max3A_200 : vector<6400x100xf32>
    %get3A_202 = arith.constant 0 : index
    %get3A_203 = arith.constant 0 : index
    %get3A_204 = vector.load %arg5[%get3A_202, %get3A_203] : memref<100x1xf32, #tpu.memory_space<vmem>>, vector<100x1xf32>
    %dot_general3A_205 = arith.constant dense<0.000000e+00> : vector<6400x1xf32>
    %dot_general3A_206 = tpu.matmul %add3A_201, %get3A_204, %dot_general3A_205 {dimension_numbers = #tpu.dot_dimension_numbers<[1], [0], [0], [1], [0, 0, 1, 1], [], []>, transpose_lhs_hint = false} : vector<6400x100xf32>, vector<100x1xf32>, vector<6400x1xf32> -> vector<6400x1xf32>
    %slice3A_207 = vector.extract_strided_slice %dot_general3A_206 {offsets = [0, 0], sizes = [3200, 1], strides = [1, 1]} : vector<6400x1xf32> to vector<3200x1xf32>
    %slice3A_208 = vector.extract_strided_slice %dot_general3A_206 {offsets = [3200, 0], sizes = [3200, 1], strides = [1, 1]} : vector<6400x1xf32> to vector<3200x1xf32>
    %sub3A_209 = arith.subf %slice3A_207, %slice3A_208 : vector<3200x1xf32>
    %mul3A = arith.constant 5.000000e+01 : f32
    %mul3A_210 = vector.broadcast %mul3A : f32 to vector<3200x1xf32>
    %mul3A_211 = arith.mulf %mul3A_210, %sub3A_209 : vector<3200x1xf32>
    %mul3A_212 = vector.broadcast %mul3A_211 : vector<3200x1xf32> to vector<3200x3xf32>
    %mul3A_213 = arith.mulf %mul3A_212, %div3A_11 : vector<3200x3xf32>
    %reshape3A_214 = vector.shape_cast %mul3A_213 : vector<3200x3xf32> to vector<200x16x3xf32>
    %reduce_sum3A = arith.constant dense<0.000000e+00> : vector<200x3xf32>
    %reduce_sum3A_215 = vector.multi_reduction <add>, %reshape3A_214, %reduce_sum3A [1] : vector<200x16x3xf32> to vector<200x3xf32>
    %swap3A = arith.constant 0 : index
    %swap3A_216 = arith.constant 0 : index
    %swap3A_217 = vector.load %arg6[%swap3A, %swap3A_216] : memref<200x3xf32, #tpu.memory_space<vmem>>, vector<200x3xf32>
    tpu.vector_store %arg6[%swap3A, %swap3A_216], %reduce_sum3A_215 {strides = array<i32>} : memref<200x3xf32, #tpu.memory_space<vmem>>, vector<200x3xf32>,
    return
  }
  func.func @transform_0(%arg0: i32) -> (i32, i32) {
    %c0_i32 = arith.constant 0 : i32
    %c0_i32_0 = arith.constant 0 : i32
    return %arg0, %c0_i32 : i32, i32
  }
  func.func @transform_1(%arg0: i32) -> (i32, i32) {
    %c0_i32 = arith.constant 0 : i32
    %c0_i32_0 = arith.constant 0 : i32
    return %arg0, %c0_i32 : i32, i32
  }
  func.func @transform_2(%arg0: i32) -> (i32, i32) {
    %c0_i32 = arith.constant 0 : i32
    %c0_i32_0 = arith.constant 0 : i32
    %c0_i32_1 = arith.constant 0 : i32
    return %c0_i32, %c0_i32_0 : i32, i32
  }
  func.func @transform_3(%arg0: i32) -> (i32, i32, i32) {
    %c0_i32 = arith.constant 0 : i32
    %c0_i32_0 = arith.constant 0 : i32
    %c0_i32_1 = arith.constant 0 : i32
    %c0_i32_2 = arith.constant 0 : i32
    return %c0_i32, %c0_i32_0, %c0_i32_1 : i32, i32, i32
  }
  func.func @transform_4(%arg0: i32) -> (i32, i32) {
    %c0_i32 = arith.constant 0 : i32
    %c0_i32_0 = arith.constant 0 : i32
    %c0_i32_1 = arith.constant 0 : i32
    return %c0_i32, %c0_i32_0 : i32, i32
  }
  func.func @transform_5(%arg0: i32) -> (i32, i32) {
    %c0_i32 = arith.constant 0 : i32
    %c0_i32_0 = arith.constant 0 : i32
    return %arg0, %c0_i32 : i32, i32
  }
}

</mosaic_0001>

<sc_bundles>
// kernel: kernel.4.cloned.1.call-start
scs
__scs_entry_jumppad:
0x0: {  	(pc) =	sbr.rel $0x88, $3  }
0x1: {  	(tag) =	ssettag $0x0;
	lr =	simm.s32 $0x1  }
0x2: {  	[smem:$0x3F98] =	sst lr;
	_ =	strace $0xD0000000  }
0x3: {  	_ = 	snop  }
0x4: {  	_ = 	snop  }
0x5: {  	_ = 	snop  }
0x6: {  	_ = 	snop  }
0x7: {  	_ = 	snop  }
__scs_overlays_trampoline_lowered:
0x8: {  	[smem:$0x3FA7] =	sst s0  }
0x9: {  	[smem:$0x3FA8] =	sst s1  }
0xa: {  	[smem:$0x3FA9] =	sst s2  }
0xb: {  	[smem:$0x3FAA] =	sst s3  }
0xc: {  	[smem:$0x3FAB] =	sst s4  }
0xd: {  	[smem:$0x3FAC] =	sst s5  }
0xe: {  	[smem:$0x3FAD] =	sst s6  }
0xf: {  	[smem:$0x3FAE] =	sst s7  }
0x10: {  	[smem:$0x3FAF] =	sst s8  }
0x11: {  	[smem:$0x3FB0] =	sst s9;
	s0 =	simm.s32 @!p0 $0x0  }
0x12: {  	s1 =	sld [smem:$0x3F96];
	s0 =	simm.s32 @p0 $0x1  }
0x13: {  	[smem:$0x3FB1] =	sst s0;
	s0 =	simm.s32 @!p1 $0x0  }
0x14: {  	s2 =	sld [smem:$0x3F95];
	s0 =	simm.s32 @p1 $0x1  }
0x15: {  	[smem:$0x3FB2] =	sst s0;
	s0 =	simm.s32 @!p2 $0x0  }
0x16: {  	s3 =	sld [smem:$0x3FDB];
	s0 =	simm.s32 @p2 $0x1  }
0x17: {  	s4 =	simm.s32 $0x1BF5;
	[smem:$0x3FB4] =	sst s0  }
0x18: {  	s0 =	sld [smem:$0x3F97];
	_ =	swait.ge [sflag:s4], $0x0  }
0x19: {  	s7 =	sld [smem:$0x3F98]  }
0x1a: {  	s8 =	sadd.s32 $0xFFFFE003, lr  }
0x1b: {  	s9 =	sadd.s32 $0xFFFFFEF7, lr;
	s5 =	simm.s32 $0xFFFFFFFF;
	p2 =	slt.u32 s8, $0xFFFFF086  }
0x1c: {  	p1 =	slt.u32 s9, $0xF7A;
	s5 =	simm.s32 @!p2 $0x0  }
0x1d: {  	s5 =	simm.s32 @p1 $0x1;
	p0 =	seq.s32 s7, s2  }
0x1e: {  	s7 =	smul.u32 @!p0 $0xF7A, s2;
	p2 =	seq.s32 @!p0 s5, $0x0  }
0x1f: {  	s9 =	smul.u32 $0xF7A, s1;
	s8 =	simm.s32 @!p0 $0x1BF5;
	p2 =	por !p2, p0  }
0x20: {  	[sflag:s8] =	ssyncset.s32 @!p0 $0xFFFFF086;
	s6 =	sadd.s32 @!p0 s3, s7;
	s7 =	simm.s32 @!p0 $0x108  }
0x21: {  	s3 =	sadd.s32 s3, s9;
	s6 =	sadd.s32 @!p0 $0x88, s6;
	s7 =	simm.s32 @p2 $0x1082  }
0x22: {  	[simem:s7], [sflag:s8] =	dma.local @!p0 [hbm:s6], $0xF7A  }
0x23: {  	s9 =	sor.u32 $0xD0000000, s2;
	s6 =	simm.s32 $0x108;
	_ =	swait.ge @!p0 [sflag:s8], $0x0  }
0x24: {  	s3 =	sadd.s32 $0x88, s3;
	s6 =	simm.s32 @!p1 $0x1082;
	[sflag:s4] =	ssyncset.s32 $0xFFFFF086  }
0x25: {  	[simem:s6], [sflag:s4] =	dma.local [hbm:s3], $0xF7A  }
0x26: {  	[smem:$0x3F98] =	sst s1;
	(tag) =	ssettag s2;
	_ =	strace s9  }
0x27: {  	s1 =	sld [smem:$0x3FA8]  }
0x28: {  	s2 =	sld [smem:$0x3FA9]  }
0x29: {  	s4 =	sld [smem:$0x3FAB]  }
0x2a: {  	p0 =	seq.s32 s5, $0x0;
	s5 =	sld [smem:$0x3FAC]  }
0x2b: {  	s6 =	sld [smem:$0x3FAD]  }
0x2c: {  	s7 =	sld [smem:$0x3FAE]  }
0x2d: {  	s3 =	simm.s32 $0x108;
	s8 =	sld [smem:$0x3FAF]  }
0x2e: {  	s3 =	simm.s32 @!p0 $0x1082;
	s9 =	sld [smem:$0x3FB0]  }
0x2f: {  	lr =	sadd.s32 s0, s3;
	s0 =	sld [smem:$0x3FA7]  }
0x30: {  	s3 =	sld [smem:$0x3FAA]  }
0x31: {  	[smem:$0x3FB3] =	sst s10  }
0x32: {  	s10 =	sld [smem:$0x3FB1];
	_ =	sdelay $0x3  }
0x33: {  	p0 =	seq.s32 s10, $0x1;
	s10 =	sld [smem:$0x3FB3];
	_ =	sdelay $0x3  }
0x34: {  	[smem:$0x3FB3] =	sst s10  }
0x35: {  	s10 =	sld [smem:$0x3FB2];
	_ =	sdelay $0x3  }
0x36: {  	p1 =	seq.s32 s10, $0x1;
	s10 =	sld [smem:$0x3FB3];
	_ =	sdelay $0x3  }
0x37: {  	[smem:$0x3FB3] =	sst s10  }
0x38: {  	s10 =	sld [smem:$0x3FB4]  }
0x39: {  	_ = 	snop;
	(pc) =	sbr.ind lr, $3  }
0x3a: {  	_ = 	snop  }
0x3b: {  	_ = 	snop  }
0x3c: {  	p2 =	seq.s32 s10, $0x1;
	s10 =	sld [smem:$0x3FB3]  }
0x3d: {  	_ =	shalt  }
0x3e: {  	_ =	shalt  }
0x3f: {  	_ =	shalt  }
0x40: {  	_ =	shalt  }
0x41: {  	_ =	shalt  }
0x42: {  	_ =	shalt  }
0x43: {  	_ =	shalt  }
0x44: {  	_ =	shalt  }
0x45: {  	_ =	shalt  }
0x46: {  	_ =	shalt  }
0x47: {  	_ =	shalt  }
0x48: {  	_ =	shalt  }
0x49: {  	_ =	shalt  }
0x4a: {  	_ =	shalt  }
0x4b: {  	_ =	shalt  }
0x4c: {  	_ =	shalt  }
0x4d: {  	_ =	shalt  }
0x4e: {  	_ =	shalt  }
0x4f: {  	_ =	shalt  }
0x50: {  	_ =	shalt  }
0x51: {  	_ =	shalt  }
0x52: {  	_ =	shalt  }
0x53: {  	_ =	shalt  }
0x54: {  	_ =	shalt  }
0x55: {  	_ =	shalt  }
0x56: {  	_ =	shalt  }
0x57: {  	_ =	shalt  }
0x58: {  	_ =	shalt  }
0x59: {  	_ =	shalt  }
0x5a: {  	_ =	shalt  }
0x5b: {  	_ =	shalt  }
0x5c: {  	_ =	shalt  }
0x5d: {  	_ =	shalt  }
0x5e: {  	_ =	shalt  }
0x5f: {  	_ =	shalt  }
0x60: {  	_ =	shalt  }
0x61: {  	_ =	shalt  }
0x62: {  	_ =	shalt  }
0x63: {  	_ =	shalt  }
0x64: {  	_ =	shalt  }
0x65: {  	_ =	shalt  }
0x66: {  	_ =	shalt  }
0x67: {  	_ =	shalt  }
0x68: {  	_ =	shalt  }
0x69: {  	_ =	shalt  }
0x6a: {  	_ =	shalt  }
0x6b: {  	_ =	shalt  }
0x6c: {  	_ =	shalt  }
0x6d: {  	_ =	shalt  }
0x6e: {  	_ =	shalt  }
0x6f: {  	_ =	shalt  }
0x70: {  	_ =	shalt  }
0x71: {  	_ =	shalt  }
0x72: {  	_ =	shalt  }
0x73: {  	_ =	shalt  }
0x74: {  	_ =	shalt  }
0x75: {  	_ =	shalt  }
0x76: {  	_ =	shalt  }
0x77: {  	_ =	shalt  }
0x78: {  	_ =	shalt  }
0x79: {  	_ =	shalt  }
0x7a: {  	_ =	shalt  }
0x7b: {  	_ =	shalt  }
0x7c: {  	_ =	shalt  }
0x7d: {  	_ =	shalt  }
0x7e: {  	_ =	shalt  }
0x7f: {  	_ =	shalt  }
0x80: {  	_ =	shalt  }
0x81: {  	_ =	shalt  }
0x82: {  	_ =	shalt  }
0x83: {  	_ =	shalt  }
0x84: {  	_ =	shalt  }
0x85: {  	_ =	shalt  }
0x86: {  	_ =	shalt  }
0x87: {  	_ =	shalt  }
.Lfunc_end0:
.L_simem_size_0:
called_computation_lowered:
.L_overlay_start_0:
0x88: {  	s2 =	sld [smem:$0x3FD9]  }
0x89: {  	s3 =	sld [smem:$0x3FFE];
	_ =	sdelay $0x1  }
0x8a: {  	s1 =	srdreg.scid  }
0x8b: {  	s0 =	sand.u32 $0x1, s1  }
0x8c: {  	s16 =	sshll.u32 s0, $0xA;
	s2 =	sadd.s32 s3, s2  }
0x8d: {  	s2 =	sadd.s32 s2, s16  }
0x8e: {  	[smem:$0x3FBF] =	sst s2  }
0x8f: {  	_ = 	snop  }
0x90: {  	(tm) =	ssettm $0x1  }
0x91: {  	s17 =	sld [smem:$0x3FFB];
	_ =	sdelay $0x3  }
0x92: {  	_ =	strace s17  }
0x93: {  	s2 =	sld [smem:$0x3FFC];
	_ =	sdelay $0x3  }
0x94: {  	_ =	strace s2  }
0x95: {  	s2 =	sld [smem:$0x3FFD];
	_ =	sdelay $0x3  }
0x96: {  	_ =	strace s2  }
0x97: {  	_ =	strace $0x8FFFFFFF  }
0x98: {  	s18 =	sld [smem:$0x3FDB];
	_ =	sdelay $0x1  }
0x99: {  	s19 =	simm.s32 $_scs_section_size  }
0x9a: {  	s4 =	simm.s32 $_size__tile_overlayer_lowered;
	s5 =	simm.s32 $_tile_overlayer_lowered  }
0x9b: {  	s22 =	simm.s32 $0x1BFF;
	s21 =	sshll.u32 s5, $0x1;
	s2 =	sadd.s32 s19, s18  }
0x9c: {  	s6 =	simm.s32 $0x0;
	s20 =	sshll.u32 s4, $0x1;
	s4 =	sadd.s32 s21, s2  }
0x9d: {  	[timem:s6], [sflag:s22] =	dma.local [hbm:s4], s20  }
0x9e: {  	_ =	swait.ge [sflag:s22], s20  }
0x9f: {  	s3 =	ssub.s32 $0x0, s20;
	[sflag:s22] =	ssyncset.done $0x0  }
0xa0: {  	[sflag:s22] =	ssyncadd.s32 s3;
	_ =	sdelay $0x1  }
0xa1: {  	s23 =	simm.s32 $0x1B8B  }
0xa2: {  	_ =	swait.ge [sflag:s23], $0x1  }
0xa3: {  	[sflag:s23] =	ssyncset.done $0x0  }
0xa4: {  	s25 =	simm.s32 $0x1B8E;
	s24 =	sld [smem:$0x3FFE];
	[sflag:s23] =	ssyncadd.s32 $0xFFFFFFFF  }
0xa5: {  	s26 =	simm.s32 $execute0_lowered;
	[smem:$0x3FD2] =	sst s25  }
0xa6: {  	s4 =	sshll.u32 s26, $0x1;
	_ =	strace $0x80000046;
	[dreg:$0x1] =	wrdreg $0xFFFFFFFF  }
0xa7: {  	s28 =	simm.s32 $_size_execute0_lowered;
	s2 =	sadd.s32 s2, s4;
	[dreg:$0x0] =	wrdreg $0x0  }
0xa8: {  	s4 =	sshll.u32 s28, $0x1;
	[dreg:$0x2] =	wrdreg s2  }
0xa9: {  	[dreg:$0x3] =	wrdreg s4  }
0xaa: {  	[dreg:$0x4] =	wrdreg $0xC0  }
0xab: {  	_ =	task [dreg:s6], $0x5FFFF  }
0xac: {  	[dreg:$0x1] =	wrdreg $0xFFFFFFFF  }
0xad: {  	[dreg:$0x0] =	wrdreg $0x60  }
0xae: {  	[dreg:$0x2] =	wrdreg s24  }
0xaf: {  	[dreg:$0x3] =	wrdreg $0x9  }
0xb0: {  	_ =	task.clear_ibuf [dreg:s6], $0x4FFFF;
	_ =	strace $0x90000046  }
0xb1: {  	s29 =	simm.s32 $0x9;
	_ =	strace $0x80000048  }
0xb2: {  	_ =	swait.ge [sflag:s29], $0x1  }
0xb3: {  	[sflag:s29] =	ssyncadd.s32 $0xFFFFFFFF  }
0xb4: {  	_ =	strace $0x90000048  }
0xb5: {  	_ =	sfence  }
0xb6: {  	s30 =	sld [smem:$0x0];
	_ =	sdelay $0x2  }
0xb7: {  	s31 =	sshll.u32 s1, $0xD;
	s1 =	sshrl.u32 s1, $0x2  }
0xb8: {  	s3 =	sand.u32 $0x4000, s31;
	s1 =	sadd.s32 s1, s30  }
0xb9: {  	s0 =	sor.u32 s3, s0;
	s1 =	sshll.u32 s1, $0x11  }
0xba: {  	s0 =	sor.u32 s1, s0  }
0xbb: {  	s0 =	sadd.s32 $0x8F2B, s0  }
0xbc: {  	[sflag:s0] =	ssyncadd.remote.s32 $0x1  }
0xbd: {  	_ =	sfence.sel $0xFFFF  }
0xbe: {  	[dreg:$0x0] =	wrdreg $0xFFFFFFFF;
	(pc) =	sbr.abs _section_cstart, $3  }
0xbf: {  	[dreg:$0x1] =	wrdreg $0xFFFFFFFF  }
0xc0: {  	_ =	task.clear_ibuf [dreg:s6], $0x2FFFF;
	_ =	strace $0x9FFFFFFF  }
0xc1: {  	(tm) =	ssettm $0x7FFFFFFF  }
tec
execute0_lowered:
.L_overlay_start_1:
0x0: {  	(tag) =	ssettag $0x1  }
0x1: {  	s0 =	rddreg [dreg:$0x0]  }
0x2: {  	s2 =	simm.s32 $0x0;
	s1 =	srdreg.scid;
	s3 =	stileid.u32  }
0x3: {  	s10 =	simm.s32 $0x80;
	s11 =	simm.s32 $0x13A0;
	s12 =	simm.s32 $0x100  }
0x4: {  	s14 =	simm.s32 $0x2340;
	s15 =	simm.s32 $0x180;
	s16 =	simm.s32 $0x32E0  }
0x5: {  	s17 =	simm.s32 $0x200;
	s18 =	simm.s32 $0x4280;
	s19 =	simm.s32 $0x280  }
0x6: {  	p0 =	por $0x0, $0x0;
	s1 =	sand.u32 $0x1, s1;
	s3 =	sshll.u32 s3, $0x1  }
0x7: {  	s20 =	simm.s32 $0x5220;
	[smem:$0x7FF] =	sst s2;
	s3 =	sor.u32 s1, s3  }
0x8: {  	s5 =	sadd.s32 $0x28400, s0;
	s6 =	sadd.s32 $0x32200, s0;
	s4 =	smul.u32 $0x280, s3  }
0x9: {  	s0 =	sadd.s32 $0x37200, s0;
	s1 =	ssub.s32 $0x2, s1;
	s8 =	smul.u32 $0x28, s3  }
0xa: {  	_ =	strace $0x80000047;
	s7 =	sshrl.u32 s1, $0x1;
	s3 =	smul.u32 $0x4E20, s3  }
0xb: {  	s1 =	ssub.s32 s1, s7;
	s7 =	simm.s32 $0x1;
	s4 =	sadd.s32 s6, s4  }
0xc: {  	s21 =	sadd.s32 $0x8, s8;
	s8 =	sshll.u32 s8, $0x4;
	s31 =	sadd.s32 s0, s3  }
0xd: {  	s24 =	smax.u32 s1, $0x1;
	s3 =	simm.s32 $0x2;
	[dreg:$0x2] =	wrdreg s4  }
0xe: {  	s22 =	sshll.u32 s21, $0x4;
	s4 =	smul.u32 $0x1F4, s21;
	s23 =	sadd.s32 s6, s8  }
0xf: {  	s26 =	sadd.s32 $0x1F40, s31;
	s13 =	sadd.s32 $0x2EE0, s31;
	p1 =	sne.s32 s24, $0x1  }
.Ltmp0:
0x10: {  	s8 =	simm.s32 $0x7D;
	s21 =	simm.s32 $0x300;
	(pc) =	sbr.rel @!p1 .LBB2_3-.Ltmp0, $4  }
0x11: {  	s30 =	sadd.s32 s6, s22;
	s28 =	sadd.s32 $0x100, s23;
	s25 =	sadd.s32 $0x180, s23  }
0x12: {  	s9 =	sadd.s32 $0x200, s23;
	s6 =	simm.s32 $0x400;
	s22 =	simm.s32 $0x61C0  }
0x13: {  	s23 =	simm.s32 $0x380;
	s1 =	rddreg [dreg:$0x2];
	s29 =	sadd.s32 s0, s4  }
0x14: {  	s4 =	sadd.s32 $0x3E80, s31;
	s0 =	sadd.s32 $0xFFFFFFFF, s24;
	s24 =	simm.s32 $0x7160  }
0x15: {  	[tilespmem:s2], [sflag:$0x2] =	stream.linear.gather [hbm4b:s1+s2], $0x400, $0x38;
	[tilespmem:$0x8100] =	vst v63  }
0x16: {  	_ =	swait.ge [sflag:s3], $0x400  }
0x17: {  	[sflag:s3] =	ssyncset.done $0x0  }
0x18: {  	[sflag:s3] =	ssyncadd.s32 $0xFFFFFC00  }
0x19: {  	[tilespmem:s6], [sflag:$0x1] =	stream.indirect.gather [hbm4b:s5+s8], $0x20, s2, s8, $0xb8;
	[tilespmem:$0x8100] =	vst v63  }
0x1a: {  	_ = 	snop  }
0x1b: {  	[tilespmem:s11], [sflag:$0x1] =	stream.indirect.gather [hbm4b:s5+s8], $0x20, s10, s8, $0xb8;
	[tilespmem:$0x8100] =	vst v63  }
0x1c: {  	_ = 	snop  }
0x1d: {  	[tilespmem:s14], [sflag:$0x1] =	stream.indirect.gather [hbm4b:s5+s8], $0x20, s12, s8, $0xb8;
	[tilespmem:$0x8100] =	vst v63  }
0x1e: {  	_ = 	snop  }
0x1f: {  	[tilespmem:s16], [sflag:$0x1] =	stream.indirect.gather [hbm4b:s5+s8], $0x20, s15, s8, $0xb8;
	[tilespmem:$0x8100] =	vst v63  }
0x20: {  	_ = 	snop  }
0x21: {  	[tilespmem:s18], [sflag:$0x1] =	stream.indirect.gather [hbm4b:s5+s8], $0x20, s17, s8, $0xb8;
	[tilespmem:$0x8100] =	vst v63  }
0x22: {  	_ = 	snop  }
0x23: {  	[tilespmem:s20], [sflag:$0x1] =	stream.indirect.gather [hbm4b:s5+s8], $0x20, s19, s8, $0xb8;
	[tilespmem:$0x8100] =	vst v63  }
0x24: {  	_ = 	snop  }
0x25: {  	[tilespmem:s22], [sflag:$0x1] =	stream.indirect.gather [hbm4b:s5+s8], $0x20, s21, s8, $0xb8;
	[tilespmem:$0x8100] =	vst v63  }
0x26: {  	_ = 	snop  }
0x27: {  	[tilespmem:s24], [sflag:$0x1] =	stream.indirect.gather [hbm4b:s5+s8], $0x20, s23, s8, $0xb8;
	[tilespmem:$0x8100] =	vst v63  }
0x28: {  	_ =	swait.ge [sflag:s7], $0xFA0  }
0x29: {  	[sflag:s7] =	ssyncset.done $0x0  }
0x2a: {  	[sflag:s7] =	ssyncadd.s32 $0xFFFFF060  }
0x2b: {  	_ =	swait.ge [sflag:s7], $0xFA0  }
0x2c: {  	[sflag:s7] =	ssyncset.done $0x0  }
0x2d: {  	[sflag:s7] =	ssyncadd.s32 $0xFFFFF060  }
0x2e: {  	_ =	swait.ge [sflag:s7], $0xFA0  }
0x2f: {  	[sflag:s7] =	ssyncset.done $0x0  }
0x30: {  	[sflag:s7] =	ssyncadd.s32 $0xFFFFF060  }
0x31: {  	_ =	swait.ge [sflag:s7], $0xFA0  }
0x32: {  	[sflag:s7] =	ssyncset.done $0x0  }
0x33: {  	[sflag:s7] =	ssyncadd.s32 $0xFFFFF060  }
0x34: {  	_ =	swait.ge [sflag:s7], $0xFA0  }
0x35: {  	[sflag:s7] =	ssyncset.done $0x0  }
0x36: {  	[sflag:s7] =	ssyncadd.s32 $0xFFFFF060  }
0x37: {  	_ =	swait.ge [sflag:s7], $0xFA0  }
0x38: {  	[sflag:s7] =	ssyncset.done $0x0  }
0x39: {  	[sflag:s7] =	ssyncadd.s32 $0xFFFFF060  }
0x3a: {  	_ =	swait.ge [sflag:s7], $0xFA0  }
0x3b: {  	[sflag:s7] =	ssyncset.done $0x0  }
0x3c: {  	[sflag:s7] =	ssyncadd.s32 $0xFFFFF060  }
0x3d: {  	_ =	swait.ge [sflag:s7], $0xFA0  }
0x3e: {  	[sflag:s7] =	ssyncset.done $0x0  }
0x3f: {  	[sflag:s7] =	ssyncadd.s32 $0xFFFFF060  }
0x40: {  	[hbm4b:s31+s2] =	stream.linear.scatter [tilespmem:s6], [sflag:$0x2], $0x7D00, $0x38;
	[tilespmem:$0x8100] =	vst v63  }
0x41: {  	_ =	swait.ge [sflag:s3], $0x7D00  }
0x42: {  	[sflag:s3] =	ssyncset.done $0x0  }
0x43: {  	[sflag:s3] =	ssyncadd.s32 $0xFFFF8300  }
0x44: {  	[tilespmem:s2], [sflag:$0x2] =	stream.linear.gather [hbm4b:s30+s2], $0x400, $0x38;
	[tilespmem:$0x8100] =	vst v63  }
0x45: {  	_ =	swait.ge [sflag:s3], $0x400  }
0x46: {  	[sflag:s3] =	ssyncset.done $0x0  }
0x47: {  	[sflag:s3] =	ssyncadd.s32 $0xFFFFFC00  }
0x48: {  	[tilespmem:s6], [sflag:$0x1] =	stream.indirect.gather [hbm4b:s5+s8], $0x20, s2, s8, $0xb8;
	[tilespmem:$0x8100] =	vst v63  }
0x49: {  	_ = 	snop  }
0x4a: {  	[tilespmem:s11], [sflag:$0x1] =	stream.indirect.gather [hbm4b:s5+s8], $0x20, s10, s8, $0xb8;
	[tilespmem:$0x8100] =	vst v63  }
0x4b: {  	_ = 	snop  }
0x4c: {  	[tilespmem:s14], [sflag:$0x1] =	stream.indirect.gather [hbm4b:s5+s8], $0x20, s12, s8, $0xb8;
	[tilespmem:$0x8100] =	vst v63  }
0x4d: {  	_ = 	snop  }
0x4e: {  	[tilespmem:s16], [sflag:$0x1] =	stream.indirect.gather [hbm4b:s5+s8], $0x20, s15, s8, $0xb8;
	[tilespmem:$0x8100] =	vst v63  }
0x4f: {  	_ = 	snop  }
0x50: {  	[tilespmem:s18], [sflag:$0x1] =	stream.indirect.gather [hbm4b:s5+s8], $0x20, s17, s8, $0xb8;
	[tilespmem:$0x8100] =	vst v63  }
0x51: {  	_ = 	snop  }
0x52: {  	[tilespmem:s20], [sflag:$0x1] =	stream.indirect.gather [hbm4b:s5+s8], $0x20, s19, s8, $0xb8;
	[tilespmem:$0x8100] =	vst v63  }
0x53: {  	_ = 	snop  }
0x54: {  	[tilespmem:s22], [sflag:$0x1] =	stream.indirect.gather [hbm4b:s5+s8], $0x20, s21, s8, $0xb8;
	[tilespmem:$0x8100] =	vst v63  }
0x55: {  	_ = 	snop  }
0x56: {  	[tilespmem:s24], [sflag:$0x1] =	stream.indirect.gather [hbm4b:s5+s8], $0x20, s23, s8, $0xb8;
	[tilespmem:$0x8100] =	vst v63  }
0x57: {  	_ =	swait.ge [sflag:s7], $0xFA0  }
0x58: {  	[sflag:s7] =	ssyncset.done $0x0  }
0x59: {  	[sflag:s7] =	ssyncadd.s32 $0xFFFFF060  }
0x5a: {  	_ =	swait.ge [sflag:s7], $0xFA0  }
0x5b: {  	[sflag:s7] =	ssyncset.done $0x0  }
0x5c: {  	[sflag:s7] =	ssyncadd.s32 $0xFFFFF060  }
0x5d: {  	_ =	swait.ge [sflag:s7], $0xFA0  }
0x5e: {  	[sflag:s7] =	ssyncset.done $0x0  }
0x5f: {  	[sflag:s7] =	ssyncadd.s32 $0xFFFFF060  }
0x60: {  	_ =	swait.ge [sflag:s7], $0xFA0  }
0x61: {  	[sflag:s7] =	ssyncset.done $0x0  }
0x62: {  	[sflag:s7] =	ssyncadd.s32 $0xFFFFF060  }
0x63: {  	_ =	swait.ge [sflag:s7], $0xFA0  }
0x64: {  	[sflag:s7] =	ssyncset.done $0x0  }
0x65: {  	[sflag:s7] =	ssyncadd.s32 $0xFFFFF060  }
0x66: {  	_ =	swait.ge [sflag:s7], $0xFA0  }
0x67: {  	[sflag:s7] =	ssyncset.done $0x0  }
0x68: {  	[sflag:s7] =	ssyncadd.s32 $0xFFFFF060  }
0x69: {  	_ =	swait.ge [sflag:s7], $0xFA0  }
0x6a: {  	[sflag:s7] =	ssyncset.done $0x0  }
0x6b: {  	[sflag:s7] =	ssyncadd.s32 $0xFFFFF060  }
0x6c: {  	_ =	swait.ge [sflag:s7], $0xFA0  }
0x6d: {  	[sflag:s7] =	ssyncset.done $0x0  }
0x6e: {  	[sflag:s7] =	ssyncadd.s32 $0xFFFFF060  }
0x6f: {  	[hbm4b:s29+s2] =	stream.linear.scatter [tilespmem:s6], [sflag:$0x2], $0x7D00, $0x38;
	[tilespmem:$0x8100] =	vst v63  }
0x70: {  	_ =	swait.ge [sflag:s3], $0x7D00  }
0x71: {  	[sflag:s3] =	ssyncset.done $0x0  }
0x72: {  	[sflag:s3] =	ssyncadd.s32 $0xFFFF8300  }
0x73: {  	[tilespmem:s2], [sflag:$0x2] =	stream.linear.gather [hbm4b:s28+s2], $0x400, $0x38;
	[tilespmem:$0x8100] =	vst v63  }
0x74: {  	_ =	swait.ge [sflag:s3], $0x400  }
0x75: {  	[sflag:s3] =	ssyncset.done $0x0  }
0x76: {  	[sflag:s3] =	ssyncadd.s32 $0xFFFFFC00  }
0x77: {  	[tilespmem:s6], [sflag:$0x1] =	stream.indirect.gather [hbm4b:s5+s8], $0x20, s2, s8, $0xb8;
	[tilespmem:$0x8100] =	vst v63  }
0x78: {  	_ = 	snop  }
0x79: {  	[tilespmem:s11], [sflag:$0x1] =	stream.indirect.gather [hbm4b:s5+s8], $0x20, s10, s8, $0xb8;
	[tilespmem:$0x8100] =	vst v63  }
0x7a: {  	_ = 	snop  }
0x7b: {  	[tilespmem:s14], [sflag:$0x1] =	stream.indirect.gather [hbm4b:s5+s8], $0x20, s12, s8, $0xb8;
	[tilespmem:$0x8100] =	vst v63  }
0x7c: {  	_ = 	snop  }
0x7d: {  	[tilespmem:s16], [sflag:$0x1] =	stream.indirect.gather [hbm4b:s5+s8], $0x20, s15, s8, $0xb8;
	[tilespmem:$0x8100] =	vst v63  }
0x7e: {  	_ = 	snop  }
0x7f: {  	[tilespmem:s18], [sflag:$0x1] =	stream.indirect.gather [hbm4b:s5+s8], $0x20, s17, s8, $0xb8;
	[tilespmem:$0x8100] =	vst v63  }
0x80: {  	_ = 	snop  }
0x81: {  	[tilespmem:s20], [sflag:$0x1] =	stream.indirect.gather [hbm4b:s5+s8], $0x20, s19, s8, $0xb8;
	[tilespmem:$0x8100] =	vst v63  }
0x82: {  	_ = 	snop  }
0x83: {  	[tilespmem:s22], [sflag:$0x1] =	stream.indirect.gather [hbm4b:s5+s8], $0x20, s21, s8, $0xb8;
	[tilespmem:$0x8100] =	vst v63  }
0x84: {  	_ = 	snop  }
0x85: {  	[tilespmem:s24], [sflag:$0x1] =	stream.indirect.gather [hbm4b:s5+s8], $0x20, s23, s8, $0xb8;
	[tilespmem:$0x8100] =	vst v63  }
0x86: {  	_ =	swait.ge [sflag:s7], $0xFA0  }
0x87: {  	[sflag:s7] =	ssyncset.done $0x0  }
0x88: {  	[sflag:s7] =	ssyncadd.s32 $0xFFFFF060  }
0x89: {  	_ =	swait.ge [sflag:s7], $0xFA0  }
0x8a: {  	[sflag:s7] =	ssyncset.done $0x0  }
0x8b: {  	[sflag:s7] =	ssyncadd.s32 $0xFFFFF060  }
0x8c: {  	_ =	swait.ge [sflag:s7], $0xFA0  }
0x8d: {  	[sflag:s7] =	ssyncset.done $0x0  }
0x8e: {  	[sflag:s7] =	ssyncadd.s32 $0xFFFFF060  }
0x8f: {  	_ =	swait.ge [sflag:s7], $0xFA0  }
0x90: {  	[sflag:s7] =	ssyncset.done $0x0  }
0x91: {  	[sflag:s7] =	ssyncadd.s32 $0xFFFFF060  }
0x92: {  	_ =	swait.ge [sflag:s7], $0xFA0  }
0x93: {  	[sflag:s7] =	ssyncset.done $0x0  }
0x94: {  	[sflag:s7] =	ssyncadd.s32 $0xFFFFF060  }
0x95: {  	_ =	swait.ge [sflag:s7], $0xFA0  }
0x96: {  	[sflag:s7] =	ssyncset.done $0x0  }
0x97: {  	[sflag:s7] =	ssyncadd.s32 $0xFFFFF060  }
0x98: {  	_ =	swait.ge [sflag:s7], $0xFA0  }
0x99: {  	[sflag:s7] =	ssyncset.done $0x0  }
0x9a: {  	[sflag:s7] =	ssyncadd.s32 $0xFFFFF060  }
0x9b: {  	_ =	swait.ge [sflag:s7], $0xFA0  }
0x9c: {  	[sflag:s7] =	ssyncset.done $0x0  }
0x9d: {  	[sflag:s7] =	ssyncadd.s32 $0xFFFFF060  }
0x9e: {  	[hbm4b:s26+s2] =	stream.linear.scatter [tilespmem:s6], [sflag:$0x2], $0x7D00, $0x38;
	[tilespmem:$0x8100] =	vst v63  }
0x9f: {  	_ =	swait.ge [sflag:s3], $0x7D00  }
0xa0: {  	[sflag:s3] =	ssyncset.done $0x0  }
0xa1: {  	[sflag:s3] =	ssyncadd.s32 $0xFFFF8300  }
0xa2: {  	[tilespmem:s2], [sflag:$0x2] =	stream.linear.gather [hbm4b:s25+s2], $0x400, $0x38;
	[tilespmem:$0x8100] =	vst v63  }
0xa3: {  	_ =	swait.ge [sflag:s3], $0x400  }
0xa4: {  	[sflag:s3] =	ssyncset.done $0x0  }
0xa5: {  	[sflag:s3] =	ssyncadd.s32 $0xFFFFFC00  }
0xa6: {  	[tilespmem:s6], [sflag:$0x1] =	stream.indirect.gather [hbm4b:s5+s8], $0x20, s2, s8, $0xb8;
	[tilespmem:$0x8100] =	vst v63  }
0xa7: {  	_ = 	snop  }
0xa8: {  	[tilespmem:s11], [sflag:$0x1] =	stream.indirect.gather [hbm4b:s5+s8], $0x20, s10, s8, $0xb8;
	[tilespmem:$0x8100] =	vst v63  }
0xa9: {  	_ = 	snop  }
0xaa: {  	[tilespmem:s14], [sflag:$0x1] =	stream.indirect.gather [hbm4b:s5+s8], $0x20, s12, s8, $0xb8;
	[tilespmem:$0x8100] =	vst v63  }
0xab: {  	_ = 	snop  }
0xac: {  	[tilespmem:s16], [sflag:$0x1] =	stream.indirect.gather [hbm4b:s5+s8], $0x20, s15, s8, $0xb8;
	[tilespmem:$0x8100] =	vst v63  }
0xad: {  	_ = 	snop  }
0xae: {  	[tilespmem:s18], [sflag:$0x1] =	stream.indirect.gather [hbm4b:s5+s8], $0x20, s17, s8, $0xb8;
	[tilespmem:$0x8100] =	vst v63  }
0xaf: {  	_ = 	snop  }
0xb0: {  	[tilespmem:s20], [sflag:$0x1] =	stream.indirect.gather [hbm4b:s5+s8], $0x20, s19, s8, $0xb8;
	[tilespmem:$0x8100] =	vst v63  }
0xb1: {  	_ = 	snop  }
0xb2: {  	[tilespmem:s22], [sflag:$0x1] =	stream.indirect.gather [hbm4b:s5+s8], $0x20, s21, s8, $0xb8;
	[tilespmem:$0x8100] =	vst v63  }
0xb3: {  	_ = 	snop  }
0xb4: {  	[tilespmem:s24], [sflag:$0x1] =	stream.indirect.gather [hbm4b:s5+s8], $0x20, s23, s8, $0xb8;
	[tilespmem:$0x8100] =	vst v63  }
0xb5: {  	_ =	swait.ge [sflag:s7], $0xFA0  }
0xb6: {  	[sflag:s7] =	ssyncset.done $0x0  }
0xb7: {  	[sflag:s7] =	ssyncadd.s32 $0xFFFFF060  }
0xb8: {  	_ =	swait.ge [sflag:s7], $0xFA0  }
0xb9: {  	[sflag:s7] =	ssyncset.done $0x0  }
0xba: {  	[sflag:s7] =	ssyncadd.s32 $0xFFFFF060  }
0xbb: {  	_ =	swait.ge [sflag:s7], $0xFA0  }
0xbc: {  	[sflag:s7] =	ssyncset.done $0x0  }
0xbd: {  	[sflag:s7] =	ssyncadd.s32 $0xFFFFF060  }
0xbe: {  	_ =	swait.ge [sflag:s7], $0xFA0  }
0xbf: {  	[sflag:s7] =	ssyncset.done $0x0  }
0xc0: {  	[sflag:s7] =	ssyncadd.s32 $0xFFFFF060  }
0xc1: {  	_ =	swait.ge [sflag:s7], $0xFA0  }
0xc2: {  	[sflag:s7] =	ssyncset.done $0x0  }
0xc3: {  	[sflag:s7] =	ssyncadd.s32 $0xFFFFF060  }
0xc4: {  	_ =	swait.ge [sflag:s7], $0xFA0  }
0xc5: {  	[sflag:s7] =	ssyncset.done $0x0  }
0xc6: {  	[sflag:s7] =	ssyncadd.s32 $0xFFFFF060  }
0xc7: {  	_ =	swait.ge [sflag:s7], $0xFA0  }
0xc8: {  	[sflag:s7] =	ssyncset.done $0x0  }
0xc9: {  	[sflag:s7] =	ssyncadd.s32 $0xFFFFF060  }
0xca: {  	_ =	swait.ge [sflag:s7], $0xFA0  }
0xcb: {  	[sflag:s7] =	ssyncset.done $0x0  }
0xcc: {  	[sflag:s7] =	ssyncadd.s32 $0xFFFFF060  }
0xcd: {  	[hbm4b:s13+s2] =	stream.linear.scatter [tilespmem:s6], [sflag:$0x2], $0x7D00, $0x38;
	[tilespmem:$0x8100] =	vst v63  }
0xce: {  	_ =	swait.ge [sflag:s3], $0x7D00  }
0xcf: {  	[sflag:s3] =	ssyncset.done $0x0  }
0xd0: {  	[sflag:s3] =	ssyncadd.s32 $0xFFFF8300  }
0xd1: {  	[tilespmem:s2], [sflag:$0x2] =	stream.linear.gather [hbm4b:s9+s2], $0x400, $0x38;
	[tilespmem:$0x8100] =	vst v63  }
0xd2: {  	_ =	swait.ge [sflag:s3], $0x400  }
0xd3: {  	[sflag:s3] =	ssyncset.done $0x0  }
0xd4: {  	[sflag:s3] =	ssyncadd.s32 $0xFFFFFC00  }
0xd5: {  	[tilespmem:s6], [sflag:$0x1] =	stream.indirect.gather [hbm4b:s5+s8], $0x20, s2, s8, $0xb8;
	[tilespmem:$0x8100] =	vst v63  }
0xd6: {  	_ = 	snop  }
0xd7: {  	[tilespmem:s11], [sflag:$0x1] =	stream.indirect.gather [hbm4b:s5+s8], $0x20, s10, s8, $0xb8;
	[tilespmem:$0x8100] =	vst v63  }
0xd8: {  	_ = 	snop  }
0xd9: {  	[tilespmem:s14], [sflag:$0x1] =	stream.indirect.gather [hbm4b:s5+s8], $0x20, s12, s8, $0xb8;
	[tilespmem:$0x8100] =	vst v63  }
0xda: {  	_ = 	snop  }
0xdb: {  	[tilespmem:s16], [sflag:$0x1] =	stream.indirect.gather [hbm4b:s5+s8], $0x20, s15, s8, $0xb8;
	[tilespmem:$0x8100] =	vst v63  }
0xdc: {  	_ = 	snop  }
0xdd: {  	[tilespmem:s18], [sflag:$0x1] =	stream.indirect.gather [hbm4b:s5+s8], $0x20, s17, s8, $0xb8;
	[tilespmem:$0x8100] =	vst v63  }
0xde: {  	_ = 	snop  }
0xdf: {  	[tilespmem:s20], [sflag:$0x1] =	stream.indirect.gather [hbm4b:s5+s8], $0x20, s19, s8, $0xb8;
	[tilespmem:$0x8100] =	vst v63  }
0xe0: {  	_ = 	snop  }
0xe1: {  	[tilespmem:s22], [sflag:$0x1] =	stream.indirect.gather [hbm4b:s5+s8], $0x20, s21, s8, $0xb8;
	[tilespmem:$0x8100] =	vst v63  }
0xe2: {  	_ = 	snop  }
0xe3: {  	[tilespmem:s24], [sflag:$0x1] =	stream.indirect.gather [hbm4b:s5+s8], $0x20, s23, s8, $0xb8;
	[tilespmem:$0x8100] =	vst v63  }
0xe4: {  	_ =	swait.ge [sflag:s7], $0xFA0  }
0xe5: {  	[sflag:s7] =	ssyncset.done $0x0  }
0xe6: {  	[sflag:s7] =	ssyncadd.s32 $0xFFFFF060  }
0xe7: {  	_ =	swait.ge [sflag:s7], $0xFA0  }
0xe8: {  	[sflag:s7] =	ssyncset.done $0x0  }
0xe9: {  	[sflag:s7] =	ssyncadd.s32 $0xFFFFF060  }
0xea: {  	_ =	swait.ge [sflag:s7], $0xFA0  }
0xeb: {  	[sflag:s7] =	ssyncset.done $0x0  }
0xec: {  	[sflag:s7] =	ssyncadd.s32 $0xFFFFF060  }
0xed: {  	_ =	swait.ge [sflag:s7], $0xFA0  }
0xee: {  	[sflag:s7] =	ssyncset.done $0x0  }
0xef: {  	[sflag:s7] =	ssyncadd.s32 $0xFFFFF060  }
0xf0: {  	_ =	swait.ge [sflag:s7], $0xFA0  }
0xf1: {  	[sflag:s7] =	ssyncset.done $0x0  }
0xf2: {  	[sflag:s7] =	ssyncadd.s32 $0xFFFFF060  }
0xf3: {  	_ =	swait.ge [sflag:s7], $0xFA0  }
0xf4: {  	[sflag:s7] =	ssyncset.done $0x0  }
0xf5: {  	[sflag:s7] =	ssyncadd.s32 $0xFFFFF060  }
0xf6: {  	_ =	swait.ge [sflag:s7], $0xFA0  }
0xf7: {  	[sflag:s7] =	ssyncset.done $0x0  }
0xf8: {  	[sflag:s7] =	ssyncadd.s32 $0xFFFFF060  }
0xf9: {  	p1 =	sne.s32 s0, $0x1;
	_ =	swait.ge [sflag:s7], $0xFA0  }
.Ltmp1:
0xfa: {  	[sflag:s7] =	ssyncset.done $0x0;
	(pc) =	sbr.rel @!p1 .LBB2_3-.Ltmp1, $4  }
0xfb: {  	[sflag:s7] =	ssyncadd.s32 $0xFFFFF060  }
0xfc: {  	[hbm4b:s4+s2] =	stream.linear.scatter [tilespmem:s6], [sflag:$0x2], $0x7D00, $0x38;
	[tilespmem:$0x8100] =	vst v63  }
0xfd: {  	s0 =	sadd.s32 $0xFFFFFFFF, s0;
	_ =	swait.ge [sflag:s3], $0x7D00  }
0xfe: {  	p0 =	por $0x1, $0x1;
	s1 =	rddreg [dreg:$0x2];
	[sflag:s3] =	ssyncset.done $0x0  }
.LBB2_2:
0xff: {  	[sflag:s3] =	ssyncadd.s32 $0xFFFF8300  }
0x100: {  	[tilespmem:s2], [sflag:$0x2] =	stream.linear.gather [hbm4b:s1+s2], $0x400, $0x38;
	[tilespmem:$0x8100] =	vst v63  }
0x101: {  	_ =	swait.ge [sflag:s3], $0x400  }
0x102: {  	[sflag:s3] =	ssyncset.done $0x0  }
0x103: {  	[sflag:s3] =	ssyncadd.s32 $0xFFFFFC00  }
0x104: {  	[tilespmem:s6], [sflag:$0x1] =	stream.indirect.gather [hbm4b:s5+s8], $0x20, s2, s8, $0xb8;
	[tilespmem:$0x8100] =	vst v63  }
0x105: {  	_ = 	snop  }
0x106: {  	[tilespmem:s11], [sflag:$0x1] =	stream.indirect.gather [hbm4b:s5+s8], $0x20, s10, s8, $0xb8;
	[tilespmem:$0x8100] =	vst v63  }
0x107: {  	_ = 	snop  }
0x108: {  	[tilespmem:s14], [sflag:$0x1] =	stream.indirect.gather [hbm4b:s5+s8], $0x20, s12, s8, $0xb8;
	[tilespmem:$0x8100] =	vst v63  }
0x109: {  	_ = 	snop  }
0x10a: {  	[tilespmem:s16], [sflag:$0x1] =	stream.indirect.gather [hbm4b:s5+s8], $0x20, s15, s8, $0xb8;
	[tilespmem:$0x8100] =	vst v63  }
0x10b: {  	_ = 	snop  }
0x10c: {  	[tilespmem:s18], [sflag:$0x1] =	stream.indirect.gather [hbm4b:s5+s8], $0x20, s17, s8, $0xb8;
	[tilespmem:$0x8100] =	vst v63  }
0x10d: {  	_ = 	snop  }
0x10e: {  	[tilespmem:s20], [sflag:$0x1] =	stream.indirect.gather [hbm4b:s5+s8], $0x20, s19, s8, $0xb8;
	[tilespmem:$0x8100] =	vst v63  }
0x10f: {  	_ = 	snop  }
0x110: {  	[tilespmem:s22], [sflag:$0x1] =	stream.indirect.gather [hbm4b:s5+s8], $0x20, s21, s8, $0xb8;
	[tilespmem:$0x8100] =	vst v63  }
0x111: {  	_ = 	snop  }
0x112: {  	[tilespmem:s24], [sflag:$0x1] =	stream.indirect.gather [hbm4b:s5+s8], $0x20, s23, s8, $0xb8;
	[tilespmem:$0x8100] =	vst v63  }
0x113: {  	_ =	swait.ge [sflag:s7], $0xFA0  }
0x114: {  	[sflag:s7] =	ssyncset.done $0x0  }
0x115: {  	[sflag:s7] =	ssyncadd.s32 $0xFFFFF060  }
0x116: {  	_ =	swait.ge [sflag:s7], $0xFA0  }
0x117: {  	[sflag:s7] =	ssyncset.done $0x0  }
0x118: {  	[sflag:s7] =	ssyncadd.s32 $0xFFFFF060  }
0x119: {  	_ =	swait.ge [sflag:s7], $0xFA0  }
0x11a: {  	[sflag:s7] =	ssyncset.done $0x0  }
0x11b: {  	[sflag:s7] =	ssyncadd.s32 $0xFFFFF060  }
0x11c: {  	_ =	swait.ge [sflag:s7], $0xFA0  }
0x11d: {  	[sflag:s7] =	ssyncset.done $0x0  }
0x11e: {  	[sflag:s7] =	ssyncadd.s32 $0xFFFFF060  }
0x11f: {  	_ =	swait.ge [sflag:s7], $0xFA0  }
0x120: {  	[sflag:s7] =	ssyncset.done $0x0  }
0x121: {  	[sflag:s7] =	ssyncadd.s32 $0xFFFFF060  }
0x122: {  	_ =	swait.ge [sflag:s7], $0xFA0  }
0x123: {  	[sflag:s7] =	ssyncset.done $0x0  }
0x124: {  	[sflag:s7] =	ssyncadd.s32 $0xFFFFF060  }
0x125: {  	_ =	swait.ge [sflag:s7], $0xFA0  }
0x126: {  	[sflag:s7] =	ssyncset.done $0x0  }
0x127: {  	[sflag:s7] =	ssyncadd.s32 $0xFFFFF060  }
0x128: {  	_ =	swait.ge [sflag:s7], $0xFA0  }
0x129: {  	[sflag:s7] =	ssyncset.done $0x0  }
0x12a: {  	[sflag:s7] =	ssyncadd.s32 $0xFFFFF060  }
0x12b: {  	[hbm4b:s31+s2] =	stream.linear.scatter [tilespmem:s6], [sflag:$0x2], $0x7D00, $0x38;
	[tilespmem:$0x8100] =	vst v63  }
0x12c: {  	_ =	swait.ge [sflag:s3], $0x7D00  }
0x12d: {  	[sflag:s3] =	ssyncset.done $0x0  }
0x12e: {  	[sflag:s3] =	ssyncadd.s32 $0xFFFF8300  }
0x12f: {  	[tilespmem:s2], [sflag:$0x2] =	stream.linear.gather [hbm4b:s30+s2], $0x400, $0x38;
	[tilespmem:$0x8100] =	vst v63  }
0x130: {  	_ =	swait.ge [sflag:s3], $0x400  }
0x131: {  	[sflag:s3] =	ssyncset.done $0x0  }
0x132: {  	[sflag:s3] =	ssyncadd.s32 $0xFFFFFC00  }
0x133: {  	[tilespmem:s6], [sflag:$0x1] =	stream.indirect.gather [hbm4b:s5+s8], $0x20, s2, s8, $0xb8;
	[tilespmem:$0x8100] =	vst v63  }
0x134: {  	_ = 	snop  }
0x135: {  	[tilespmem:s11], [sflag:$0x1] =	stream.indirect.gather [hbm4b:s5+s8], $0x20, s10, s8, $0xb8;
	[tilespmem:$0x8100] =	vst v63  }
0x136: {  	_ = 	snop  }
0x137: {  	[tilespmem:s14], [sflag:$0x1] =	stream.indirect.gather [hbm4b:s5+s8], $0x20, s12, s8, $0xb8;
	[tilespmem:$0x8100] =	vst v63  }
0x138: {  	_ = 	snop  }
0x139: {  	[tilespmem:s16], [sflag:$0x1] =	stream.indirect.gather [hbm4b:s5+s8], $0x20, s15, s8, $0xb8;
	[tilespmem:$0x8100] =	vst v63  }
0x13a: {  	_ = 	snop  }
0x13b: {  	[tilespmem:s18], [sflag:$0x1] =	stream.indirect.gather [hbm4b:s5+s8], $0x20, s17, s8, $0xb8;
	[tilespmem:$0x8100] =	vst v63  }
0x13c: {  	_ = 	snop  }
0x13d: {  	[tilespmem:s20], [sflag:$0x1] =	stream.indirect.gather [hbm4b:s5+s8], $0x20, s19, s8, $0xb8;
	[tilespmem:$0x8100] =	vst v63  }
0x13e: {  	_ = 	snop  }
0x13f: {  	[tilespmem:s22], [sflag:$0x1] =	stream.indirect.gather [hbm4b:s5+s8], $0x20, s21, s8, $0xb8;
	[tilespmem:$0x8100] =	vst v63  }
0x140: {  	_ = 	snop  }
0x141: {  	[tilespmem:s24], [sflag:$0x1] =	stream.indirect.gather [hbm4b:s5+s8], $0x20, s23, s8, $0xb8;
	[tilespmem:$0x8100] =	vst v63  }
0x142: {  	_ =	swait.ge [sflag:s7], $0xFA0  }
0x143: {  	[sflag:s7] =	ssyncset.done $0x0  }
0x144: {  	[sflag:s7] =	ssyncadd.s32 $0xFFFFF060  }
0x145: {  	_ =	swait.ge [sflag:s7], $0xFA0  }
0x146: {  	[sflag:s7] =	ssyncset.done $0x0  }
0x147: {  	[sflag:s7] =	ssyncadd.s32 $0xFFFFF060  }
0x148: {  	_ =	swait.ge [sflag:s7], $0xFA0  }
0x149: {  	[sflag:s7] =	ssyncset.done $0x0  }
0x14a: {  	[sflag:s7] =	ssyncadd.s32 $0xFFFFF060  }
0x14b: {  	_ =	swait.ge [sflag:s7], $0xFA0  }
0x14c: {  	[sflag:s7] =	ssyncset.done $0x0  }
0x14d: {  	[sflag:s7] =	ssyncadd.s32 $0xFFFFF060  }
0x14e: {  	_ =	swait.ge [sflag:s7], $0xFA0  }
0x14f: {  	[sflag:s7] =	ssyncset.done $0x0  }
0x150: {  	[sflag:s7] =	ssyncadd.s32 $0xFFFFF060  }
0x151: {  	_ =	swait.ge [sflag:s7], $0xFA0  }
0x152: {  	[sflag:s7] =	ssyncset.done $0x0  }
0x153: {  	[sflag:s7] =	ssyncadd.s32 $0xFFFFF060  }
0x154: {  	_ =	swait.ge [sflag:s7], $0xFA0  }
0x155: {  	[sflag:s7] =	ssyncset.done $0x0  }
0x156: {  	[sflag:s7] =	ssyncadd.s32 $0xFFFFF060  }
0x157: {  	_ =	swait.ge [sflag:s7], $0xFA0  }
0x158: {  	[sflag:s7] =	ssyncset.done $0x0  }
0x159: {  	[sflag:s7] =	ssyncadd.s32 $0xFFFFF060  }
0x15a: {  	[hbm4b:s29+s2] =	stream.linear.scatter [tilespmem:s6], [sflag:$0x2], $0x7D00, $0x38;
	[tilespmem:$0x8100] =	vst v63  }
0x15b: {  	_ =	swait.ge [sflag:s3], $0x7D00  }
0x15c: {  	[sflag:s3] =	ssyncset.done $0x0  }
0x15d: {  	[sflag:s3] =	ssyncadd.s32 $0xFFFF8300  }
0x15e: {  	[tilespmem:s2], [sflag:$0x2] =	stream.linear.gather [hbm4b:s28+s2], $0x400, $0x38;
	[tilespmem:$0x8100] =	vst v63  }
0x15f: {  	_ =	swait.ge [sflag:s3], $0x400  }
0x160: {  	[sflag:s3] =	ssyncset.done $0x0  }
0x161: {  	[sflag:s3] =	ssyncadd.s32 $0xFFFFFC00  }
0x162: {  	[tilespmem:s6], [sflag:$0x1] =	stream.indirect.gather [hbm4b:s5+s8], $0x20, s2, s8, $0xb8;
	[tilespmem:$0x8100] =	vst v63  }
0x163: {  	_ = 	snop  }
0x164: {  	[tilespmem:s11], [sflag:$0x1] =	stream.indirect.gather [hbm4b:s5+s8], $0x20, s10, s8, $0xb8;
	[tilespmem:$0x8100] =	vst v63  }
0x165: {  	_ = 	snop  }
0x166: {  	[tilespmem:s14], [sflag:$0x1] =	stream.indirect.gather [hbm4b:s5+s8], $0x20, s12, s8, $0xb8;
	[tilespmem:$0x8100] =	vst v63  }
0x167: {  	_ = 	snop  }
0x168: {  	[tilespmem:s16], [sflag:$0x1] =	stream.indirect.gather [hbm4b:s5+s8], $0x20, s15, s8, $0xb8;
	[tilespmem:$0x8100] =	vst v63  }
0x169: {  	_ = 	snop  }
0x16a: {  	[tilespmem:s18], [sflag:$0x1] =	stream.indirect.gather [hbm4b:s5+s8], $0x20, s17, s8, $0xb8;
	[tilespmem:$0x8100] =	vst v63  }
0x16b: {  	_ = 	snop  }
0x16c: {  	[tilespmem:s20], [sflag:$0x1] =	stream.indirect.gather [hbm4b:s5+s8], $0x20, s19, s8, $0xb8;
	[tilespmem:$0x8100] =	vst v63  }
0x16d: {  	_ = 	snop  }
0x16e: {  	[tilespmem:s22], [sflag:$0x1] =	stream.indirect.gather [hbm4b:s5+s8], $0x20, s21, s8, $0xb8;
	[tilespmem:$0x8100] =	vst v63  }
0x16f: {  	_ = 	snop  }
0x170: {  	[tilespmem:s24], [sflag:$0x1] =	stream.indirect.gather [hbm4b:s5+s8], $0x20, s23, s8, $0xb8;
	[tilespmem:$0x8100] =	vst v63  }
0x171: {  	_ =	swait.ge [sflag:s7], $0xFA0  }
0x172: {  	[sflag:s7] =	ssyncset.done $0x0  }
0x173: {  	[sflag:s7] =	ssyncadd.s32 $0xFFFFF060  }
0x174: {  	_ =	swait.ge [sflag:s7], $0xFA0  }
0x175: {  	[sflag:s7] =	ssyncset.done $0x0  }
0x176: {  	[sflag:s7] =	ssyncadd.s32 $0xFFFFF060  }
0x177: {  	_ =	swait.ge [sflag:s7], $0xFA0  }
0x178: {  	[sflag:s7] =	ssyncset.done $0x0  }
0x179: {  	[sflag:s7] =	ssyncadd.s32 $0xFFFFF060  }
0x17a: {  	_ =	swait.ge [sflag:s7], $0xFA0  }
0x17b: {  	[sflag:s7] =	ssyncset.done $0x0  }
0x17c: {  	[sflag:s7] =	ssyncadd.s32 $0xFFFFF060  }
0x17d: {  	_ =	swait.ge [sflag:s7], $0xFA0  }
0x17e: {  	[sflag:s7] =	ssyncset.done $0x0  }
0x17f: {  	[sflag:s7] =	ssyncadd.s32 $0xFFFFF060  }
0x180: {  	_ =	swait.ge [sflag:s7], $0xFA0  }
0x181: {  	[sflag:s7] =	ssyncset.done $0x0  }
0x182: {  	[sflag:s7] =	ssyncadd.s32 $0xFFFFF060  }
0x183: {  	_ =	swait.ge [sflag:s7], $0xFA0  }
0x184: {  	[sflag:s7] =	ssyncset.done $0x0  }
0x185: {  	[sflag:s7] =	ssyncadd.s32 $0xFFFFF060  }
0x186: {  	_ =	swait.ge [sflag:s7], $0xFA0  }
0x187: {  	[sflag:s7] =	ssyncset.done $0x0  }
0x188: {  	[sflag:s7] =	ssyncadd.s32 $0xFFFFF060  }
0x189: {  	[hbm4b:s26+s2] =	stream.linear.scatter [tilespmem:s6], [sflag:$0x2], $0x7D00, $0x38;
	[tilespmem:$0x8100] =	vst v63  }
0x18a: {  	_ =	swait.ge [sflag:s3], $0x7D00  }
0x18b: {  	[sflag:s3] =	ssyncset.done $0x0  }
0x18c: {  	[sflag:s3] =	ssyncadd.s32 $0xFFFF8300  }
0x18d: {  	[tilespmem:s2], [sflag:$0x2] =	stream.linear.gather [hbm4b:s25+s2], $0x400, $0x38;
	[tilespmem:$0x8100] =	vst v63  }
0x18e: {  	_ =	swait.ge [sflag:s3], $0x400  }
0x18f: {  	[sflag:s3] =	ssyncset.done $0x0  }
0x190: {  	[sflag:s3] =	ssyncadd.s32 $0xFFFFFC00  }
0x191: {  	[tilespmem:s6], [sflag:$0x1] =	stream.indirect.gather [hbm4b:s5+s8], $0x20, s2, s8, $0xb8;
	[tilespmem:$0x8100] =	vst v63  }
0x192: {  	_ = 	snop  }
0x193: {  	[tilespmem:s11], [sflag:$0x1] =	stream.indirect.gather [hbm4b:s5+s8], $0x20, s10, s8, $0xb8;
	[tilespmem:$0x8100] =	vst v63  }
0x194: {  	_ = 	snop  }
0x195: {  	[tilespmem:s14], [sflag:$0x1] =	stream.indirect.gather [hbm4b:s5+s8], $0x20, s12, s8, $0xb8;
	[tilespmem:$0x8100] =	vst v63  }
0x196: {  	_ = 	snop  }
0x197: {  	[tilespmem:s16], [sflag:$0x1] =	stream.indirect.gather [hbm4b:s5+s8], $0x20, s15, s8, $0xb8;
	[tilespmem:$0x8100] =	vst v63  }
0x198: {  	_ = 	snop  }
0x199: {  	[tilespmem:s18], [sflag:$0x1] =	stream.indirect.gather [hbm4b:s5+s8], $0x20, s17, s8, $0xb8;
	[tilespmem:$0x8100] =	vst v63  }
0x19a: {  	_ = 	snop  }
0x19b: {  	[tilespmem:s20], [sflag:$0x1] =	stream.indirect.gather [hbm4b:s5+s8], $0x20, s19, s8, $0xb8;
	[tilespmem:$0x8100] =	vst v63  }
0x19c: {  	_ = 	snop  }
0x19d: {  	[tilespmem:s22], [sflag:$0x1] =	stream.indirect.gather [hbm4b:s5+s8], $0x20, s21, s8, $0xb8;
	[tilespmem:$0x8100] =	vst v63  }
0x19e: {  	_ = 	snop  }
0x19f: {  	[tilespmem:s24], [sflag:$0x1] =	stream.indirect.gather [hbm4b:s5+s8], $0x20, s23, s8, $0xb8;
	[tilespmem:$0x8100] =	vst v63  }
0x1a0: {  	_ =	swait.ge [sflag:s7], $0xFA0  }
0x1a1: {  	[sflag:s7] =	ssyncset.done $0x0  }
0x1a2: {  	[sflag:s7] =	ssyncadd.s32 $0xFFFFF060  }
0x1a3: {  	_ =	swait.ge [sflag:s7], $0xFA0  }
0x1a4: {  	[sflag:s7] =	ssyncset.done $0x0  }
0x1a5: {  	[sflag:s7] =	ssyncadd.s32 $0xFFFFF060  }
0x1a6: {  	_ =	swait.ge [sflag:s7], $0xFA0  }
0x1a7: {  	[sflag:s7] =	ssyncset.done $0x0  }
0x1a8: {  	[sflag:s7] =	ssyncadd.s32 $0xFFFFF060  }
0x1a9: {  	_ =	swait.ge [sflag:s7], $0xFA0  }
0x1aa: {  	[sflag:s7] =	ssyncset.done $0x0  }
0x1ab: {  	[sflag:s7] =	ssyncadd.s32 $0xFFFFF060  }
0x1ac: {  	_ =	swait.ge [sflag:s7], $0xFA0  }
0x1ad: {  	[sflag:s7] =	ssyncset.done $0x0  }
0x1ae: {  	[sflag:s7] =	ssyncadd.s32 $0xFFFFF060  }
0x1af: {  	_ =	swait.ge [sflag:s7], $0xFA0  }
0x1b0: {  	[sflag:s7] =	ssyncset.done $0x0  }
0x1b1: {  	[sflag:s7] =	ssyncadd.s32 $0xFFFFF060  }
0x1b2: {  	_ =	swait.ge [sflag:s7], $0xFA0  }
0x1b3: {  	[sflag:s7] =	ssyncset.done $0x0  }
0x1b4: {  	[sflag:s7] =	ssyncadd.s32 $0xFFFFF060  }
0x1b5: {  	_ =	swait.ge [sflag:s7], $0xFA0  }
0x1b6: {  	[sflag:s7] =	ssyncset.done $0x0  }
0x1b7: {  	[sflag:s7] =	ssyncadd.s32 $0xFFFFF060  }
0x1b8: {  	[hbm4b:s13+s2] =	stream.linear.scatter [tilespmem:s6], [sflag:$0x2], $0x7D00, $0x38;
	[tilespmem:$0x8100] =	vst v63  }
0x1b9: {  	_ =	swait.ge [sflag:s3], $0x7D00  }
0x1ba: {  	[sflag:s3] =	ssyncset.done $0x0  }
0x1bb: {  	[sflag:s3] =	ssyncadd.s32 $0xFFFF8300  }
0x1bc: {  	[tilespmem:s2], [sflag:$0x2] =	stream.linear.gather [hbm4b:s9+s2], $0x400, $0x38;
	[tilespmem:$0x8100] =	vst v63  }
0x1bd: {  	_ =	swait.ge [sflag:s3], $0x400  }
0x1be: {  	[sflag:s3] =	ssyncset.done $0x0  }
0x1bf: {  	[sflag:s3] =	ssyncadd.s32 $0xFFFFFC00  }
0x1c0: {  	[tilespmem:s6], [sflag:$0x1] =	stream.indirect.gather [hbm4b:s5+s8], $0x20, s2, s8, $0xb8;
	[tilespmem:$0x8100] =	vst v63  }
0x1c1: {  	_ = 	snop  }
0x1c2: {  	[tilespmem:s11], [sflag:$0x1] =	stream.indirect.gather [hbm4b:s5+s8], $0x20, s10, s8, $0xb8;
	[tilespmem:$0x8100] =	vst v63  }
0x1c3: {  	_ = 	snop  }
0x1c4: {  	[tilespmem:s14], [sflag:$0x1] =	stream.indirect.gather [hbm4b:s5+s8], $0x20, s12, s8, $0xb8;
	[tilespmem:$0x8100] =	vst v63  }
0x1c5: {  	_ = 	snop  }
0x1c6: {  	[tilespmem:s16], [sflag:$0x1] =	stream.indirect.gather [hbm4b:s5+s8], $0x20, s15, s8, $0xb8;
	[tilespmem:$0x8100] =	vst v63  }
0x1c7: {  	_ = 	snop  }
0x1c8: {  	[tilespmem:s18], [sflag:$0x1] =	stream.indirect.gather [hbm4b:s5+s8], $0x20, s17, s8, $0xb8;
	[tilespmem:$0x8100] =	vst v63  }
0x1c9: {  	_ = 	snop  }
0x1ca: {  	[tilespmem:s20], [sflag:$0x1] =	stream.indirect.gather [hbm4b:s5+s8], $0x20, s19, s8, $0xb8;
	[tilespmem:$0x8100] =	vst v63  }
0x1cb: {  	_ = 	snop  }
0x1cc: {  	[tilespmem:s22], [sflag:$0x1] =	stream.indirect.gather [hbm4b:s5+s8], $0x20, s21, s8, $0xb8;
	[tilespmem:$0x8100] =	vst v63  }
0x1cd: {  	_ = 	snop  }
0x1ce: {  	[tilespmem:s24], [sflag:$0x1] =	stream.indirect.gather [hbm4b:s5+s8], $0x20, s23, s8, $0xb8;
	[tilespmem:$0x8100] =	vst v63  }
0x1cf: {  	_ =	swait.ge [sflag:s7], $0xFA0  }
0x1d0: {  	[sflag:s7] =	ssyncset.done $0x0  }
0x1d1: {  	[sflag:s7] =	ssyncadd.s32 $0xFFFFF060  }
0x1d2: {  	_ =	swait.ge [sflag:s7], $0xFA0  }
0x1d3: {  	[sflag:s7] =	ssyncset.done $0x0  }
0x1d4: {  	[sflag:s7] =	ssyncadd.s32 $0xFFFFF060  }
0x1d5: {  	_ =	swait.ge [sflag:s7], $0xFA0  }
0x1d6: {  	[sflag:s7] =	ssyncset.done $0x0  }
0x1d7: {  	[sflag:s7] =	ssyncadd.s32 $0xFFFFF060  }
0x1d8: {  	_ =	swait.ge [sflag:s7], $0xFA0  }
0x1d9: {  	[sflag:s7] =	ssyncset.done $0x0  }
0x1da: {  	[sflag:s7] =	ssyncadd.s32 $0xFFFFF060  }
0x1db: {  	_ =	swait.ge [sflag:s7], $0xFA0  }
0x1dc: {  	[sflag:s7] =	ssyncset.done $0x0  }
0x1dd: {  	[sflag:s7] =	ssyncadd.s32 $0xFFFFF060  }
0x1de: {  	_ =	swait.ge [sflag:s7], $0xFA0  }
0x1df: {  	[sflag:s7] =	ssyncset.done $0x0  }
0x1e0: {  	[sflag:s7] =	ssyncadd.s32 $0xFFFFF060  }
0x1e1: {  	_ =	swait.ge [sflag:s7], $0xFA0  }
0x1e2: {  	[sflag:s7] =	ssyncset.done $0x0  }
0x1e3: {  	[sflag:s7] =	ssyncadd.s32 $0xFFFFF060  }
0x1e4: {  	p1 =	sne.s32 s0, $0x1;
	_ =	swait.ge [sflag:s7], $0xFA0  }
.Ltmp2:
0x1e5: {  	[sflag:s7] =	ssyncset.done $0x0;
	(pc) =	sbr.rel @p1 .LBB2_2-.Ltmp2, $4  }
0x1e6: {  	[sflag:s7] =	ssyncadd.s32 $0xFFFFF060  }
0x1e7: {  	[hbm4b:s4+s2] =	stream.linear.scatter [tilespmem:s6], [sflag:$0x2], $0x7D00, $0x38;
	[tilespmem:$0x8100] =	vst v63  }
0x1e8: {  	_ =	swait.ge [sflag:s3], $0x7D00  }
0x1e9: {  	s0 =	sadd.s32 $0xFFFFFFFF, s0;
	s1 =	rddreg [dreg:$0x2];
	[sflag:s3] =	ssyncset.done $0x0  }
.LBB2_3:
0x1ea: {  	[sflag:s3] =	ssyncadd.s32 @p0 $0xFFFF8300  }
0x1eb: {  	[tilespmem:s2], [sflag:$0x2] =	stream.linear.gather [hbm4b:s1+s2], $0x400, $0x38;
	[tilespmem:$0x8100] =	vst v63  }
0x1ec: {  	_ =	swait.ge [sflag:s3], $0x400  }
0x1ed: {  	[sflag:s3] =	ssyncset.done $0x0  }
0x1ee: {  	[sflag:s3] =	ssyncadd.s32 $0xFFFFFC00  }
0x1ef: {  	[tilespmem:s6], [sflag:$0x1] =	stream.indirect.gather [hbm4b:s5+s8], $0x20, s2, s8, $0xb8;
	[tilespmem:$0x8100] =	vst v63  }
0x1f0: {  	_ = 	snop  }
0x1f1: {  	[tilespmem:s11], [sflag:$0x1] =	stream.indirect.gather [hbm4b:s5+s8], $0x20, s10, s8, $0xb8;
	[tilespmem:$0x8100] =	vst v63  }
0x1f2: {  	_ = 	snop  }
0x1f3: {  	[tilespmem:s14], [sflag:$0x1] =	stream.indirect.gather [hbm4b:s5+s8], $0x20, s12, s8, $0xb8;
	[tilespmem:$0x8100] =	vst v63  }
0x1f4: {  	_ = 	snop  }
0x1f5: {  	[tilespmem:s16], [sflag:$0x1] =	stream.indirect.gather [hbm4b:s5+s8], $0x20, s15, s8, $0xb8;
	[tilespmem:$0x8100] =	vst v63  }
0x1f6: {  	_ = 	snop  }
0x1f7: {  	[tilespmem:s18], [sflag:$0x1] =	stream.indirect.gather [hbm4b:s5+s8], $0x20, s17, s8, $0xb8;
	[tilespmem:$0x8100] =	vst v63  }
0x1f8: {  	_ = 	snop  }
0x1f9: {  	[tilespmem:s20], [sflag:$0x1] =	stream.indirect.gather [hbm4b:s5+s8], $0x20, s19, s8, $0xb8;
	[tilespmem:$0x8100] =	vst v63  }
0x1fa: {  	_ = 	snop  }
0x1fb: {  	[tilespmem:s22], [sflag:$0x1] =	stream.indirect.gather [hbm4b:s5+s8], $0x20, s21, s8, $0xb8;
	[tilespmem:$0x8100] =	vst v63  }
0x1fc: {  	_ = 	snop  }
0x1fd: {  	[tilespmem:s24], [sflag:$0x1] =	stream.indirect.gather [hbm4b:s5+s8], $0x20, s23, s8, $0xb8;
	[tilespmem:$0x8100] =	vst v63  }
0x1fe: {  	_ =	swait.ge [sflag:s7], $0xFA0  }
0x1ff: {  	[sflag:s7] =	ssyncset.done $0x0  }
0x200: {  	[sflag:s7] =	ssyncadd.s32 $0xFFFFF060  }
0x201: {  	_ =	swait.ge [sflag:s7], $0xFA0  }
0x202: {  	[sflag:s7] =	ssyncset.done $0x0  }
0x203: {  	[sflag:s7] =	ssyncadd.s32 $0xFFFFF060  }
0x204: {  	_ =	swait.ge [sflag:s7], $0xFA0  }
0x205: {  	[sflag:s7] =	ssyncset.done $0x0  }
0x206: {  	[sflag:s7] =	ssyncadd.s32 $0xFFFFF060  }
0x207: {  	_ =	swait.ge [sflag:s7], $0xFA0  }
0x208: {  	[sflag:s7] =	ssyncset.done $0x0  }
0x209: {  	[sflag:s7] =	ssyncadd.s32 $0xFFFFF060  }
0x20a: {  	_ =	swait.ge [sflag:s7], $0xFA0  }
0x20b: {  	[sflag:s7] =	ssyncset.done $0x0  }
0x20c: {  	[sflag:s7] =	ssyncadd.s32 $0xFFFFF060  }
0x20d: {  	_ =	swait.ge [sflag:s7], $0xFA0  }
0x20e: {  	[sflag:s7] =	ssyncset.done $0x0  }
0x20f: {  	[sflag:s7] =	ssyncadd.s32 $0xFFFFF060  }
0x210: {  	_ =	swait.ge [sflag:s7], $0xFA0  }
0x211: {  	[sflag:s7] =	ssyncset.done $0x0  }
0x212: {  	[sflag:s7] =	ssyncadd.s32 $0xFFFFF060  }
0x213: {  	_ =	swait.ge [sflag:s7], $0xFA0  }
0x214: {  	[sflag:s7] =	ssyncset.done $0x0  }
0x215: {  	[sflag:s7] =	ssyncadd.s32 $0xFFFFF060  }
0x216: {  	[hbm4b:s31+s2] =	stream.linear.scatter [tilespmem:s6], [sflag:$0x2], $0x7D00, $0x38;
	[tilespmem:$0x8100] =	vst v63  }
0x217: {  	_ =	swait.ge [sflag:s3], $0x7D00  }
0x218: {  	[sflag:s3] =	ssyncset.done $0x0  }
0x219: {  	[sflag:s3] =	ssyncadd.s32 $0xFFFF8300  }
0x21a: {  	[tilespmem:s2], [sflag:$0x2] =	stream.linear.gather [hbm4b:s30+s2], $0x400, $0x38;
	[tilespmem:$0x8100] =	vst v63  }
0x21b: {  	_ =	swait.ge [sflag:s3], $0x400  }
0x21c: {  	[sflag:s3] =	ssyncset.done $0x0  }
0x21d: {  	[sflag:s3] =	ssyncadd.s32 $0xFFFFFC00  }
0x21e: {  	[tilespmem:s6], [sflag:$0x1] =	stream.indirect.gather [hbm4b:s5+s8], $0x20, s2, s8, $0xb8;
	[tilespmem:$0x8100] =	vst v63  }
0x21f: {  	_ = 	snop  }
0x220: {  	[tilespmem:s11], [sflag:$0x1] =	stream.indirect.gather [hbm4b:s5+s8], $0x20, s10, s8, $0xb8;
	[tilespmem:$0x8100] =	vst v63  }
0x221: {  	_ = 	snop  }
0x222: {  	[tilespmem:s14], [sflag:$0x1] =	stream.indirect.gather [hbm4b:s5+s8], $0x20, s12, s8, $0xb8;
	[tilespmem:$0x8100] =	vst v63  }
0x223: {  	_ = 	snop  }
0x224: {  	[tilespmem:s16], [sflag:$0x1] =	stream.indirect.gather [hbm4b:s5+s8], $0x20, s15, s8, $0xb8;
	[tilespmem:$0x8100] =	vst v63  }
0x225: {  	_ = 	snop  }
0x226: {  	[tilespmem:s18], [sflag:$0x1] =	stream.indirect.gather [hbm4b:s5+s8], $0x20, s17, s8, $0xb8;
	[tilespmem:$0x8100] =	vst v63  }
0x227: {  	_ = 	snop  }
0x228: {  	[tilespmem:s20], [sflag:$0x1] =	stream.indirect.gather [hbm4b:s5+s8], $0x20, s19, s8, $0xb8;
	[tilespmem:$0x8100] =	vst v63  }
0x229: {  	_ = 	snop  }
0x22a: {  	[tilespmem:s22], [sflag:$0x1] =	stream.indirect.gather [hbm4b:s5+s8], $0x20, s21, s8, $0xb8;
	[tilespmem:$0x8100] =	vst v63  }
0x22b: {  	_ = 	snop  }
0x22c: {  	[tilespmem:s24], [sflag:$0x1] =	stream.indirect.gather [hbm4b:s5+s8], $0x20, s23, s8, $0xb8;
	[tilespmem:$0x8100] =	vst v63  }
0x22d: {  	_ =	swait.ge [sflag:s7], $0xFA0  }
0x22e: {  	[sflag:s7] =	ssyncset.done $0x0  }
0x22f: {  	[sflag:s7] =	ssyncadd.s32 $0xFFFFF060  }
0x230: {  	_ =	swait.ge [sflag:s7], $0xFA0  }
0x231: {  	[sflag:s7] =	ssyncset.done $0x0  }
0x232: {  	[sflag:s7] =	ssyncadd.s32 $0xFFFFF060  }
0x233: {  	_ =	swait.ge [sflag:s7], $0xFA0  }
0x234: {  	[sflag:s7] =	ssyncset.done $0x0  }
0x235: {  	[sflag:s7] =	ssyncadd.s32 $0xFFFFF060  }
0x236: {  	_ =	swait.ge [sflag:s7], $0xFA0  }
0x237: {  	[sflag:s7] =	ssyncset.done $0x0  }
0x238: {  	[sflag:s7] =	ssyncadd.s32 $0xFFFFF060  }
0x239: {  	_ =	swait.ge [sflag:s7], $0xFA0  }
0x23a: {  	[sflag:s7] =	ssyncset.done $0x0  }
0x23b: {  	[sflag:s7] =	ssyncadd.s32 $0xFFFFF060  }
0x23c: {  	_ =	swait.ge [sflag:s7], $0xFA0  }
0x23d: {  	[sflag:s7] =	ssyncset.done $0x0  }
0x23e: {  	[sflag:s7] =	ssyncadd.s32 $0xFFFFF060  }
0x23f: {  	_ =	swait.ge [sflag:s7], $0xFA0  }
0x240: {  	[sflag:s7] =	ssyncset.done $0x0  }
0x241: {  	[sflag:s7] =	ssyncadd.s32 $0xFFFFF060  }
0x242: {  	_ =	swait.ge [sflag:s7], $0xFA0  }
0x243: {  	[sflag:s7] =	ssyncset.done $0x0  }
0x244: {  	[sflag:s7] =	ssyncadd.s32 $0xFFFFF060  }
0x245: {  	[hbm4b:s29+s2] =	stream.linear.scatter [tilespmem:s6], [sflag:$0x2], $0x7D00, $0x38;
	[tilespmem:$0x8100] =	vst v63  }
0x246: {  	_ =	swait.ge [sflag:s3], $0x7D00  }
0x247: {  	[sflag:s3] =	ssyncset.done $0x0  }
0x248: {  	[sflag:s3] =	ssyncadd.s32 $0xFFFF8300  }
0x249: {  	[tilespmem:s2], [sflag:$0x2] =	stream.linear.gather [hbm4b:s28+s2], $0x400, $0x38;
	[tilespmem:$0x8100] =	vst v63  }
0x24a: {  	_ =	swait.ge [sflag:s3], $0x400  }
0x24b: {  	[sflag:s3] =	ssyncset.done $0x0  }
0x24c: {  	[sflag:s3] =	ssyncadd.s32 $0xFFFFFC00  }
0x24d: {  	[tilespmem:s6], [sflag:$0x1] =	stream.indirect.gather [hbm4b:s5+s8], $0x20, s2, s8, $0xb8;
	[tilespmem:$0x8100] =	vst v63  }
0x24e: {  	_ = 	snop  }
0x24f: {  	[tilespmem:s11], [sflag:$0x1] =	stream.indirect.gather [hbm4b:s5+s8], $0x20, s10, s8, $0xb8;
	[tilespmem:$0x8100] =	vst v63  }
0x250: {  	_ = 	snop  }
0x251: {  	[tilespmem:s14], [sflag:$0x1] =	stream.indirect.gather [hbm4b:s5+s8], $0x20, s12, s8, $0xb8;
	[tilespmem:$0x8100] =	vst v63  }
0x252: {  	_ = 	snop  }
0x253: {  	[tilespmem:s16], [sflag:$0x1] =	stream.indirect.gather [hbm4b:s5+s8], $0x20, s15, s8, $0xb8;
	[tilespmem:$0x8100] =	vst v63  }
0x254: {  	_ = 	snop  }
0x255: {  	[tilespmem:s18], [sflag:$0x1] =	stream.indirect.gather [hbm4b:s5+s8], $0x20, s17, s8, $0xb8;
	[tilespmem:$0x8100] =	vst v63  }
0x256: {  	_ = 	snop  }
0x257: {  	[tilespmem:s20], [sflag:$0x1] =	stream.indirect.gather [hbm4b:s5+s8], $0x20, s19, s8, $0xb8;
	[tilespmem:$0x8100] =	vst v63  }
0x258: {  	_ = 	snop  }
0x259: {  	[tilespmem:s22], [sflag:$0x1] =	stream.indirect.gather [hbm4b:s5+s8], $0x20, s21, s8, $0xb8;
	[tilespmem:$0x8100] =	vst v63  }
0x25a: {  	_ = 	snop  }
0x25b: {  	[tilespmem:s24], [sflag:$0x1] =	stream.indirect.gather [hbm4b:s5+s8], $0x20, s23, s8, $0xb8;
	[tilespmem:$0x8100] =	vst v63  }
0x25c: {  	_ =	swait.ge [sflag:s7], $0xFA0  }
0x25d: {  	[sflag:s7] =	ssyncset.done $0x0  }
0x25e: {  	[sflag:s7] =	ssyncadd.s32 $0xFFFFF060  }
0x25f: {  	_ =	swait.ge [sflag:s7], $0xFA0  }
0x260: {  	[sflag:s7] =	ssyncset.done $0x0  }
0x261: {  	[sflag:s7] =	ssyncadd.s32 $0xFFFFF060  }
0x262: {  	_ =	swait.ge [sflag:s7], $0xFA0  }
0x263: {  	[sflag:s7] =	ssyncset.done $0x0  }
0x264: {  	[sflag:s7] =	ssyncadd.s32 $0xFFFFF060  }
0x265: {  	_ =	swait.ge [sflag:s7], $0xFA0  }
0x266: {  	[sflag:s7] =	ssyncset.done $0x0  }
0x267: {  	[sflag:s7] =	ssyncadd.s32 $0xFFFFF060  }
0x268: {  	_ =	swait.ge [sflag:s7], $0xFA0  }
0x269: {  	[sflag:s7] =	ssyncset.done $0x0  }
0x26a: {  	[sflag:s7] =	ssyncadd.s32 $0xFFFFF060  }
0x26b: {  	_ =	swait.ge [sflag:s7], $0xFA0  }
0x26c: {  	[sflag:s7] =	ssyncset.done $0x0  }
0x26d: {  	[sflag:s7] =	ssyncadd.s32 $0xFFFFF060  }
0x26e: {  	_ =	swait.ge [sflag:s7], $0xFA0  }
0x26f: {  	[sflag:s7] =	ssyncset.done $0x0  }
0x270: {  	[sflag:s7] =	ssyncadd.s32 $0xFFFFF060  }
0x271: {  	_ =	swait.ge [sflag:s7], $0xFA0  }
0x272: {  	[sflag:s7] =	ssyncset.done $0x0  }
0x273: {  	[sflag:s7] =	ssyncadd.s32 $0xFFFFF060  }
0x274: {  	[hbm4b:s26+s2] =	stream.linear.scatter [tilespmem:s6], [sflag:$0x2], $0x7D00, $0x38;
	[tilespmem:$0x8100] =	vst v63  }
0x275: {  	_ =	swait.ge [sflag:s3], $0x7D00  }
0x276: {  	[sflag:s3] =	ssyncset.done $0x0  }
0x277: {  	[sflag:s3] =	ssyncadd.s32 $0xFFFF8300  }
0x278: {  	[tilespmem:s2], [sflag:$0x2] =	stream.linear.gather [hbm4b:s25+s2], $0x400, $0x38;
	[tilespmem:$0x8100] =	vst v63  }
0x279: {  	_ =	swait.ge [sflag:s3], $0x400  }
0x27a: {  	[sflag:s3] =	ssyncset.done $0x0  }
0x27b: {  	[sflag:s3] =	ssyncadd.s32 $0xFFFFFC00  }
0x27c: {  	[tilespmem:s6], [sflag:$0x1] =	stream.indirect.gather [hbm4b:s5+s8], $0x20, s2, s8, $0xb8;
	[tilespmem:$0x8100] =	vst v63  }
0x27d: {  	_ = 	snop  }
0x27e: {  	[tilespmem:s11], [sflag:$0x1] =	stream.indirect.gather [hbm4b:s5+s8], $0x20, s10, s8, $0xb8;
	[tilespmem:$0x8100] =	vst v63  }
0x27f: {  	_ = 	snop  }
0x280: {  	[tilespmem:s14], [sflag:$0x1] =	stream.indirect.gather [hbm4b:s5+s8], $0x20, s12, s8, $0xb8;
	[tilespmem:$0x8100] =	vst v63  }
0x281: {  	_ = 	snop  }
0x282: {  	[tilespmem:s16], [sflag:$0x1] =	stream.indirect.gather [hbm4b:s5+s8], $0x20, s15, s8, $0xb8;
	[tilespmem:$0x8100] =	vst v63  }
0x283: {  	_ = 	snop  }
0x284: {  	[tilespmem:s18], [sflag:$0x1] =	stream.indirect.gather [hbm4b:s5+s8], $0x20, s17, s8, $0xb8;
	[tilespmem:$0x8100] =	vst v63  }
0x285: {  	_ = 	snop  }
0x286: {  	[tilespmem:s20], [sflag:$0x1] =	stream.indirect.gather [hbm4b:s5+s8], $0x20, s19, s8, $0xb8;
	[tilespmem:$0x8100] =	vst v63  }
0x287: {  	_ = 	snop  }
0x288: {  	[tilespmem:s22], [sflag:$0x1] =	stream.indirect.gather [hbm4b:s5+s8], $0x20, s21, s8, $0xb8;
	[tilespmem:$0x8100] =	vst v63  }
0x289: {  	_ = 	snop  }
0x28a: {  	[tilespmem:s24], [sflag:$0x1] =	stream.indirect.gather [hbm4b:s5+s8], $0x20, s23, s8, $0xb8;
	[tilespmem:$0x8100] =	vst v63  }
0x28b: {  	_ =	swait.ge [sflag:s7], $0xFA0  }
0x28c: {  	[sflag:s7] =	ssyncset.done $0x0  }
0x28d: {  	[sflag:s7] =	ssyncadd.s32 $0xFFFFF060  }
0x28e: {  	_ =	swait.ge [sflag:s7], $0xFA0  }
0x28f: {  	[sflag:s7] =	ssyncset.done $0x0  }
0x290: {  	[sflag:s7] =	ssyncadd.s32 $0xFFFFF060  }
0x291: {  	_ =	swait.ge [sflag:s7], $0xFA0  }
0x292: {  	[sflag:s7] =	ssyncset.done $0x0  }
0x293: {  	[sflag:s7] =	ssyncadd.s32 $0xFFFFF060  }
0x294: {  	_ =	swait.ge [sflag:s7], $0xFA0  }
0x295: {  	[sflag:s7] =	ssyncset.done $0x0  }
0x296: {  	[sflag:s7] =	ssyncadd.s32 $0xFFFFF060  }
0x297: {  	_ =	swait.ge [sflag:s7], $0xFA0  }
0x298: {  	[sflag:s7] =	ssyncset.done $0x0  }
0x299: {  	[sflag:s7] =	ssyncadd.s32 $0xFFFFF060  }
0x29a: {  	_ =	swait.ge [sflag:s7], $0xFA0  }
0x29b: {  	[sflag:s7] =	ssyncset.done $0x0  }
0x29c: {  	[sflag:s7] =	ssyncadd.s32 $0xFFFFF060  }
0x29d: {  	_ =	swait.ge [sflag:s7], $0xFA0  }
0x29e: {  	[sflag:s7] =	ssyncset.done $0x0  }
0x29f: {  	[sflag:s7] =	ssyncadd.s32 $0xFFFFF060  }
0x2a0: {  	_ =	swait.ge [sflag:s7], $0xFA0  }
0x2a1: {  	[sflag:s7] =	ssyncset.done $0x0  }
0x2a2: {  	[sflag:s7] =	ssyncadd.s32 $0xFFFFF060  }
0x2a3: {  	[hbm4b:s13+s2] =	stream.linear.scatter [tilespmem:s6], [sflag:$0x2], $0x7D00, $0x38;
	[tilespmem:$0x8100] =	vst v63  }
0x2a4: {  	_ =	swait.ge [sflag:s3], $0x7D00  }
0x2a5: {  	[sflag:s3] =	ssyncset.done $0x0  }
0x2a6: {  	[sflag:s3] =	ssyncadd.s32 $0xFFFF8300  }
0x2a7: {  	[tilespmem:s2], [sflag:$0x2] =	stream.linear.gather [hbm4b:s9+s2], $0x400, $0x38;
	[tilespmem:$0x8100] =	vst v63  }
0x2a8: {  	_ =	swait.ge [sflag:s3], $0x400  }
0x2a9: {  	[sflag:s3] =	ssyncset.done $0x0  }
0x2aa: {  	[sflag:s3] =	ssyncadd.s32 $0xFFFFFC00  }
0x2ab: {  	[tilespmem:s6], [sflag:$0x1] =	stream.indirect.gather [hbm4b:s5+s8], $0x20, s2, s8, $0xb8;
	[tilespmem:$0x8100] =	vst v63  }
0x2ac: {  	_ = 	snop  }
0x2ad: {  	[tilespmem:s11], [sflag:$0x1] =	stream.indirect.gather [hbm4b:s5+s8], $0x20, s10, s8, $0xb8;
	[tilespmem:$0x8100] =	vst v63  }
0x2ae: {  	_ = 	snop  }
0x2af: {  	[tilespmem:s14], [sflag:$0x1] =	stream.indirect.gather [hbm4b:s5+s8], $0x20, s12, s8, $0xb8;
	[tilespmem:$0x8100] =	vst v63  }
0x2b0: {  	_ = 	snop  }
0x2b1: {  	[tilespmem:s16], [sflag:$0x1] =	stream.indirect.gather [hbm4b:s5+s8], $0x20, s15, s8, $0xb8;
	[tilespmem:$0x8100] =	vst v63  }
0x2b2: {  	_ = 	snop  }
0x2b3: {  	[tilespmem:s18], [sflag:$0x1] =	stream.indirect.gather [hbm4b:s5+s8], $0x20, s17, s8, $0xb8;
	[tilespmem:$0x8100] =	vst v63  }
0x2b4: {  	_ = 	snop  }
0x2b5: {  	[tilespmem:s20], [sflag:$0x1] =	stream.indirect.gather [hbm4b:s5+s8], $0x20, s19, s8, $0xb8;
	[tilespmem:$0x8100] =	vst v63  }
0x2b6: {  	_ = 	snop  }
0x2b7: {  	[tilespmem:s22], [sflag:$0x1] =	stream.indirect.gather [hbm4b:s5+s8], $0x20, s21, s8, $0xb8;
	[tilespmem:$0x8100] =	vst v63  }
0x2b8: {  	_ = 	snop  }
0x2b9: {  	[tilespmem:s24], [sflag:$0x1] =	stream.indirect.gather [hbm4b:s5+s8], $0x20, s23, s8, $0xb8;
	[tilespmem:$0x8100] =	vst v63  }
0x2ba: {  	_ =	swait.ge [sflag:s7], $0xFA0  }
0x2bb: {  	[sflag:s7] =	ssyncset.done $0x0  }
0x2bc: {  	[sflag:s7] =	ssyncadd.s32 $0xFFFFF060  }
0x2bd: {  	_ =	swait.ge [sflag:s7], $0xFA0  }
0x2be: {  	[sflag:s7] =	ssyncset.done $0x0  }
0x2bf: {  	[sflag:s7] =	ssyncadd.s32 $0xFFFFF060  }
0x2c0: {  	_ =	swait.ge [sflag:s7], $0xFA0  }
0x2c1: {  	[sflag:s7] =	ssyncset.done $0x0  }
0x2c2: {  	[sflag:s7] =	ssyncadd.s32 $0xFFFFF060  }
0x2c3: {  	_ =	swait.ge [sflag:s7], $0xFA0  }
0x2c4: {  	[sflag:s7] =	ssyncset.done $0x0  }
0x2c5: {  	[sflag:s7] =	ssyncadd.s32 $0xFFFFF060  }
0x2c6: {  	_ =	swait.ge [sflag:s7], $0xFA0  }
0x2c7: {  	[sflag:s7] =	ssyncset.done $0x0  }
0x2c8: {  	[sflag:s7] =	ssyncadd.s32 $0xFFFFF060  }
0x2c9: {  	_ =	swait.ge [sflag:s7], $0xFA0  }
0x2ca: {  	[sflag:s7] =	ssyncset.done $0x0  }
0x2cb: {  	[sflag:s7] =	ssyncadd.s32 $0xFFFFF060  }
0x2cc: {  	_ =	swait.ge [sflag:s7], $0xFA0  }
0x2cd: {  	[sflag:s7] =	ssyncset.done $0x0  }
0x2ce: {  	[sflag:s7] =	ssyncadd.s32 $0xFFFFF060  }
0x2cf: {  	_ =	swait.ge [sflag:s7], $0xFA0  }
0x2d0: {  	[sflag:s7] =	ssyncset.done $0x0  }
0x2d1: {  	[sflag:s7] =	ssyncadd.s32 $0xFFFFF060  }
0x2d2: {  	[hbm4b:s4+s2] =	stream.linear.scatter [tilespmem:s6], [sflag:$0x2], $0x7D00, $0x38;
	[tilespmem:$0x8100] =	vst v63  }
0x2d3: {  	_ =	swait.ge [sflag:s3], $0x7D00  }
0x2d4: {  	[sflag:s3] =	ssyncset.done $0x0  }
0x2d5: {  	[sflag:s3] =	ssyncadd.s32 $0xFFFF8300  }
0x2d6: {  	_ =	sfence.sel $0x180000  }
0x2d7: {  	[bflag:$0x0] =	sbarrier.arrive $0xFFFF  }
0x2d8: {  	_ =	strace $0x90000047  }
0x2d9: {  	s0 =	stileid.u32;
	[bflag:$0x2] =	sbarrier.arrive $0xFFFF  }
0x2da: {  	p0 =	sne.s32 s0, $0x0;
	s0 =	rddreg [dreg:$0x1]  }
0x2db: {  	s0 =	sadd.s32 @!p0 $0x100000, s0  }
0x2dc: {  	[sflag:s0] =	ssyncadd.tile.s32 @!p0 $0x1;
	_ =	shalt  }
.Lfunc_end2:
_tile_overlayer_lowered:
.L_overlay_start_2:
0x2dd: {  	(tag) =	ssettag $0x2  }
0x2de: {  	s0 =	rddreg [dreg:$0x0];
	s2 =	stileid.u32  }
0x2df: {  	s1 =	rddreg [dreg:$0x1];
	p0 =	sne.s32 s2, $0x0  }
0x2e0: {  	s3 =	rddreg [dreg:$0x2];
	[bflag:$0x3] =	sbarrier.arrive $0xFFFF;
	s2 =	simm.s32 @!p0 $0x1C02  }
0x2e1: {  	[timem:s3], [sflag:s2] =	dma.local @!p0 [hbm:s0], s1  }
0x2e2: {  	s0 =	simm.s32 @!p0 $0x2  }
0x2e3: {  	_ =	swait.ge @!p0 [sflag:s0], s1  }
0x2e4: {  	s1 =	ssub.s32 @!p0 $0x0, s1;
	[sflag:s0] =	ssyncset.done @!p0 $0x0  }
0x2e5: {  	[sflag:s0] =	ssyncadd.s32 @!p0 s1  }
0x2e6: {  	[bflag:$0x3] =	sbarrier.arrive $0xFFFF  }
0x2e7: {  	_ =	shalt  }

</sc_bundles>
